<compile_context>
chip_gen: v7x
topology: tpu7x:2x2x1
jax: 0.10.2.dev20260603
libtpu: 0.0.44.dev20260713+nightly
codegen_flags: <defaults>
</compile_context>

<pallas_src>
import functools

import jax
import jax.numpy as jnp
from jax import lax
from jax.experimental import pallas as pl
from jax.experimental.pallas import tpu as pltpu
from jax.experimental.pallas import tpu_sc as plsc

NC = 2
NS = 16
L = 16
K = 80


def _matmul_tc(fea, weight):
    n, d_in = fea.shape
    d_out = weight.shape[1]
    dh = d_out // NC
    bn = 1000
    assert n % bn == 0 and d_out % NC == 0

    def body(x_ref, w_ref, o_ref):
        r = jnp.dot(x_ref[...], w_ref[...], preferred_element_type=jnp.float32)
        for c in range(NC):
            o_ref[c, :, :] = r[:, c * dh:(c + 1) * dh]

    return pl.pallas_call(
        body,
        grid=(n // bn,),
        in_specs=[pl.BlockSpec((bn, d_in), lambda i: (i, 0)),
                  pl.BlockSpec((d_in, d_out), lambda i: (0, 0))],
        out_specs=pl.BlockSpec((NC, bn, dh), lambda i: (0, i, 0)),
        out_shape=jax.ShapeDtypeStruct((NC, n, dh), jnp.float32),
    )(fea, weight)


def _spmm_sc(rows3, cols3, vals3, support2, init_tile):
    _, n, dh = support2.shape
    ns, nch, k = rows3.shape
    zb = (n // NS) // 8 * 8
    tail = n - NS * zb
    fullg = k // L
    assert ns == NS and k == K and nch % 2 == 0 and k % L == 0
    assert dh % L == 0 and tail % 8 == 0 and 0 < tail <= zb

    mesh = plsc.VectorSubcoreMesh(core_axis_name="c", subcore_axis_name="s")

    @functools.partial(
        pl.kernel,
        out_type=jax.ShapeDtypeStruct((NC, n, dh), jnp.float32),
        mesh=mesh,
        scratch_types=[
            pltpu.VMEM((nch, k), jnp.int32),
            pltpu.VMEM((nch, k), jnp.int32),
            pltpu.VMEM((nch, k), jnp.float32),
            pltpu.VMEM((k, dh), jnp.float32),
            pltpu.VMEM((k, dh), jnp.float32),
            pltpu.VMEM((k, dh), jnp.float32),
            pltpu.VMEM((k, dh), jnp.float32),
            pltpu.VMEM_SHARED((n, dh), jnp.float32),
            pltpu.SemaphoreType.DMA,
            pltpu.SemaphoreType.DMA,
            pltpu.SemaphoreType.DMA,
            pltpu.SemaphoreType.DMA,
        ],
        compiler_params=pltpu.CompilerParams(use_tc_tiling_on_sc=False),
    )
    def spmm(rows_hbm, cols_hbm, vals_hbm, support_hbm, init_hbm, out_hbm,
             rowv, colv, valv, gat0, gat1, sct0, sct1, partial,
             gsem0, gsem1, ssem0, ssem1):
        c = lax.axis_index("c")
        s = lax.axis_index("s")
        gats, scts = (gat0, gat1), (sct0, sct1)
        gsems, ssems = (gsem0, gsem1), (ssem0, ssem1)

        cp_c = pltpu.async_copy(cols_hbm.at[s], colv, gsem0)
        cp_v = pltpu.async_copy(vals_hbm.at[s], valv, gsem1)
        cp_r = pltpu.async_copy(rows_hbm.at[s], rowv, ssem0)
        cp_z = pltpu.async_copy(init_hbm.at[c, pl.ds(0, zb)],
                                partial.at[pl.ds(s * zb, zb)], ssem1)
        cp_c.wait()

        dnums = lax.GatherDimensionNumbers(
            offset_dims=(), collapsed_slice_dims=(0,), start_index_map=(0,))

        def scale(i, src, dst):
            def group(g, carry):
                base16 = g * L
                vvec = valv[i, pl.ds(base16, L)]
                for ei in range(L):
                    vs = lax.gather(
                        vvec, jnp.full((L, 1), ei, jnp.int32), dnums,
                        slice_sizes=(1,),
                        mode=lax.GatherScatterMode.PROMISE_IN_BOUNDS)
                    row = base16 + ei
                    for j in range(dh // L):
                        dst[row, pl.ds(j * L, L)] = (
                            src[row, pl.ds(j * L, L)] * vs)
                return carry

            plsc.parallel_loop(0, fullg, 1, unroll=2,
                               carry=jnp.int32(0))(group)

        for b in range(2):
            pltpu.async_copy(support_hbm.at[c].at[colv.at[b]],
                             gats[b], gsems[b])
        cp_v.wait()
        cp_r.wait()
        cp_z.wait()

        @pl.when(s == NS - 1)
        def _init_tail():
            pltpu.sync_copy(init_hbm.at[c, pl.ds(0, tail)],
                            partial.at[pl.ds(NS * zb, tail)])

        plsc.subcore_barrier()

        def body(p, carry):
            for b in range(2):
                i = 2 * p + b
                pltpu.make_async_copy(
                    support_hbm.at[c].at[colv.at[i]], gats[b],
                    gsems[b]).wait()

                @pl.when(i >= 2)
                def _wait_prev_scatter():
                    pltpu.make_async_copy(
                        scts[b], partial.at[rowv.at[i - 2]], ssems[b]).wait()

                scale(i, gats[b], scts[b])

                @pl.when(i + 2 < nch)
                def _start_next_gather():
                    pltpu.async_copy(
                        support_hbm.at[c].at[colv.at[i + 2]],
                        gats[b], gsems[b])

                pltpu.async_copy(
                    scts[b], partial.at[rowv.at[i]], ssems[b], add=True)
            return carry

        lax.fori_loop(0, nch // 2, body, 0)
        for b in range(2):
            pltpu.make_async_copy(
                scts[b], partial.at[rowv.at[nch - 2 + b]], ssems[b]).wait()

        plsc.subcore_barrier()
        pltpu.sync_copy(partial.at[pl.ds(s * zb, zb)],
                        out_hbm.at[c, pl.ds(s * zb, zb)])

        @pl.when(s == NS - 1)
        def _copy_tail():
            pltpu.sync_copy(partial.at[pl.ds(NS * zb, tail)],
                            out_hbm.at[c, pl.ds(NS * zb, tail)])

    return spmm(rows3, cols3, vals3, support2, init_tile)


def kernel(adjacency_indices, adjacency_values, fea_input, weight, bias):
    n = fea_input.shape[0]
    e = adjacency_values.shape[0]
    rows = adjacency_indices[0].astype(jnp.int32)
    cols = adjacency_indices[1].astype(jnp.int32)
    vals = adjacency_values.astype(jnp.float32)

    nch = -(-e // (NS * K))
    nch += nch % 2
    e_pad = NS * nch * K
    pad = e_pad - e
    if pad:
        rows = jnp.concatenate([rows, jnp.zeros((pad,), jnp.int32)])
        cols = jnp.concatenate([cols, jnp.zeros((pad,), jnp.int32)])
        vals = jnp.concatenate([vals, jnp.zeros((pad,), jnp.float32)])
    rows3 = rows.reshape(NS, nch, K)
    cols3 = cols.reshape(NS, nch, K)
    vals3 = vals.reshape(NS, nch, K)

    support2 = _matmul_tc(fea_input, weight)
    d_out = weight.shape[1]
    zb = n // NS // 8 * 8
    init_tile = jnp.broadcast_to(
        bias.astype(jnp.float32).reshape(NC, 1, d_out // NC),
        (NC, zb, d_out // NC))
    partials = _spmm_sc(rows3, cols3, vals3, support2, init_tile)
    return jnp.swapaxes(partials, 0, 1).reshape(n, d_out)

# --- scband reference (transcript-rebuilt; emitter-appended) ---
"""Pipeline reference for scband-graph-conv-23716809409087 (READ-ONLY COPY).

The authoritative reference and input builder live on the scoring server;
editing this copy changes nothing except your own understanding.
"""

import jax, jax.numpy as jnp
import numpy as np

N = 10000
E = 320000
D_IN = 128
D_OUT = 128


def setup_inputs(seed: int = 0) -> dict:
    key = jax.random.key(seed)
    k1, k2, k3, k4 = jax.random.split(key, 4)
    adjacency_indices = jax.random.randint(k1, (2, E), 0, N).astype(jnp.int64)
    adjacency_values = jax.random.uniform(k2, (E,), dtype=jnp.float32)
    fea_input = jax.random.normal(k3, (N, D_IN), dtype=jnp.float32)
    # kaiming_uniform_ on weight [D_IN, D_OUT]
    bound = float(np.sqrt(6.0 / D_IN))
    weight = jax.random.uniform(k4, (D_IN, D_OUT), dtype=jnp.float32, minval=-bound, maxval=bound)
    bias = jnp.zeros((D_OUT,), dtype=jnp.float32)
    return {
        'adjacency_indices': adjacency_indices,
        'adjacency_values': adjacency_values,
        'fea_input': fea_input,
        'weight': weight,
        'bias': bias,
    }


def reference(adjacency_indices, adjacency_values, fea_input, weight, bias):
    # support = fea_input @ W
    support = jnp.dot(fea_input, weight)
    # output = sparse_adjacency @ support  (COO spmm: gather cols, scale, scatter-add to rows)
    rows = adjacency_indices[0]
    cols = adjacency_indices[1]
    gathered = jnp.take(support, cols, axis=0) * adjacency_values[:, None]
    output = jax.ops.segment_sum(gathered, rows, num_segments=N)
    output = output + bias
    return output

if __name__ == "__main__":
    import jax
    _d = setup_inputs()
    print(jax.jit(kernel)(*tuple(_d.values())))

</pallas_src>

<mosaic_0001>
#map = affine_map<(d0, d1) -> (0, 0, 0)>
module attributes {stable_mosaic.version = 14 : i64} {
  func.func @spmm(%arg0: i32, %arg1: i32, %arg2: memref<16x250x80xi32, #tpu.memory_space<hbm>>, %arg3: memref<16x250x80xi32, #tpu.memory_space<hbm>>, %arg4: memref<16x250x80xf32, #tpu.memory_space<hbm>>, %arg5: memref<2x10000x64xf32, #tpu.memory_space<hbm>>, %arg6: memref<2x624x64xf32, #tpu.memory_space<hbm>>, %arg7: memref<2x10000x64xf32, #tpu.memory_space<hbm>>, %arg8: memref<250x80xi32, #tpu.memory_space<vmem>>, %arg9: memref<250x80xi32, #tpu.memory_space<vmem>>, %arg10: memref<250x80xf32, #tpu.memory_space<vmem>>, %arg11: memref<80x64xf32, #tpu.memory_space<vmem>>, %arg12: memref<80x64xf32, #tpu.memory_space<vmem>>, %arg13: memref<80x64xf32, #tpu.memory_space<vmem>>, %arg14: memref<80x64xf32, #tpu.memory_space<vmem>>, %arg15: memref<10000x64xf32, #tpu.memory_space<vmem_shared>>, %arg16: memref<!tpu.dma_semaphore, #tpu.memory_space<semaphore_mem>>, %arg17: memref<!tpu.dma_semaphore, #tpu.memory_space<semaphore_mem>>, %arg18: memref<!tpu.dma_semaphore, #tpu.memory_space<semaphore_mem>>, %arg19: memref<!tpu.dma_semaphore, #tpu.memory_space<semaphore_mem>>) attributes {dimension_semantics = [#tpu.dimension_semantics<core_parallel>, #tpu.dimension_semantics<subcore_parallel>], iteration_bounds = array<i64: 2, 16>, scalar_prefetch = 0 : i64, scratch_operands = 12 : i64, tpu.core_type = #tpu.core_type<sc_vector_subcore>, window_params = [{transform_indices = #map}, {transform_indices = #map}, {transform_indices = #map}, {transform_indices = #map}, {transform_indices = #map}, {transform_indices = #map}]} {
    %dma_start3A = arith.constant 0 : i32
    %dma_start3A_0 = arith.constant 0 : i32
    %dma_start3A_1 = tpu.memref_slice %arg3[%arg1, %dma_start3A, %dma_start3A_0] : memref<16x250x80xi32, #tpu.memory_space<hbm>> -> memref<1x250x80xi32, #tpu.memory_space<hbm>>
    %dma_start3A_2 = tpu.memref_squeeze %dma_start3A_1 : memref<1x250x80xi32, #tpu.memory_space<hbm>> -> memref<250x80xi32, #tpu.memory_space<hbm>>
    %dma_start3A_3 = arith.constant 0 : i32
    %dma_start3A_4 = arith.constant 0 : i32
    %dma_start3A_5 = tpu.memref_slice %arg3[%arg1, %dma_start3A_3, %dma_start3A_4] : memref<16x250x80xi32, #tpu.memory_space<hbm>> -> memref<1x250x80xi32, #tpu.memory_space<hbm>>
    %dma_start3A_6 = tpu.memref_squeeze %dma_start3A_5 : memref<1x250x80xi32, #tpu.memory_space<hbm>> -> memref<250x80xi32, #tpu.memory_space<hbm>>
    tpu.enqueue_dma source(%dma_start3A_6 : memref<250x80xi32, #tpu.memory_space<hbm>>) target(%arg9 : memref<250x80xi32, #tpu.memory_space<vmem>>) target_semaphore(%arg16 : memref<!tpu.dma_semaphore, #tpu.memory_space<semaphore_mem>>)
    %dma_start3A_7 = arith.constant 0 : i32
    %dma_start3A_8 = arith.constant 0 : i32
    %dma_start3A_9 = tpu.memref_slice %arg4[%arg1, %dma_start3A_7, %dma_start3A_8] : memref<16x250x80xf32, #tpu.memory_space<hbm>> -> memref<1x250x80xf32, #tpu.memory_space<hbm>>
    %dma_start3A_10 = tpu.memref_squeeze %dma_start3A_9 : memref<1x250x80xf32, #tpu.memory_space<hbm>> -> memref<250x80xf32, #tpu.memory_space<hbm>>
    %dma_start3A_11 = arith.constant 0 : i32
    %dma_start3A_12 = arith.constant 0 : i32
    %dma_start3A_13 = tpu.memref_slice %arg4[%arg1, %dma_start3A_11, %dma_start3A_12] : memref<16x250x80xf32, #tpu.memory_space<hbm>> -> memref<1x250x80xf32, #tpu.memory_space<hbm>>
    %dma_start3A_14 = tpu.memref_squeeze %dma_start3A_13 : memref<1x250x80xf32, #tpu.memory_space<hbm>> -> memref<250x80xf32, #tpu.memory_space<hbm>>
    tpu.enqueue_dma source(%dma_start3A_14 : memref<250x80xf32, #tpu.memory_space<hbm>>) target(%arg10 : memref<250x80xf32, #tpu.memory_space<vmem>>) target_semaphore(%arg17 : memref<!tpu.dma_semaphore, #tpu.memory_space<semaphore_mem>>)
    %dma_start3A_15 = arith.constant 0 : i32
    %dma_start3A_16 = arith.constant 0 : i32
    %dma_start3A_17 = tpu.memref_slice %arg2[%arg1, %dma_start3A_15, %dma_start3A_16] : memref<16x250x80xi32, #tpu.memory_space<hbm>> -> memref<1x250x80xi32, #tpu.memory_space<hbm>>
    %dma_start3A_18 = tpu.memref_squeeze %dma_start3A_17 : memref<1x250x80xi32, #tpu.memory_space<hbm>> -> memref<250x80xi32, #tpu.memory_space<hbm>>
    %dma_start3A_19 = arith.constant 0 : i32
    %dma_start3A_20 = arith.constant 0 : i32
    %dma_start3A_21 = tpu.memref_slice %arg2[%arg1, %dma_start3A_19, %dma_start3A_20] : memref<16x250x80xi32, #tpu.memory_space<hbm>> -> memref<1x250x80xi32, #tpu.memory_space<hbm>>
    %dma_start3A_22 = tpu.memref_squeeze %dma_start3A_21 : memref<1x250x80xi32, #tpu.memory_space<hbm>> -> memref<250x80xi32, #tpu.memory_space<hbm>>
    tpu.enqueue_dma source(%dma_start3A_22 : memref<250x80xi32, #tpu.memory_space<hbm>>) target(%arg8 : memref<250x80xi32, #tpu.memory_space<vmem>>) target_semaphore(%arg18 : memref<!tpu.dma_semaphore, #tpu.memory_space<semaphore_mem>>)
    %mul3A = arith.constant 624 : i32
    %mul3A_23 = arith.muli %arg1, %mul3A : i32
    %dma_start3A_24 = arith.constant 0 : i32
    %dma_start3A_25 = tpu.memref_slice %arg15[%mul3A_23, %dma_start3A_24] : memref<10000x64xf32, #tpu.memory_space<vmem_shared>> -> memref<624x64xf32, #tpu.memory_space<vmem_shared>>
    %dma_start3A_26 = arith.constant 0 : i32
    %dma_start3A_27 = arith.constant 0 : i32
    %dma_start3A_28 = tpu.memref_slice %arg6[%arg0, %dma_start3A_26, %dma_start3A_27] : memref<2x624x64xf32, #tpu.memory_space<hbm>> -> memref<1x624x64xf32, #tpu.memory_space<hbm>>
    %dma_start3A_29 = tpu.memref_squeeze %dma_start3A_28 : memref<1x624x64xf32, #tpu.memory_space<hbm>> -> memref<624x64xf32, #tpu.memory_space<hbm>>
    tpu.enqueue_dma source(%dma_start3A_29 : memref<624x64xf32, #tpu.memory_space<hbm>>) target(%dma_start3A_25 : memref<624x64xf32, #tpu.memory_space<vmem_shared>>) target_semaphore(%arg19 : memref<!tpu.dma_semaphore, #tpu.memory_space<semaphore_mem>>)
    %dma_wait3A = arith.constant 0 : i32
    %dma_wait3A_30 = arith.constant 0 : i32
    %dma_wait3A_31 = tpu.memref_slice %arg3[%arg1, %dma_wait3A, %dma_wait3A_30] : memref<16x250x80xi32, #tpu.memory_space<hbm>> -> memref<1x250x80xi32, #tpu.memory_space<hbm>>
    %dma_wait3A_32 = tpu.memref_squeeze %dma_wait3A_31 : memref<1x250x80xi32, #tpu.memory_space<hbm>> -> memref<250x80xi32, #tpu.memory_space<hbm>>
    %dma_wait3A_33 = arith.constant 0 : i32
    %dma_wait3A_34 = arith.constant 0 : i32
    %dma_wait3A_35 = tpu.memref_slice %arg3[%arg1, %dma_wait3A_33, %dma_wait3A_34] : memref<16x250x80xi32, #tpu.memory_space<hbm>> -> memref<1x250x80xi32, #tpu.memory_space<hbm>>
    %dma_wait3A_36 = tpu.memref_squeeze %dma_wait3A_35 : memref<1x250x80xi32, #tpu.memory_space<hbm>> -> memref<250x80xi32, #tpu.memory_space<hbm>>
    tpu.wait_dma2 semaphore(%arg16 : memref<!tpu.dma_semaphore, #tpu.memory_space<semaphore_mem>>) src(%dma_wait3A_36 : memref<250x80xi32, #tpu.memory_space<hbm>>) dst(%arg9 : memref<250x80xi32, #tpu.memory_space<vmem>>)
    %dma_start3A_37 = arith.constant 0 : i32
    %dma_start3A_38 = arith.constant 0 : i32
    %dma_start3A_39 = tpu.memref_slice %arg9[%dma_start3A_37, %dma_start3A_38] : memref<250x80xi32, #tpu.memory_space<vmem>> -> memref<1x80xi32, #tpu.memory_space<vmem>>
    %dma_start3A_40 = tpu.memref_squeeze %dma_start3A_39 : memref<1x80xi32, #tpu.memory_space<vmem>> -> memref<80xi32, #tpu.memory_space<vmem>>
    %dma_start3A_41 = arith.constant 0 : i32
    %dma_start3A_42 = arith.constant 0 : i32
    %dma_start3A_43 = tpu.memref_slice %arg5[%arg0, %dma_start3A_41, %dma_start3A_42] : memref<2x10000x64xf32, #tpu.memory_space<hbm>> -> memref<1x10000x64xf32, #tpu.memory_space<hbm>>
    %dma_start3A_44 = tpu.memref_squeeze %dma_start3A_43 : memref<1x10000x64xf32, #tpu.memory_space<hbm>> -> memref<10000x64xf32, #tpu.memory_space<hbm>>
    %dma_start3A_45 = arith.constant 0 : i32
    %dma_start3A_46 = arith.constant 0 : i32
    %dma_start3A_47 = tpu.memref_slice %dma_start3A_44[%dma_start3A_45, %dma_start3A_46] : memref<10000x64xf32, #tpu.memory_space<hbm>> -> memref<10000x64xf32, #tpu.memory_space<hbm>>
    tpu.enqueue_indirect_dma source(%dma_start3A_47 : memref<10000x64xf32, #tpu.memory_space<hbm>>) target(%arg11 : memref<80x64xf32, #tpu.memory_space<vmem>>) offsets(%dma_start3A_40 : memref<80xi32, #tpu.memory_space<vmem>>) semaphore(%arg16 : memref<!tpu.dma_semaphore, #tpu.memory_space<semaphore_mem>>)
    %dma_start3A_48 = arith.constant 1 : i32
    %dma_start3A_49 = arith.constant 0 : i32
    %dma_start3A_50 = tpu.memref_slice %arg9[%dma_start3A_48, %dma_start3A_49] : memref<250x80xi32, #tpu.memory_space<vmem>> -> memref<1x80xi32, #tpu.memory_space<vmem>>
    %dma_start3A_51 = tpu.memref_squeeze %dma_start3A_50 : memref<1x80xi32, #tpu.memory_space<vmem>> -> memref<80xi32, #tpu.memory_space<vmem>>
    %dma_start3A_52 = arith.constant 0 : i32
    %dma_start3A_53 = arith.constant 0 : i32
    %dma_start3A_54 = tpu.memref_slice %arg5[%arg0, %dma_start3A_52, %dma_start3A_53] : memref<2x10000x64xf32, #tpu.memory_space<hbm>> -> memref<1x10000x64xf32, #tpu.memory_space<hbm>>
    %dma_start3A_55 = tpu.memref_squeeze %dma_start3A_54 : memref<1x10000x64xf32, #tpu.memory_space<hbm>> -> memref<10000x64xf32, #tpu.memory_space<hbm>>
    %dma_start3A_56 = arith.constant 0 : i32
    %dma_start3A_57 = arith.constant 0 : i32
    %dma_start3A_58 = tpu.memref_slice %dma_start3A_55[%dma_start3A_56, %dma_start3A_57] : memref<10000x64xf32, #tpu.memory_space<hbm>> -> memref<10000x64xf32, #tpu.memory_space<hbm>>
    tpu.enqueue_indirect_dma source(%dma_start3A_58 : memref<10000x64xf32, #tpu.memory_space<hbm>>) target(%arg12 : memref<80x64xf32, #tpu.memory_space<vmem>>) offsets(%dma_start3A_51 : memref<80xi32, #tpu.memory_space<vmem>>) semaphore(%arg17 : memref<!tpu.dma_semaphore, #tpu.memory_space<semaphore_mem>>)
    %dma_wait3A_59 = arith.constant 0 : i32
    %dma_wait3A_60 = arith.constant 0 : i32
    %dma_wait3A_61 = tpu.memref_slice %arg4[%arg1, %dma_wait3A_59, %dma_wait3A_60] : memref<16x250x80xf32, #tpu.memory_space<hbm>> -> memref<1x250x80xf32, #tpu.memory_space<hbm>>
    %dma_wait3A_62 = tpu.memref_squeeze %dma_wait3A_61 : memref<1x250x80xf32, #tpu.memory_space<hbm>> -> memref<250x80xf32, #tpu.memory_space<hbm>>
    %dma_wait3A_63 = arith.constant 0 : i32
    %dma_wait3A_64 = arith.constant 0 : i32
    %dma_wait3A_65 = tpu.memref_slice %arg4[%arg1, %dma_wait3A_63, %dma_wait3A_64] : memref<16x250x80xf32, #tpu.memory_space<hbm>> -> memref<1x250x80xf32, #tpu.memory_space<hbm>>
    %dma_wait3A_66 = tpu.memref_squeeze %dma_wait3A_65 : memref<1x250x80xf32, #tpu.memory_space<hbm>> -> memref<250x80xf32, #tpu.memory_space<hbm>>
    tpu.wait_dma2 semaphore(%arg17 : memref<!tpu.dma_semaphore, #tpu.memory_space<semaphore_mem>>) src(%dma_wait3A_66 : memref<250x80xf32, #tpu.memory_space<hbm>>) dst(%arg10 : memref<250x80xf32, #tpu.memory_space<vmem>>)
    %dma_wait3A_67 = arith.constant 0 : i32
    %dma_wait3A_68 = arith.constant 0 : i32
    %dma_wait3A_69 = tpu.memref_slice %arg2[%arg1, %dma_wait3A_67, %dma_wait3A_68] : memref<16x250x80xi32, #tpu.memory_space<hbm>> -> memref<1x250x80xi32, #tpu.memory_space<hbm>>
    %dma_wait3A_70 = tpu.memref_squeeze %dma_wait3A_69 : memref<1x250x80xi32, #tpu.memory_space<hbm>> -> memref<250x80xi32, #tpu.memory_space<hbm>>
    %dma_wait3A_71 = arith.constant 0 : i32
    %dma_wait3A_72 = arith.constant 0 : i32
    %dma_wait3A_73 = tpu.memref_slice %arg2[%arg1, %dma_wait3A_71, %dma_wait3A_72] : memref<16x250x80xi32, #tpu.memory_space<hbm>> -> memref<1x250x80xi32, #tpu.memory_space<hbm>>
    %dma_wait3A_74 = tpu.memref_squeeze %dma_wait3A_73 : memref<1x250x80xi32, #tpu.memory_space<hbm>> -> memref<250x80xi32, #tpu.memory_space<hbm>>
    tpu.wait_dma2 semaphore(%arg18 : memref<!tpu.dma_semaphore, #tpu.memory_space<semaphore_mem>>) src(%dma_wait3A_74 : memref<250x80xi32, #tpu.memory_space<hbm>>) dst(%arg8 : memref<250x80xi32, #tpu.memory_space<vmem>>)
    %dma_wait3A_75 = arith.constant 0 : i32
    %dma_wait3A_76 = tpu.memref_slice %arg15[%mul3A_23, %dma_wait3A_75] : memref<10000x64xf32, #tpu.memory_space<vmem_shared>> -> memref<624x64xf32, #tpu.memory_space<vmem_shared>>
    %dma_wait3A_77 = arith.constant 0 : i32
    %dma_wait3A_78 = arith.constant 0 : i32
    %dma_wait3A_79 = tpu.memref_slice %arg6[%arg0, %dma_wait3A_77, %dma_wait3A_78] : memref<2x624x64xf32, #tpu.memory_space<hbm>> -> memref<1x624x64xf32, #tpu.memory_space<hbm>>
    %dma_wait3A_80 = tpu.memref_squeeze %dma_wait3A_79 : memref<1x624x64xf32, #tpu.memory_space<hbm>> -> memref<624x64xf32, #tpu.memory_space<hbm>>
    tpu.wait_dma2 semaphore(%arg19 : memref<!tpu.dma_semaphore, #tpu.memory_space<semaphore_mem>>) src(%dma_wait3A_80 : memref<624x64xf32, #tpu.memory_space<hbm>>) dst(%dma_wait3A_76 : memref<624x64xf32, #tpu.memory_space<vmem_shared>>)
    %eq3A = arith.constant 15 : i32
    %eq3A_81 = arith.cmpi eq, %arg1, %eq3A : i32
    %convert_element_type3A = arith.extui %eq3A_81 : i1 to i32
    %cond3A = arith.constant 0 : i32
    %cond3A_82 = arith.cmpi ne, %convert_element_type3A, %cond3A : i32
    scf.if %cond3A_82 {
      "tpu.region"() ({
        %run_scoped3A = tpu.sem_alloc : memref<!tpu.dma_semaphore, #tpu.memory_space<semaphore_mem>>
        %dma_start3A_112 = arith.constant 9984 : i32
        %dma_start3A_113 = arith.constant 0 : i32
        %dma_start3A_114 = tpu.memref_slice %arg15[%dma_start3A_112, %dma_start3A_113] : memref<10000x64xf32, #tpu.memory_space<vmem_shared>> -> memref<16x64xf32, #tpu.memory_space<vmem_shared>>
        %dma_start3A_115 = arith.constant 0 : i32
        %dma_start3A_116 = arith.constant 0 : i32
        %dma_start3A_117 = tpu.memref_slice %arg6[%arg0, %dma_start3A_115, %dma_start3A_116] : memref<2x624x64xf32, #tpu.memory_space<hbm>> -> memref<1x16x64xf32, #tpu.memory_space<hbm>>
        %dma_start3A_118 = tpu.memref_squeeze %dma_start3A_117 : memref<1x16x64xf32, #tpu.memory_space<hbm>> -> memref<16x64xf32, #tpu.memory_space<hbm>>
        tpu.enqueue_dma source(%dma_start3A_118 : memref<16x64xf32, #tpu.memory_space<hbm>>) target(%dma_start3A_114 : memref<16x64xf32, #tpu.memory_space<vmem_shared>>) target_semaphore(%run_scoped3A : memref<!tpu.dma_semaphore, #tpu.memory_space<semaphore_mem>>)
        %dma_wait3A_119 = arith.constant 9984 : i32
        %dma_wait3A_120 = arith.constant 0 : i32
        %dma_wait3A_121 = tpu.memref_slice %arg15[%dma_wait3A_119, %dma_wait3A_120] : memref<10000x64xf32, #tpu.memory_space<vmem_shared>> -> memref<16x64xf32, #tpu.memory_space<vmem_shared>>
        %dma_wait3A_122 = arith.constant 0 : i32
        %dma_wait3A_123 = arith.constant 0 : i32
        %dma_wait3A_124 = tpu.memref_slice %arg6[%arg0, %dma_wait3A_122, %dma_wait3A_123] : memref<2x624x64xf32, #tpu.memory_space<hbm>> -> memref<1x16x64xf32, #tpu.memory_space<hbm>>
        %dma_wait3A_125 = tpu.memref_squeeze %dma_wait3A_124 : memref<1x16x64xf32, #tpu.memory_space<hbm>> -> memref<16x64xf32, #tpu.memory_space<hbm>>
        tpu.wait_dma2 semaphore(%run_scoped3A : memref<!tpu.dma_semaphore, #tpu.memory_space<semaphore_mem>>) src(%dma_wait3A_125 : memref<16x64xf32, #tpu.memory_space<hbm>>) dst(%dma_wait3A_121 : memref<16x64xf32, #tpu.memory_space<vmem_shared>>)
        tpu.yield
      }) : () -> ()
    } else {
    }
    %barrier3A = arith.constant 0 : index
    tpu.barrier barrier_id(%barrier3A)
    %scan3A = arith.constant 0 : i32
    %scan3A_83 = arith.constant 0 : i32
    %scan3A_84 = arith.constant 125 : i32
    %scan3A_85 = arith.addi %scan3A_83, %scan3A_84 : i32
    %scan3A_86 = arith.constant 1 : i32
    scf.for %scan3A_112 = %scan3A_83 to %scan3A_85 step %scan3A_86  : i32 {
      %mul3A_113 = arith.constant 2 : i32
      %mul3A_114 = arith.muli %mul3A_113, %scan3A_112 : i32
      %add3A = arith.constant 0 : i32
      %add3A_115 = arith.addi %mul3A_114, %add3A : i32
      %dma_wait3A_116 = arith.constant 0 : i32
      %dma_wait3A_117 = tpu.memref_slice %arg9[%add3A_115, %dma_wait3A_116] : memref<250x80xi32, #tpu.memory_space<vmem>> -> memref<1x80xi32, #tpu.memory_space<vmem>>
      %dma_wait3A_118 = tpu.memref_squeeze %dma_wait3A_117 : memref<1x80xi32, #tpu.memory_space<vmem>> -> memref<80xi32, #tpu.memory_space<vmem>>
      %dma_wait3A_119 = arith.constant 0 : i32
      %dma_wait3A_120 = arith.constant 0 : i32
      %dma_wait3A_121 = tpu.memref_slice %arg5[%arg0, %dma_wait3A_119, %dma_wait3A_120] : memref<2x10000x64xf32, #tpu.memory_space<hbm>> -> memref<1x10000x64xf32, #tpu.memory_space<hbm>>
      %dma_wait3A_122 = tpu.memref_squeeze %dma_wait3A_121 : memref<1x10000x64xf32, #tpu.memory_space<hbm>> -> memref<10000x64xf32, #tpu.memory_space<hbm>>
      %dma_wait3A_123 = arith.constant 0 : i32
      %dma_wait3A_124 = arith.constant 0 : i32
      %dma_wait3A_125 = tpu.memref_slice %dma_wait3A_122[%dma_wait3A_123, %dma_wait3A_124] : memref<10000x64xf32, #tpu.memory_space<hbm>> -> memref<10000x64xf32, #tpu.memory_space<hbm>>
      tpu.wait_indirect_dma semaphore(%arg16 : memref<!tpu.dma_semaphore, #tpu.memory_space<semaphore_mem>>) src(%dma_wait3A_125 : memref<10000x64xf32, #tpu.memory_space<hbm>>) dst(%arg11 : memref<80x64xf32, #tpu.memory_space<vmem>>)
      %ge3A = arith.constant 2 : i32
      %ge3A_126 = arith.cmpi sge, %add3A_115, %ge3A : i32
      %convert_element_type3A_127 = arith.extui %ge3A_126 : i1 to i32
      %cond3A_128 = arith.constant 0 : i32
      %cond3A_129 = arith.cmpi ne, %convert_element_type3A_127, %cond3A_128 : i32
      scf.if %cond3A_129 {
        %sub3A = arith.constant 2 : i32
        %sub3A_183 = arith.subi %add3A_115, %sub3A : i32
        %dma_wait3A_184 = arith.constant 0 : i32
        %dma_wait3A_185 = tpu.memref_slice %arg8[%sub3A_183, %dma_wait3A_184] : memref<250x80xi32, #tpu.memory_space<vmem>> -> memref<1x80xi32, #tpu.memory_space<vmem>>
        %dma_wait3A_186 = tpu.memref_squeeze %dma_wait3A_185 : memref<1x80xi32, #tpu.memory_space<vmem>> -> memref<80xi32, #tpu.memory_space<vmem>>
        %dma_wait3A_187 = arith.constant 0 : i32
        %dma_wait3A_188 = arith.constant 0 : i32
        %dma_wait3A_189 = tpu.memref_slice %arg15[%dma_wait3A_187, %dma_wait3A_188] : memref<10000x64xf32, #tpu.memory_space<vmem_shared>> -> memref<10000x64xf32, #tpu.memory_space<vmem_shared>>
        tpu.wait_indirect_dma semaphore(%arg18 : memref<!tpu.dma_semaphore, #tpu.memory_space<semaphore_mem>>) src(%arg13 : memref<80x64xf32, #tpu.memory_space<vmem>>) dst(%dma_wait3A_189 : memref<10000x64xf32, #tpu.memory_space<vmem_shared>>)
      } else {
      }
      %parallel_loop3A = arith.constant 0 : i32
      %parallel_loop3A_130 = arith.constant 5 : i32
      %parallel_loop3A_131 = arith.constant 1 : i32
      %parallel_loop3A_132 = arith.constant 0 : i32
      %parallel_loop3A_133 = scf.for %parallel_loop3A_183 = %parallel_loop3A to %parallel_loop3A_130 step %parallel_loop3A_131 iter_args(%parallel_loop3A_184 = %parallel_loop3A_132) -> (i32)  : i32 {
        %parallel_loop3A_185 = arith.constant 16 : i32
        %parallel_loop3A_186 = arith.muli %parallel_loop3A_183, %parallel_loop3A_185 : i32
        %parallel_loop3A_187 = arith.index_cast %add3A_115 : i32 to index
        %parallel_loop3A_188 = arith.index_cast %parallel_loop3A_186 : i32 to index
        %parallel_loop3A_189 = tpu.vector_load %arg10[%parallel_loop3A_187, %parallel_loop3A_188] {strides = array<i32>} : memref<250x80xf32, #tpu.memory_space<vmem>>, vector<1x16xf32>,
        %parallel_loop3A_190 = vector.shape_cast %parallel_loop3A_189 : vector<1x16xf32> to vector<16xf32>
        %parallel_loop3A_191 = arith.constant 0 : i32
        %parallel_loop3A_192 = vector.broadcast %parallel_loop3A_191 : i32 to vector<16x1xi32>
        %parallel_loop3A_193 = vector.shape_cast %parallel_loop3A_192 : vector<16x1xi32> to vector<16xi32>
        %parallel_loop3A_194 = tpu.dynamic_gather %parallel_loop3A_190[%parallel_loop3A_193] in [0] : vector<16xf32>, vector<16xi32> -> vector<16xf32>
        %parallel_loop3A_195 = arith.constant 0 : i32
        %parallel_loop3A_196 = arith.addi %parallel_loop3A_186, %parallel_loop3A_195 : i32
        %parallel_loop3A_197 = arith.index_cast %parallel_loop3A_196 : i32 to index
        %parallel_loop3A_198 = arith.constant 0 : index
        %parallel_loop3A_199 = tpu.vector_load %arg11[%parallel_loop3A_197, %parallel_loop3A_198] {strides = array<i32>} : memref<80x64xf32, #tpu.memory_space<vmem>>, vector<1x16xf32>,
        %parallel_loop3A_200 = vector.shape_cast %parallel_loop3A_199 : vector<1x16xf32> to vector<16xf32>
        %parallel_loop3A_201 = arith.mulf %parallel_loop3A_200, %parallel_loop3A_194 : vector<16xf32>
        %parallel_loop3A_202 = arith.index_cast %parallel_loop3A_196 : i32 to index
        %parallel_loop3A_203 = arith.constant 0 : index
        %parallel_loop3A_204 = tpu.vector_load %arg13[%parallel_loop3A_202, %parallel_loop3A_203] {strides = array<i32>} : memref<80x64xf32, #tpu.memory_space<vmem>>, vector<1x16xf32>,
        %parallel_loop3A_205 = vector.shape_cast %parallel_loop3A_204 : vector<1x16xf32> to vector<16xf32>
        %parallel_loop3A_206 = vector.shape_cast %parallel_loop3A_201 : vector<16xf32> to vector<1x16xf32>
        tpu.vector_store %arg13[%parallel_loop3A_202, %parallel_loop3A_203], %parallel_loop3A_206 {strides = array<i32>} : memref<80x64xf32, #tpu.memory_space<vmem>>, vector<1x16xf32>,
        %parallel_loop3A_207 = arith.index_cast %parallel_loop3A_196 : i32 to index
        %parallel_loop3A_208 = arith.constant 16 : index
        %parallel_loop3A_209 = tpu.vector_load %arg11[%parallel_loop3A_207, %parallel_loop3A_208] {strides = array<i32>} : memref<80x64xf32, #tpu.memory_space<vmem>>, vector<1x16xf32>,
        %parallel_loop3A_210 = vector.shape_cast %parallel_loop3A_209 : vector<1x16xf32> to vector<16xf32>
        %parallel_loop3A_211 = arith.mulf %parallel_loop3A_210, %parallel_loop3A_194 : vector<16xf32>
        %parallel_loop3A_212 = arith.index_cast %parallel_loop3A_196 : i32 to index
        %parallel_loop3A_213 = arith.constant 16 : index
        %parallel_loop3A_214 = tpu.vector_load %arg13[%parallel_loop3A_212, %parallel_loop3A_213] {strides = array<i32>} : memref<80x64xf32, #tpu.memory_space<vmem>>, vector<1x16xf32>,
        %parallel_loop3A_215 = vector.shape_cast %parallel_loop3A_214 : vector<1x16xf32> to vector<16xf32>
        %parallel_loop3A_216 = vector.shape_cast %parallel_loop3A_211 : vector<16xf32> to vector<1x16xf32>
        tpu.vector_store %arg13[%parallel_loop3A_212, %parallel_loop3A_213], %parallel_loop3A_216 {strides = array<i32>} : memref<80x64xf32, #tpu.memory_space<vmem>>, vector<1x16xf32>,
        %parallel_loop3A_217 = arith.index_cast %parallel_loop3A_196 : i32 to index
        %parallel_loop3A_218 = arith.constant 32 : index
        %parallel_loop3A_219 = tpu.vector_load %arg11[%parallel_loop3A_217, %parallel_loop3A_218] {strides = array<i32>} : memref<80x64xf32, #tpu.memory_space<vmem>>, vector<1x16xf32>,
        %parallel_loop3A_220 = vector.shape_cast %parallel_loop3A_219 : vector<1x16xf32> to vector<16xf32>
        %parallel_loop3A_221 = arith.mulf %parallel_loop3A_220, %parallel_loop3A_194 : vector<16xf32>
        %parallel_loop3A_222 = arith.index_cast %parallel_loop3A_196 : i32 to index
        %parallel_loop3A_223 = arith.constant 32 : index
        %parallel_loop3A_224 = tpu.vector_load %arg13[%parallel_loop3A_222, %parallel_loop3A_223] {strides = array<i32>} : memref<80x64xf32, #tpu.memory_space<vmem>>, vector<1x16xf32>,
        %parallel_loop3A_225 = vector.shape_cast %parallel_loop3A_224 : vector<1x16xf32> to vector<16xf32>
        %parallel_loop3A_226 = vector.shape_cast %parallel_loop3A_221 : vector<16xf32> to vector<1x16xf32>
        tpu.vector_store %arg13[%parallel_loop3A_222, %parallel_loop3A_223], %parallel_loop3A_226 {strides = array<i32>} : memref<80x64xf32, #tpu.memory_space<vmem>>, vector<1x16xf32>,
        %parallel_loop3A_227 = arith.index_cast %parallel_loop3A_196 : i32 to index
        %parallel_loop3A_228 = arith.constant 48 : index
        %parallel_loop3A_229 = tpu.vector_load %arg11[%parallel_loop3A_227, %parallel_loop3A_228] {strides = array<i32>} : memref<80x64xf32, #tpu.memory_space<vmem>>, vector<1x16xf32>,
        %parallel_loop3A_230 = vector.shape_cast %parallel_loop3A_229 : vector<1x16xf32> to vector<16xf32>
        %parallel_loop3A_231 = arith.mulf %parallel_loop3A_230, %parallel_loop3A_194 : vector<16xf32>
        %parallel_loop3A_232 = arith.index_cast %parallel_loop3A_196 : i32 to index
        %parallel_loop3A_233 = arith.constant 48 : index
        %parallel_loop3A_234 = tpu.vector_load %arg13[%parallel_loop3A_232, %parallel_loop3A_233] {strides = array<i32>} : memref<80x64xf32, #tpu.memory_space<vmem>>, vector<1x16xf32>,
        %parallel_loop3A_235 = vector.shape_cast %parallel_loop3A_234 : vector<1x16xf32> to vector<16xf32>
        %parallel_loop3A_236 = vector.shape_cast %parallel_loop3A_231 : vector<16xf32> to vector<1x16xf32>
        tpu.vector_store %arg13[%parallel_loop3A_232, %parallel_loop3A_233], %parallel_loop3A_236 {strides = array<i32>} : memref<80x64xf32, #tpu.memory_space<vmem>>, vector<1x16xf32>,
        %parallel_loop3A_237 = arith.constant 1 : i32
        %parallel_loop3A_238 = vector.broadcast %parallel_loop3A_237 : i32 to vector<16x1xi32>
        %parallel_loop3A_239 = vector.shape_cast %parallel_loop3A_238 : vector<16x1xi32> to vector<16xi32>
        %parallel_loop3A_240 = tpu.dynamic_gather %parallel_loop3A_190[%parallel_loop3A_239] in [0] : vector<16xf32>, vector<16xi32> -> vector<16xf32>
        %parallel_loop3A_241 = arith.constant 1 : i32
        %parallel_loop3A_242 = arith.addi %parallel_loop3A_186, %parallel_loop3A_241 : i32
        %parallel_loop3A_243 = arith.index_cast %parallel_loop3A_242 : i32 to index
        %parallel_loop3A_244 = arith.constant 0 : index
        %parallel_loop3A_245 = tpu.vector_load %arg11[%parallel_loop3A_243, %parallel_loop3A_244] {strides = array<i32>} : memref<80x64xf32, #tpu.memory_space<vmem>>, vector<1x16xf32>,
        %parallel_loop3A_246 = vector.shape_cast %parallel_loop3A_245 : vector<1x16xf32> to vector<16xf32>
        %parallel_loop3A_247 = arith.mulf %parallel_loop3A_246, %parallel_loop3A_240 : vector<16xf32>
        %parallel_loop3A_248 = arith.index_cast %parallel_loop3A_242 : i32 to index
        %parallel_loop3A_249 = arith.constant 0 : index
        %parallel_loop3A_250 = tpu.vector_load %arg13[%parallel_loop3A_248, %parallel_loop3A_249] {strides = array<i32>} : memref<80x64xf32, #tpu.memory_space<vmem>>, vector<1x16xf32>,
        %parallel_loop3A_251 = vector.shape_cast %parallel_loop3A_250 : vector<1x16xf32> to vector<16xf32>
        %parallel_loop3A_252 = vector.shape_cast %parallel_loop3A_247 : vector<16xf32> to vector<1x16xf32>
        tpu.vector_store %arg13[%parallel_loop3A_248, %parallel_loop3A_249], %parallel_loop3A_252 {strides = array<i32>} : memref<80x64xf32, #tpu.memory_space<vmem>>, vector<1x16xf32>,
        %parallel_loop3A_253 = arith.index_cast %parallel_loop3A_242 : i32 to index
        %parallel_loop3A_254 = arith.constant 16 : index
        %parallel_loop3A_255 = tpu.vector_load %arg11[%parallel_loop3A_253, %parallel_loop3A_254] {strides = array<i32>} : memref<80x64xf32, #tpu.memory_space<vmem>>, vector<1x16xf32>,
        %parallel_loop3A_256 = vector.shape_cast %parallel_loop3A_255 : vector<1x16xf32> to vector<16xf32>
        %parallel_loop3A_257 = arith.mulf %parallel_loop3A_256, %parallel_loop3A_240 : vector<16xf32>
        %parallel_loop3A_258 = arith.index_cast %parallel_loop3A_242 : i32 to index
        %parallel_loop3A_259 = arith.constant 16 : index
        %parallel_loop3A_260 = tpu.vector_load %arg13[%parallel_loop3A_258, %parallel_loop3A_259] {strides = array<i32>} : memref<80x64xf32, #tpu.memory_space<vmem>>, vector<1x16xf32>,
        %parallel_loop3A_261 = vector.shape_cast %parallel_loop3A_260 : vector<1x16xf32> to vector<16xf32>
        %parallel_loop3A_262 = vector.shape_cast %parallel_loop3A_257 : vector<16xf32> to vector<1x16xf32>
        tpu.vector_store %arg13[%parallel_loop3A_258, %parallel_loop3A_259], %parallel_loop3A_262 {strides = array<i32>} : memref<80x64xf32, #tpu.memory_space<vmem>>, vector<1x16xf32>,
        %parallel_loop3A_263 = arith.index_cast %parallel_loop3A_242 : i32 to index
        %parallel_loop3A_264 = arith.constant 32 : index
        %parallel_loop3A_265 = tpu.vector_load %arg11[%parallel_loop3A_263, %parallel_loop3A_264] {strides = array<i32>} : memref<80x64xf32, #tpu.memory_space<vmem>>, vector<1x16xf32>,
        %parallel_loop3A_266 = vector.shape_cast %parallel_loop3A_265 : vector<1x16xf32> to vector<16xf32>
        %parallel_loop3A_267 = arith.mulf %parallel_loop3A_266, %parallel_loop3A_240 : vector<16xf32>
        %parallel_loop3A_268 = arith.index_cast %parallel_loop3A_242 : i32 to index
        %parallel_loop3A_269 = arith.constant 32 : index
        %parallel_loop3A_270 = tpu.vector_load %arg13[%parallel_loop3A_268, %parallel_loop3A_269] {strides = array<i32>} : memref<80x64xf32, #tpu.memory_space<vmem>>, vector<1x16xf32>,
        %parallel_loop3A_271 = vector.shape_cast %parallel_loop3A_270 : vector<1x16xf32> to vector<16xf32>
        %parallel_loop3A_272 = vector.shape_cast %parallel_loop3A_267 : vector<16xf32> to vector<1x16xf32>
        tpu.vector_store %arg13[%parallel_loop3A_268, %parallel_loop3A_269], %parallel_loop3A_272 {strides = array<i32>} : memref<80x64xf32, #tpu.memory_space<vmem>>, vector<1x16xf32>,
        %parallel_loop3A_273 = arith.index_cast %parallel_loop3A_242 : i32 to index
        %parallel_loop3A_274 = arith.constant 48 : index
        %parallel_loop3A_275 = tpu.vector_load %arg11[%parallel_loop3A_273, %parallel_loop3A_274] {strides = array<i32>} : memref<80x64xf32, #tpu.memory_space<vmem>>, vector<1x16xf32>,
        %parallel_loop3A_276 = vector.shape_cast %parallel_loop3A_275 : vector<1x16xf32> to vector<16xf32>
        %parallel_loop3A_277 = arith.mulf %parallel_loop3A_276, %parallel_loop3A_240 : vector<16xf32>
        %parallel_loop3A_278 = arith.index_cast %parallel_loop3A_242 : i32 to index
        %parallel_loop3A_279 = arith.constant 48 : index
        %parallel_loop3A_280 = tpu.vector_load %arg13[%parallel_loop3A_278, %parallel_loop3A_279] {strides = array<i32>} : memref<80x64xf32, #tpu.memory_space<vmem>>, vector<1x16xf32>,
        %parallel_loop3A_281 = vector.shape_cast %parallel_loop3A_280 : vector<1x16xf32> to vector<16xf32>
        %parallel_loop3A_282 = vector.shape_cast %parallel_loop3A_277 : vector<16xf32> to vector<1x16xf32>
        tpu.vector_store %arg13[%parallel_loop3A_278, %parallel_loop3A_279], %parallel_loop3A_282 {strides = array<i32>} : memref<80x64xf32, #tpu.memory_space<vmem>>, vector<1x16xf32>,
        %parallel_loop3A_283 = arith.constant 2 : i32
        %parallel_loop3A_284 = vector.broadcast %parallel_loop3A_283 : i32 to vector<16x1xi32>
        %parallel_loop3A_285 = vector.shape_cast %parallel_loop3A_284 : vector<16x1xi32> to vector<16xi32>
        %parallel_loop3A_286 = tpu.dynamic_gather %parallel_loop3A_190[%parallel_loop3A_285] in [0] : vector<16xf32>, vector<16xi32> -> vector<16xf32>
        %parallel_loop3A_287 = arith.constant 2 : i32
        %parallel_loop3A_288 = arith.addi %parallel_loop3A_186, %parallel_loop3A_287 : i32
        %parallel_loop3A_289 = arith.index_cast %parallel_loop3A_288 : i32 to index
        %parallel_loop3A_290 = arith.constant 0 : index
        %parallel_loop3A_291 = tpu.vector_load %arg11[%parallel_loop3A_289, %parallel_loop3A_290] {strides = array<i32>} : memref<80x64xf32, #tpu.memory_space<vmem>>, vector<1x16xf32>,
        %parallel_loop3A_292 = vector.shape_cast %parallel_loop3A_291 : vector<1x16xf32> to vector<16xf32>
        %parallel_loop3A_293 = arith.mulf %parallel_loop3A_292, %parallel_loop3A_286 : vector<16xf32>
        %parallel_loop3A_294 = arith.index_cast %parallel_loop3A_288 : i32 to index
        %parallel_loop3A_295 = arith.constant 0 : index
        %parallel_loop3A_296 = tpu.vector_load %arg13[%parallel_loop3A_294, %parallel_loop3A_295] {strides = array<i32>} : memref<80x64xf32, #tpu.memory_space<vmem>>, vector<1x16xf32>,
        %parallel_loop3A_297 = vector.shape_cast %parallel_loop3A_296 : vector<1x16xf32> to vector<16xf32>
        %parallel_loop3A_298 = vector.shape_cast %parallel_loop3A_293 : vector<16xf32> to vector<1x16xf32>
        tpu.vector_store %arg13[%parallel_loop3A_294, %parallel_loop3A_295], %parallel_loop3A_298 {strides = array<i32>} : memref<80x64xf32, #tpu.memory_space<vmem>>, vector<1x16xf32>,
        %parallel_loop3A_299 = arith.index_cast %parallel_loop3A_288 : i32 to index
        %parallel_loop3A_300 = arith.constant 16 : index
        %parallel_loop3A_301 = tpu.vector_load %arg11[%parallel_loop3A_299, %parallel_loop3A_300] {strides = array<i32>} : memref<80x64xf32, #tpu.memory_space<vmem>>, vector<1x16xf32>,
        %parallel_loop3A_302 = vector.shape_cast %parallel_loop3A_301 : vector<1x16xf32> to vector<16xf32>
        %parallel_loop3A_303 = arith.mulf %parallel_loop3A_302, %parallel_loop3A_286 : vector<16xf32>
        %parallel_loop3A_304 = arith.index_cast %parallel_loop3A_288 : i32 to index
        %parallel_loop3A_305 = arith.constant 16 : index
        %parallel_loop3A_306 = tpu.vector_load %arg13[%parallel_loop3A_304, %parallel_loop3A_305] {strides = array<i32>} : memref<80x64xf32, #tpu.memory_space<vmem>>, vector<1x16xf32>,
        %parallel_loop3A_307 = vector.shape_cast %parallel_loop3A_306 : vector<1x16xf32> to vector<16xf32>
        %parallel_loop3A_308 = vector.shape_cast %parallel_loop3A_303 : vector<16xf32> to vector<1x16xf32>
        tpu.vector_store %arg13[%parallel_loop3A_304, %parallel_loop3A_305], %parallel_loop3A_308 {strides = array<i32>} : memref<80x64xf32, #tpu.memory_space<vmem>>, vector<1x16xf32>,
        %parallel_loop3A_309 = arith.index_cast %parallel_loop3A_288 : i32 to index
        %parallel_loop3A_310 = arith.constant 32 : index
        %parallel_loop3A_311 = tpu.vector_load %arg11[%parallel_loop3A_309, %parallel_loop3A_310] {strides = array<i32>} : memref<80x64xf32, #tpu.memory_space<vmem>>, vector<1x16xf32>,
        %parallel_loop3A_312 = vector.shape_cast %parallel_loop3A_311 : vector<1x16xf32> to vector<16xf32>
        %parallel_loop3A_313 = arith.mulf %parallel_loop3A_312, %parallel_loop3A_286 : vector<16xf32>
        %parallel_loop3A_314 = arith.index_cast %parallel_loop3A_288 : i32 to index
        %parallel_loop3A_315 = arith.constant 32 : index
        %parallel_loop3A_316 = tpu.vector_load %arg13[%parallel_loop3A_314, %parallel_loop3A_315] {strides = array<i32>} : memref<80x64xf32, #tpu.memory_space<vmem>>, vector<1x16xf32>,
        %parallel_loop3A_317 = vector.shape_cast %parallel_loop3A_316 : vector<1x16xf32> to vector<16xf32>
        %parallel_loop3A_318 = vector.shape_cast %parallel_loop3A_313 : vector<16xf32> to vector<1x16xf32>
        tpu.vector_store %arg13[%parallel_loop3A_314, %parallel_loop3A_315], %parallel_loop3A_318 {strides = array<i32>} : memref<80x64xf32, #tpu.memory_space<vmem>>, vector<1x16xf32>,
        %parallel_loop3A_319 = arith.index_cast %parallel_loop3A_288 : i32 to index
        %parallel_loop3A_320 = arith.constant 48 : index
        %parallel_loop3A_321 = tpu.vector_load %arg11[%parallel_loop3A_319, %parallel_loop3A_320] {strides = array<i32>} : memref<80x64xf32, #tpu.memory_space<vmem>>, vector<1x16xf32>,
        %parallel_loop3A_322 = vector.shape_cast %parallel_loop3A_321 : vector<1x16xf32> to vector<16xf32>
        %parallel_loop3A_323 = arith.mulf %parallel_loop3A_322, %parallel_loop3A_286 : vector<16xf32>
        %parallel_loop3A_324 = arith.index_cast %parallel_loop3A_288 : i32 to index
        %parallel_loop3A_325 = arith.constant 48 : index
        %parallel_loop3A_326 = tpu.vector_load %arg13[%parallel_loop3A_324, %parallel_loop3A_325] {strides = array<i32>} : memref<80x64xf32, #tpu.memory_space<vmem>>, vector<1x16xf32>,
        %parallel_loop3A_327 = vector.shape_cast %parallel_loop3A_326 : vector<1x16xf32> to vector<16xf32>
        %parallel_loop3A_328 = vector.shape_cast %parallel_loop3A_323 : vector<16xf32> to vector<1x16xf32>
        tpu.vector_store %arg13[%parallel_loop3A_324, %parallel_loop3A_325], %parallel_loop3A_328 {strides = array<i32>} : memref<80x64xf32, #tpu.memory_space<vmem>>, vector<1x16xf32>,
        %parallel_loop3A_329 = arith.constant 3 : i32
        %parallel_loop3A_330 = vector.broadcast %parallel_loop3A_329 : i32 to vector<16x1xi32>
        %parallel_loop3A_331 = vector.shape_cast %parallel_loop3A_330 : vector<16x1xi32> to vector<16xi32>
        %parallel_loop3A_332 = tpu.dynamic_gather %parallel_loop3A_190[%parallel_loop3A_331] in [0] : vector<16xf32>, vector<16xi32> -> vector<16xf32>
        %parallel_loop3A_333 = arith.constant 3 : i32
        %parallel_loop3A_334 = arith.addi %parallel_loop3A_186, %parallel_loop3A_333 : i32
        %parallel_loop3A_335 = arith.index_cast %parallel_loop3A_334 : i32 to index
        %parallel_loop3A_336 = arith.constant 0 : index
        %parallel_loop3A_337 = tpu.vector_load %arg11[%parallel_loop3A_335, %parallel_loop3A_336] {strides = array<i32>} : memref<80x64xf32, #tpu.memory_space<vmem>>, vector<1x16xf32>,
        %parallel_loop3A_338 = vector.shape_cast %parallel_loop3A_337 : vector<1x16xf32> to vector<16xf32>
        %parallel_loop3A_339 = arith.mulf %parallel_loop3A_338, %parallel_loop3A_332 : vector<16xf32>
        %parallel_loop3A_340 = arith.index_cast %parallel_loop3A_334 : i32 to index
        %parallel_loop3A_341 = arith.constant 0 : index
        %parallel_loop3A_342 = tpu.vector_load %arg13[%parallel_loop3A_340, %parallel_loop3A_341] {strides = array<i32>} : memref<80x64xf32, #tpu.memory_space<vmem>>, vector<1x16xf32>,
        %parallel_loop3A_343 = vector.shape_cast %parallel_loop3A_342 : vector<1x16xf32> to vector<16xf32>
        %parallel_loop3A_344 = vector.shape_cast %parallel_loop3A_339 : vector<16xf32> to vector<1x16xf32>
        tpu.vector_store %arg13[%parallel_loop3A_340, %parallel_loop3A_341], %parallel_loop3A_344 {strides = array<i32>} : memref<80x64xf32, #tpu.memory_space<vmem>>, vector<1x16xf32>,
        %parallel_loop3A_345 = arith.index_cast %parallel_loop3A_334 : i32 to index
        %parallel_loop3A_346 = arith.constant 16 : index
        %parallel_loop3A_347 = tpu.vector_load %arg11[%parallel_loop3A_345, %parallel_loop3A_346] {strides = array<i32>} : memref<80x64xf32, #tpu.memory_space<vmem>>, vector<1x16xf32>,
        %parallel_loop3A_348 = vector.shape_cast %parallel_loop3A_347 : vector<1x16xf32> to vector<16xf32>
        %parallel_loop3A_349 = arith.mulf %parallel_loop3A_348, %parallel_loop3A_332 : vector<16xf32>
        %parallel_loop3A_350 = arith.index_cast %parallel_loop3A_334 : i32 to index
        %parallel_loop3A_351 = arith.constant 16 : index
        %parallel_loop3A_352 = tpu.vector_load %arg13[%parallel_loop3A_350, %parallel_loop3A_351] {strides = array<i32>} : memref<80x64xf32, #tpu.memory_space<vmem>>, vector<1x16xf32>,
        %parallel_loop3A_353 = vector.shape_cast %parallel_loop3A_352 : vector<1x16xf32> to vector<16xf32>
        %parallel_loop3A_354 = vector.shape_cast %parallel_loop3A_349 : vector<16xf32> to vector<1x16xf32>
        tpu.vector_store %arg13[%parallel_loop3A_350, %parallel_loop3A_351], %parallel_loop3A_354 {strides = array<i32>} : memref<80x64xf32, #tpu.memory_space<vmem>>, vector<1x16xf32>,
        %parallel_loop3A_355 = arith.index_cast %parallel_loop3A_334 : i32 to index
        %parallel_loop3A_356 = arith.constant 32 : index
        %parallel_loop3A_357 = tpu.vector_load %arg11[%parallel_loop3A_355, %parallel_loop3A_356] {strides = array<i32>} : memref<80x64xf32, #tpu.memory_space<vmem>>, vector<1x16xf32>,
        %parallel_loop3A_358 = vector.shape_cast %parallel_loop3A_357 : vector<1x16xf32> to vector<16xf32>
        %parallel_loop3A_359 = arith.mulf %parallel_loop3A_358, %parallel_loop3A_332 : vector<16xf32>
        %parallel_loop3A_360 = arith.index_cast %parallel_loop3A_334 : i32 to index
        %parallel_loop3A_361 = arith.constant 32 : index
        %parallel_loop3A_362 = tpu.vector_load %arg13[%parallel_loop3A_360, %parallel_loop3A_361] {strides = array<i32>} : memref<80x64xf32, #tpu.memory_space<vmem>>, vector<1x16xf32>,
        %parallel_loop3A_363 = vector.shape_cast %parallel_loop3A_362 : vector<1x16xf32> to vector<16xf32>
        %parallel_loop3A_364 = vector.shape_cast %parallel_loop3A_359 : vector<16xf32> to vector<1x16xf32>
        tpu.vector_store %arg13[%parallel_loop3A_360, %parallel_loop3A_361], %parallel_loop3A_364 {strides = array<i32>} : memref<80x64xf32, #tpu.memory_space<vmem>>, vector<1x16xf32>,
        %parallel_loop3A_365 = arith.index_cast %parallel_loop3A_334 : i32 to index
        %parallel_loop3A_366 = arith.constant 48 : index
        %parallel_loop3A_367 = tpu.vector_load %arg11[%parallel_loop3A_365, %parallel_loop3A_366] {strides = array<i32>} : memref<80x64xf32, #tpu.memory_space<vmem>>, vector<1x16xf32>,
        %parallel_loop3A_368 = vector.shape_cast %parallel_loop3A_367 : vector<1x16xf32> to vector<16xf32>
        %parallel_loop3A_369 = arith.mulf %parallel_loop3A_368, %parallel_loop3A_332 : vector<16xf32>
        %parallel_loop3A_370 = arith.index_cast %parallel_loop3A_334 : i32 to index
        %parallel_loop3A_371 = arith.constant 48 : index
        %parallel_loop3A_372 = tpu.vector_load %arg13[%parallel_loop3A_370, %parallel_loop3A_371] {strides = array<i32>} : memref<80x64xf32, #tpu.memory_space<vmem>>, vector<1x16xf32>,
        %parallel_loop3A_373 = vector.shape_cast %parallel_loop3A_372 : vector<1x16xf32> to vector<16xf32>
        %parallel_loop3A_374 = vector.shape_cast %parallel_loop3A_369 : vector<16xf32> to vector<1x16xf32>
        tpu.vector_store %arg13[%parallel_loop3A_370, %parallel_loop3A_371], %parallel_loop3A_374 {strides = array<i32>} : memref<80x64xf32, #tpu.memory_space<vmem>>, vector<1x16xf32>,
        %parallel_loop3A_375 = arith.constant 4 : i32
        %parallel_loop3A_376 = vector.broadcast %parallel_loop3A_375 : i32 to vector<16x1xi32>
        %parallel_loop3A_377 = vector.shape_cast %parallel_loop3A_376 : vector<16x1xi32> to vector<16xi32>
        %parallel_loop3A_378 = tpu.dynamic_gather %parallel_loop3A_190[%parallel_loop3A_377] in [0] : vector<16xf32>, vector<16xi32> -> vector<16xf32>
        %parallel_loop3A_379 = arith.constant 4 : i32
        %parallel_loop3A_380 = arith.addi %parallel_loop3A_186, %parallel_loop3A_379 : i32
        %parallel_loop3A_381 = arith.index_cast %parallel_loop3A_380 : i32 to index
        %parallel_loop3A_382 = arith.constant 0 : index
        %parallel_loop3A_383 = tpu.vector_load %arg11[%parallel_loop3A_381, %parallel_loop3A_382] {strides = array<i32>} : memref<80x64xf32, #tpu.memory_space<vmem>>, vector<1x16xf32>,
        %parallel_loop3A_384 = vector.shape_cast %parallel_loop3A_383 : vector<1x16xf32> to vector<16xf32>
        %parallel_loop3A_385 = arith.mulf %parallel_loop3A_384, %parallel_loop3A_378 : vector<16xf32>
        %parallel_loop3A_386 = arith.index_cast %parallel_loop3A_380 : i32 to index
        %parallel_loop3A_387 = arith.constant 0 : index
        %parallel_loop3A_388 = tpu.vector_load %arg13[%parallel_loop3A_386, %parallel_loop3A_387] {strides = array<i32>} : memref<80x64xf32, #tpu.memory_space<vmem>>, vector<1x16xf32>,
        %parallel_loop3A_389 = vector.shape_cast %parallel_loop3A_388 : vector<1x16xf32> to vector<16xf32>
        %parallel_loop3A_390 = vector.shape_cast %parallel_loop3A_385 : vector<16xf32> to vector<1x16xf32>
        tpu.vector_store %arg13[%parallel_loop3A_386, %parallel_loop3A_387], %parallel_loop3A_390 {strides = array<i32>} : memref<80x64xf32, #tpu.memory_space<vmem>>, vector<1x16xf32>,
        %parallel_loop3A_391 = arith.index_cast %parallel_loop3A_380 : i32 to index
        %parallel_loop3A_392 = arith.constant 16 : index
        %parallel_loop3A_393 = tpu.vector_load %arg11[%parallel_loop3A_391, %parallel_loop3A_392] {strides = array<i32>} : memref<80x64xf32, #tpu.memory_space<vmem>>, vector<1x16xf32>,
        %parallel_loop3A_394 = vector.shape_cast %parallel_loop3A_393 : vector<1x16xf32> to vector<16xf32>
        %parallel_loop3A_395 = arith.mulf %parallel_loop3A_394, %parallel_loop3A_378 : vector<16xf32>
        %parallel_loop3A_396 = arith.index_cast %parallel_loop3A_380 : i32 to index
        %parallel_loop3A_397 = arith.constant 16 : index
        %parallel_loop3A_398 = tpu.vector_load %arg13[%parallel_loop3A_396, %parallel_loop3A_397] {strides = array<i32>} : memref<80x64xf32, #tpu.memory_space<vmem>>, vector<1x16xf32>,
        %parallel_loop3A_399 = vector.shape_cast %parallel_loop3A_398 : vector<1x16xf32> to vector<16xf32>
        %parallel_loop3A_400 = vector.shape_cast %parallel_loop3A_395 : vector<16xf32> to vector<1x16xf32>
        tpu.vector_store %arg13[%parallel_loop3A_396, %parallel_loop3A_397], %parallel_loop3A_400 {strides = array<i32>} : memref<80x64xf32, #tpu.memory_space<vmem>>, vector<1x16xf32>,
        %parallel_loop3A_401 = arith.index_cast %parallel_loop3A_380 : i32 to index
        %parallel_loop3A_402 = arith.constant 32 : index
        %parallel_loop3A_403 = tpu.vector_load %arg11[%parallel_loop3A_401, %parallel_loop3A_402] {strides = array<i32>} : memref<80x64xf32, #tpu.memory_space<vmem>>, vector<1x16xf32>,
        %parallel_loop3A_404 = vector.shape_cast %parallel_loop3A_403 : vector<1x16xf32> to vector<16xf32>
        %parallel_loop3A_405 = arith.mulf %parallel_loop3A_404, %parallel_loop3A_378 : vector<16xf32>
        %parallel_loop3A_406 = arith.index_cast %parallel_loop3A_380 : i32 to index
        %parallel_loop3A_407 = arith.constant 32 : index
        %parallel_loop3A_408 = tpu.vector_load %arg13[%parallel_loop3A_406, %parallel_loop3A_407] {strides = array<i32>} : memref<80x64xf32, #tpu.memory_space<vmem>>, vector<1x16xf32>,
        %parallel_loop3A_409 = vector.shape_cast %parallel_loop3A_408 : vector<1x16xf32> to vector<16xf32>
        %parallel_loop3A_410 = vector.shape_cast %parallel_loop3A_405 : vector<16xf32> to vector<1x16xf32>
        tpu.vector_store %arg13[%parallel_loop3A_406, %parallel_loop3A_407], %parallel_loop3A_410 {strides = array<i32>} : memref<80x64xf32, #tpu.memory_space<vmem>>, vector<1x16xf32>,
        %parallel_loop3A_411 = arith.index_cast %parallel_loop3A_380 : i32 to index
        %parallel_loop3A_412 = arith.constant 48 : index
        %parallel_loop3A_413 = tpu.vector_load %arg11[%parallel_loop3A_411, %parallel_loop3A_412] {strides = array<i32>} : memref<80x64xf32, #tpu.memory_space<vmem>>, vector<1x16xf32>,
        %parallel_loop3A_414 = vector.shape_cast %parallel_loop3A_413 : vector<1x16xf32> to vector<16xf32>
        %parallel_loop3A_415 = arith.mulf %parallel_loop3A_414, %parallel_loop3A_378 : vector<16xf32>
        %parallel_loop3A_416 = arith.index_cast %parallel_loop3A_380 : i32 to index
        %parallel_loop3A_417 = arith.constant 48 : index
        %parallel_loop3A_418 = tpu.vector_load %arg13[%parallel_loop3A_416, %parallel_loop3A_417] {strides = array<i32>} : memref<80x64xf32, #tpu.memory_space<vmem>>, vector<1x16xf32>,
        %parallel_loop3A_419 = vector.shape_cast %parallel_loop3A_418 : vector<1x16xf32> to vector<16xf32>
        %parallel_loop3A_420 = vector.shape_cast %parallel_loop3A_415 : vector<16xf32> to vector<1x16xf32>
        tpu.vector_store %arg13[%parallel_loop3A_416, %parallel_loop3A_417], %parallel_loop3A_420 {strides = array<i32>} : memref<80x64xf32, #tpu.memory_space<vmem>>, vector<1x16xf32>,
        %parallel_loop3A_421 = arith.constant 5 : i32
        %parallel_loop3A_422 = vector.broadcast %parallel_loop3A_421 : i32 to vector<16x1xi32>
        %parallel_loop3A_423 = vector.shape_cast %parallel_loop3A_422 : vector<16x1xi32> to vector<16xi32>
        %parallel_loop3A_424 = tpu.dynamic_gather %parallel_loop3A_190[%parallel_loop3A_423] in [0] : vector<16xf32>, vector<16xi32> -> vector<16xf32>
        %parallel_loop3A_425 = arith.constant 5 : i32
        %parallel_loop3A_426 = arith.addi %parallel_loop3A_186, %parallel_loop3A_425 : i32
        %parallel_loop3A_427 = arith.index_cast %parallel_loop3A_426 : i32 to index
        %parallel_loop3A_428 = arith.constant 0 : index
        %parallel_loop3A_429 = tpu.vector_load %arg11[%parallel_loop3A_427, %parallel_loop3A_428] {strides = array<i32>} : memref<80x64xf32, #tpu.memory_space<vmem>>, vector<1x16xf32>,
        %parallel_loop3A_430 = vector.shape_cast %parallel_loop3A_429 : vector<1x16xf32> to vector<16xf32>
        %parallel_loop3A_431 = arith.mulf %parallel_loop3A_430, %parallel_loop3A_424 : vector<16xf32>
        %parallel_loop3A_432 = arith.index_cast %parallel_loop3A_426 : i32 to index
        %parallel_loop3A_433 = arith.constant 0 : index
        %parallel_loop3A_434 = tpu.vector_load %arg13[%parallel_loop3A_432, %parallel_loop3A_433] {strides = array<i32>} : memref<80x64xf32, #tpu.memory_space<vmem>>, vector<1x16xf32>,
        %parallel_loop3A_435 = vector.shape_cast %parallel_loop3A_434 : vector<1x16xf32> to vector<16xf32>
        %parallel_loop3A_436 = vector.shape_cast %parallel_loop3A_431 : vector<16xf32> to vector<1x16xf32>
        tpu.vector_store %arg13[%parallel_loop3A_432, %parallel_loop3A_433], %parallel_loop3A_436 {strides = array<i32>} : memref<80x64xf32, #tpu.memory_space<vmem>>, vector<1x16xf32>,
        %parallel_loop3A_437 = arith.index_cast %parallel_loop3A_426 : i32 to index
        %parallel_loop3A_438 = arith.constant 16 : index
        %parallel_loop3A_439 = tpu.vector_load %arg11[%parallel_loop3A_437, %parallel_loop3A_438] {strides = array<i32>} : memref<80x64xf32, #tpu.memory_space<vmem>>, vector<1x16xf32>,
        %parallel_loop3A_440 = vector.shape_cast %parallel_loop3A_439 : vector<1x16xf32> to vector<16xf32>
        %parallel_loop3A_441 = arith.mulf %parallel_loop3A_440, %parallel_loop3A_424 : vector<16xf32>
        %parallel_loop3A_442 = arith.index_cast %parallel_loop3A_426 : i32 to index
        %parallel_loop3A_443 = arith.constant 16 : index
        %parallel_loop3A_444 = tpu.vector_load %arg13[%parallel_loop3A_442, %parallel_loop3A_443] {strides = array<i32>} : memref<80x64xf32, #tpu.memory_space<vmem>>, vector<1x16xf32>,
        %parallel_loop3A_445 = vector.shape_cast %parallel_loop3A_444 : vector<1x16xf32> to vector<16xf32>
        %parallel_loop3A_446 = vector.shape_cast %parallel_loop3A_441 : vector<16xf32> to vector<1x16xf32>
        tpu.vector_store %arg13[%parallel_loop3A_442, %parallel_loop3A_443], %parallel_loop3A_446 {strides = array<i32>} : memref<80x64xf32, #tpu.memory_space<vmem>>, vector<1x16xf32>,
        %parallel_loop3A_447 = arith.index_cast %parallel_loop3A_426 : i32 to index
        %parallel_loop3A_448 = arith.constant 32 : index
        %parallel_loop3A_449 = tpu.vector_load %arg11[%parallel_loop3A_447, %parallel_loop3A_448] {strides = array<i32>} : memref<80x64xf32, #tpu.memory_space<vmem>>, vector<1x16xf32>,
        %parallel_loop3A_450 = vector.shape_cast %parallel_loop3A_449 : vector<1x16xf32> to vector<16xf32>
        %parallel_loop3A_451 = arith.mulf %parallel_loop3A_450, %parallel_loop3A_424 : vector<16xf32>
        %parallel_loop3A_452 = arith.index_cast %parallel_loop3A_426 : i32 to index
        %parallel_loop3A_453 = arith.constant 32 : index
        %parallel_loop3A_454 = tpu.vector_load %arg13[%parallel_loop3A_452, %parallel_loop3A_453] {strides = array<i32>} : memref<80x64xf32, #tpu.memory_space<vmem>>, vector<1x16xf32>,
        %parallel_loop3A_455 = vector.shape_cast %parallel_loop3A_454 : vector<1x16xf32> to vector<16xf32>
        %parallel_loop3A_456 = vector.shape_cast %parallel_loop3A_451 : vector<16xf32> to vector<1x16xf32>
        tpu.vector_store %arg13[%parallel_loop3A_452, %parallel_loop3A_453], %parallel_loop3A_456 {strides = array<i32>} : memref<80x64xf32, #tpu.memory_space<vmem>>, vector<1x16xf32>,
        %parallel_loop3A_457 = arith.index_cast %parallel_loop3A_426 : i32 to index
        %parallel_loop3A_458 = arith.constant 48 : index
        %parallel_loop3A_459 = tpu.vector_load %arg11[%parallel_loop3A_457, %parallel_loop3A_458] {strides = array<i32>} : memref<80x64xf32, #tpu.memory_space<vmem>>, vector<1x16xf32>,
        %parallel_loop3A_460 = vector.shape_cast %parallel_loop3A_459 : vector<1x16xf32> to vector<16xf32>
        %parallel_loop3A_461 = arith.mulf %parallel_loop3A_460, %parallel_loop3A_424 : vector<16xf32>
        %parallel_loop3A_462 = arith.index_cast %parallel_loop3A_426 : i32 to index
        %parallel_loop3A_463 = arith.constant 48 : index
        %parallel_loop3A_464 = tpu.vector_load %arg13[%parallel_loop3A_462, %parallel_loop3A_463] {strides = array<i32>} : memref<80x64xf32, #tpu.memory_space<vmem>>, vector<1x16xf32>,
        %parallel_loop3A_465 = vector.shape_cast %parallel_loop3A_464 : vector<1x16xf32> to vector<16xf32>
        %parallel_loop3A_466 = vector.shape_cast %parallel_loop3A_461 : vector<16xf32> to vector<1x16xf32>
        tpu.vector_store %arg13[%parallel_loop3A_462, %parallel_loop3A_463], %parallel_loop3A_466 {strides = array<i32>} : memref<80x64xf32, #tpu.memory_space<vmem>>, vector<1x16xf32>,
        %parallel_loop3A_467 = arith.constant 6 : i32
        %parallel_loop3A_468 = vector.broadcast %parallel_loop3A_467 : i32 to vector<16x1xi32>
        %parallel_loop3A_469 = vector.shape_cast %parallel_loop3A_468 : vector<16x1xi32> to vector<16xi32>
        %parallel_loop3A_470 = tpu.dynamic_gather %parallel_loop3A_190[%parallel_loop3A_469] in [0] : vector<16xf32>, vector<16xi32> -> vector<16xf32>
        %parallel_loop3A_471 = arith.constant 6 : i32
        %parallel_loop3A_472 = arith.addi %parallel_loop3A_186, %parallel_loop3A_471 : i32
        %parallel_loop3A_473 = arith.index_cast %parallel_loop3A_472 : i32 to index
        %parallel_loop3A_474 = arith.constant 0 : index
        %parallel_loop3A_475 = tpu.vector_load %arg11[%parallel_loop3A_473, %parallel_loop3A_474] {strides = array<i32>} : memref<80x64xf32, #tpu.memory_space<vmem>>, vector<1x16xf32>,
        %parallel_loop3A_476 = vector.shape_cast %parallel_loop3A_475 : vector<1x16xf32> to vector<16xf32>
        %parallel_loop3A_477 = arith.mulf %parallel_loop3A_476, %parallel_loop3A_470 : vector<16xf32>
        %parallel_loop3A_478 = arith.index_cast %parallel_loop3A_472 : i32 to index
        %parallel_loop3A_479 = arith.constant 0 : index
        %parallel_loop3A_480 = tpu.vector_load %arg13[%parallel_loop3A_478, %parallel_loop3A_479] {strides = array<i32>} : memref<80x64xf32, #tpu.memory_space<vmem>>, vector<1x16xf32>,
        %parallel_loop3A_481 = vector.shape_cast %parallel_loop3A_480 : vector<1x16xf32> to vector<16xf32>
        %parallel_loop3A_482 = vector.shape_cast %parallel_loop3A_477 : vector<16xf32> to vector<1x16xf32>
        tpu.vector_store %arg13[%parallel_loop3A_478, %parallel_loop3A_479], %parallel_loop3A_482 {strides = array<i32>} : memref<80x64xf32, #tpu.memory_space<vmem>>, vector<1x16xf32>,
        %parallel_loop3A_483 = arith.index_cast %parallel_loop3A_472 : i32 to index
        %parallel_loop3A_484 = arith.constant 16 : index
        %parallel_loop3A_485 = tpu.vector_load %arg11[%parallel_loop3A_483, %parallel_loop3A_484] {strides = array<i32>} : memref<80x64xf32, #tpu.memory_space<vmem>>, vector<1x16xf32>,
        %parallel_loop3A_486 = vector.shape_cast %parallel_loop3A_485 : vector<1x16xf32> to vector<16xf32>
        %parallel_loop3A_487 = arith.mulf %parallel_loop3A_486, %parallel_loop3A_470 : vector<16xf32>
        %parallel_loop3A_488 = arith.index_cast %parallel_loop3A_472 : i32 to index
        %parallel_loop3A_489 = arith.constant 16 : index
        %parallel_loop3A_490 = tpu.vector_load %arg13[%parallel_loop3A_488, %parallel_loop3A_489] {strides = array<i32>} : memref<80x64xf32, #tpu.memory_space<vmem>>, vector<1x16xf32>,
        %parallel_loop3A_491 = vector.shape_cast %parallel_loop3A_490 : vector<1x16xf32> to vector<16xf32>
        %parallel_loop3A_492 = vector.shape_cast %parallel_loop3A_487 : vector<16xf32> to vector<1x16xf32>
        tpu.vector_store %arg13[%parallel_loop3A_488, %parallel_loop3A_489], %parallel_loop3A_492 {strides = array<i32>} : memref<80x64xf32, #tpu.memory_space<vmem>>, vector<1x16xf32>,
        %parallel_loop3A_493 = arith.index_cast %parallel_loop3A_472 : i32 to index
        %parallel_loop3A_494 = arith.constant 32 : index
        %parallel_loop3A_495 = tpu.vector_load %arg11[%parallel_loop3A_493, %parallel_loop3A_494] {strides = array<i32>} : memref<80x64xf32, #tpu.memory_space<vmem>>, vector<1x16xf32>,
        %parallel_loop3A_496 = vector.shape_cast %parallel_loop3A_495 : vector<1x16xf32> to vector<16xf32>
        %parallel_loop3A_497 = arith.mulf %parallel_loop3A_496, %parallel_loop3A_470 : vector<16xf32>
        %parallel_loop3A_498 = arith.index_cast %parallel_loop3A_472 : i32 to index
        %parallel_loop3A_499 = arith.constant 32 : index
        %parallel_loop3A_500 = tpu.vector_load %arg13[%parallel_loop3A_498, %parallel_loop3A_499] {strides = array<i32>} : memref<80x64xf32, #tpu.memory_space<vmem>>, vector<1x16xf32>,
        %parallel_loop3A_501 = vector.shape_cast %parallel_loop3A_500 : vector<1x16xf32> to vector<16xf32>
        %parallel_loop3A_502 = vector.shape_cast %parallel_loop3A_497 : vector<16xf32> to vector<1x16xf32>
        tpu.vector_store %arg13[%parallel_loop3A_498, %parallel_loop3A_499], %parallel_loop3A_502 {strides = array<i32>} : memref<80x64xf32, #tpu.memory_space<vmem>>, vector<1x16xf32>,
        %parallel_loop3A_503 = arith.index_cast %parallel_loop3A_472 : i32 to index
        %parallel_loop3A_504 = arith.constant 48 : index
        %parallel_loop3A_505 = tpu.vector_load %arg11[%parallel_loop3A_503, %parallel_loop3A_504] {strides = array<i32>} : memref<80x64xf32, #tpu.memory_space<vmem>>, vector<1x16xf32>,
        %parallel_loop3A_506 = vector.shape_cast %parallel_loop3A_505 : vector<1x16xf32> to vector<16xf32>
        %parallel_loop3A_507 = arith.mulf %parallel_loop3A_506, %parallel_loop3A_470 : vector<16xf32>
        %parallel_loop3A_508 = arith.index_cast %parallel_loop3A_472 : i32 to index
        %parallel_loop3A_509 = arith.constant 48 : index
        %parallel_loop3A_510 = tpu.vector_load %arg13[%parallel_loop3A_508, %parallel_loop3A_509] {strides = array<i32>} : memref<80x64xf32, #tpu.memory_space<vmem>>, vector<1x16xf32>,
        %parallel_loop3A_511 = vector.shape_cast %parallel_loop3A_510 : vector<1x16xf32> to vector<16xf32>
        %parallel_loop3A_512 = vector.shape_cast %parallel_loop3A_507 : vector<16xf32> to vector<1x16xf32>
        tpu.vector_store %arg13[%parallel_loop3A_508, %parallel_loop3A_509], %parallel_loop3A_512 {strides = array<i32>} : memref<80x64xf32, #tpu.memory_space<vmem>>, vector<1x16xf32>,
        %parallel_loop3A_513 = arith.constant 7 : i32
        %parallel_loop3A_514 = vector.broadcast %parallel_loop3A_513 : i32 to vector<16x1xi32>
        %parallel_loop3A_515 = vector.shape_cast %parallel_loop3A_514 : vector<16x1xi32> to vector<16xi32>
        %parallel_loop3A_516 = tpu.dynamic_gather %parallel_loop3A_190[%parallel_loop3A_515] in [0] : vector<16xf32>, vector<16xi32> -> vector<16xf32>
        %parallel_loop3A_517 = arith.constant 7 : i32
        %parallel_loop3A_518 = arith.addi %parallel_loop3A_186, %parallel_loop3A_517 : i32
        %parallel_loop3A_519 = arith.index_cast %parallel_loop3A_518 : i32 to index
        %parallel_loop3A_520 = arith.constant 0 : index
        %parallel_loop3A_521 = tpu.vector_load %arg11[%parallel_loop3A_519, %parallel_loop3A_520] {strides = array<i32>} : memref<80x64xf32, #tpu.memory_space<vmem>>, vector<1x16xf32>,
        %parallel_loop3A_522 = vector.shape_cast %parallel_loop3A_521 : vector<1x16xf32> to vector<16xf32>
        %parallel_loop3A_523 = arith.mulf %parallel_loop3A_522, %parallel_loop3A_516 : vector<16xf32>
        %parallel_loop3A_524 = arith.index_cast %parallel_loop3A_518 : i32 to index
        %parallel_loop3A_525 = arith.constant 0 : index
        %parallel_loop3A_526 = tpu.vector_load %arg13[%parallel_loop3A_524, %parallel_loop3A_525] {strides = array<i32>} : memref<80x64xf32, #tpu.memory_space<vmem>>, vector<1x16xf32>,
        %parallel_loop3A_527 = vector.shape_cast %parallel_loop3A_526 : vector<1x16xf32> to vector<16xf32>
        %parallel_loop3A_528 = vector.shape_cast %parallel_loop3A_523 : vector<16xf32> to vector<1x16xf32>
        tpu.vector_store %arg13[%parallel_loop3A_524, %parallel_loop3A_525], %parallel_loop3A_528 {strides = array<i32>} : memref<80x64xf32, #tpu.memory_space<vmem>>, vector<1x16xf32>,
        %parallel_loop3A_529 = arith.index_cast %parallel_loop3A_518 : i32 to index
        %parallel_loop3A_530 = arith.constant 16 : index
        %parallel_loop3A_531 = tpu.vector_load %arg11[%parallel_loop3A_529, %parallel_loop3A_530] {strides = array<i32>} : memref<80x64xf32, #tpu.memory_space<vmem>>, vector<1x16xf32>,
        %parallel_loop3A_532 = vector.shape_cast %parallel_loop3A_531 : vector<1x16xf32> to vector<16xf32>
        %parallel_loop3A_533 = arith.mulf %parallel_loop3A_532, %parallel_loop3A_516 : vector<16xf32>
        %parallel_loop3A_534 = arith.index_cast %parallel_loop3A_518 : i32 to index
        %parallel_loop3A_535 = arith.constant 16 : index
        %parallel_loop3A_536 = tpu.vector_load %arg13[%parallel_loop3A_534, %parallel_loop3A_535] {strides = array<i32>} : memref<80x64xf32, #tpu.memory_space<vmem>>, vector<1x16xf32>,
        %parallel_loop3A_537 = vector.shape_cast %parallel_loop3A_536 : vector<1x16xf32> to vector<16xf32>
        %parallel_loop3A_538 = vector.shape_cast %parallel_loop3A_533 : vector<16xf32> to vector<1x16xf32>
        tpu.vector_store %arg13[%parallel_loop3A_534, %parallel_loop3A_535], %parallel_loop3A_538 {strides = array<i32>} : memref<80x64xf32, #tpu.memory_space<vmem>>, vector<1x16xf32>,
        %parallel_loop3A_539 = arith.index_cast %parallel_loop3A_518 : i32 to index
        %parallel_loop3A_540 = arith.constant 32 : index
        %parallel_loop3A_541 = tpu.vector_load %arg11[%parallel_loop3A_539, %parallel_loop3A_540] {strides = array<i32>} : memref<80x64xf32, #tpu.memory_space<vmem>>, vector<1x16xf32>,
        %parallel_loop3A_542 = vector.shape_cast %parallel_loop3A_541 : vector<1x16xf32> to vector<16xf32>
        %parallel_loop3A_543 = arith.mulf %parallel_loop3A_542, %parallel_loop3A_516 : vector<16xf32>
        %parallel_loop3A_544 = arith.index_cast %parallel_loop3A_518 : i32 to index
        %parallel_loop3A_545 = arith.constant 32 : index
        %parallel_loop3A_546 = tpu.vector_load %arg13[%parallel_loop3A_544, %parallel_loop3A_545] {strides = array<i32>} : memref<80x64xf32, #tpu.memory_space<vmem>>, vector<1x16xf32>,
        %parallel_loop3A_547 = vector.shape_cast %parallel_loop3A_546 : vector<1x16xf32> to vector<16xf32>
        %parallel_loop3A_548 = vector.shape_cast %parallel_loop3A_543 : vector<16xf32> to vector<1x16xf32>
        tpu.vector_store %arg13[%parallel_loop3A_544, %parallel_loop3A_545], %parallel_loop3A_548 {strides = array<i32>} : memref<80x64xf32, #tpu.memory_space<vmem>>, vector<1x16xf32>,
        %parallel_loop3A_549 = arith.index_cast %parallel_loop3A_518 : i32 to index
        %parallel_loop3A_550 = arith.constant 48 : index
        %parallel_loop3A_551 = tpu.vector_load %arg11[%parallel_loop3A_549, %parallel_loop3A_550] {strides = array<i32>} : memref<80x64xf32, #tpu.memory_space<vmem>>, vector<1x16xf32>,
        %parallel_loop3A_552 = vector.shape_cast %parallel_loop3A_551 : vector<1x16xf32> to vector<16xf32>
        %parallel_loop3A_553 = arith.mulf %parallel_loop3A_552, %parallel_loop3A_516 : vector<16xf32>
        %parallel_loop3A_554 = arith.index_cast %parallel_loop3A_518 : i32 to index
        %parallel_loop3A_555 = arith.constant 48 : index
        %parallel_loop3A_556 = tpu.vector_load %arg13[%parallel_loop3A_554, %parallel_loop3A_555] {strides = array<i32>} : memref<80x64xf32, #tpu.memory_space<vmem>>, vector<1x16xf32>,
        %parallel_loop3A_557 = vector.shape_cast %parallel_loop3A_556 : vector<1x16xf32> to vector<16xf32>
        %parallel_loop3A_558 = vector.shape_cast %parallel_loop3A_553 : vector<16xf32> to vector<1x16xf32>
        tpu.vector_store %arg13[%parallel_loop3A_554, %parallel_loop3A_555], %parallel_loop3A_558 {strides = array<i32>} : memref<80x64xf32, #tpu.memory_space<vmem>>, vector<1x16xf32>,
        %parallel_loop3A_559 = arith.constant 8 : i32
        %parallel_loop3A_560 = vector.broadcast %parallel_loop3A_559 : i32 to vector<16x1xi32>
        %parallel_loop3A_561 = vector.shape_cast %parallel_loop3A_560 : vector<16x1xi32> to vector<16xi32>
        %parallel_loop3A_562 = tpu.dynamic_gather %parallel_loop3A_190[%parallel_loop3A_561] in [0] : vector<16xf32>, vector<16xi32> -> vector<16xf32>
        %parallel_loop3A_563 = arith.constant 8 : i32
        %parallel_loop3A_564 = arith.addi %parallel_loop3A_186, %parallel_loop3A_563 : i32
        %parallel_loop3A_565 = arith.index_cast %parallel_loop3A_564 : i32 to index
        %parallel_loop3A_566 = arith.constant 0 : index
        %parallel_loop3A_567 = tpu.vector_load %arg11[%parallel_loop3A_565, %parallel_loop3A_566] {strides = array<i32>} : memref<80x64xf32, #tpu.memory_space<vmem>>, vector<1x16xf32>,
        %parallel_loop3A_568 = vector.shape_cast %parallel_loop3A_567 : vector<1x16xf32> to vector<16xf32>
        %parallel_loop3A_569 = arith.mulf %parallel_loop3A_568, %parallel_loop3A_562 : vector<16xf32>
        %parallel_loop3A_570 = arith.index_cast %parallel_loop3A_564 : i32 to index
        %parallel_loop3A_571 = arith.constant 0 : index
        %parallel_loop3A_572 = tpu.vector_load %arg13[%parallel_loop3A_570, %parallel_loop3A_571] {strides = array<i32>} : memref<80x64xf32, #tpu.memory_space<vmem>>, vector<1x16xf32>,
        %parallel_loop3A_573 = vector.shape_cast %parallel_loop3A_572 : vector<1x16xf32> to vector<16xf32>
        %parallel_loop3A_574 = vector.shape_cast %parallel_loop3A_569 : vector<16xf32> to vector<1x16xf32>
        tpu.vector_store %arg13[%parallel_loop3A_570, %parallel_loop3A_571], %parallel_loop3A_574 {strides = array<i32>} : memref<80x64xf32, #tpu.memory_space<vmem>>, vector<1x16xf32>,
        %parallel_loop3A_575 = arith.index_cast %parallel_loop3A_564 : i32 to index
        %parallel_loop3A_576 = arith.constant 16 : index
        %parallel_loop3A_577 = tpu.vector_load %arg11[%parallel_loop3A_575, %parallel_loop3A_576] {strides = array<i32>} : memref<80x64xf32, #tpu.memory_space<vmem>>, vector<1x16xf32>,
        %parallel_loop3A_578 = vector.shape_cast %parallel_loop3A_577 : vector<1x16xf32> to vector<16xf32>
        %parallel_loop3A_579 = arith.mulf %parallel_loop3A_578, %parallel_loop3A_562 : vector<16xf32>
        %parallel_loop3A_580 = arith.index_cast %parallel_loop3A_564 : i32 to index
        %parallel_loop3A_581 = arith.constant 16 : index
        %parallel_loop3A_582 = tpu.vector_load %arg13[%parallel_loop3A_580, %parallel_loop3A_581] {strides = array<i32>} : memref<80x64xf32, #tpu.memory_space<vmem>>, vector<1x16xf32>,
        %parallel_loop3A_583 = vector.shape_cast %parallel_loop3A_582 : vector<1x16xf32> to vector<16xf32>
        %parallel_loop3A_584 = vector.shape_cast %parallel_loop3A_579 : vector<16xf32> to vector<1x16xf32>
        tpu.vector_store %arg13[%parallel_loop3A_580, %parallel_loop3A_581], %parallel_loop3A_584 {strides = array<i32>} : memref<80x64xf32, #tpu.memory_space<vmem>>, vector<1x16xf32>,
        %parallel_loop3A_585 = arith.index_cast %parallel_loop3A_564 : i32 to index
        %parallel_loop3A_586 = arith.constant 32 : index
        %parallel_loop3A_587 = tpu.vector_load %arg11[%parallel_loop3A_585, %parallel_loop3A_586] {strides = array<i32>} : memref<80x64xf32, #tpu.memory_space<vmem>>, vector<1x16xf32>,
        %parallel_loop3A_588 = vector.shape_cast %parallel_loop3A_587 : vector<1x16xf32> to vector<16xf32>
        %parallel_loop3A_589 = arith.mulf %parallel_loop3A_588, %parallel_loop3A_562 : vector<16xf32>
        %parallel_loop3A_590 = arith.index_cast %parallel_loop3A_564 : i32 to index
        %parallel_loop3A_591 = arith.constant 32 : index
        %parallel_loop3A_592 = tpu.vector_load %arg13[%parallel_loop3A_590, %parallel_loop3A_591] {strides = array<i32>} : memref<80x64xf32, #tpu.memory_space<vmem>>, vector<1x16xf32>,
        %parallel_loop3A_593 = vector.shape_cast %parallel_loop3A_592 : vector<1x16xf32> to vector<16xf32>
        %parallel_loop3A_594 = vector.shape_cast %parallel_loop3A_589 : vector<16xf32> to vector<1x16xf32>
        tpu.vector_store %arg13[%parallel_loop3A_590, %parallel_loop3A_591], %parallel_loop3A_594 {strides = array<i32>} : memref<80x64xf32, #tpu.memory_space<vmem>>, vector<1x16xf32>,
        %parallel_loop3A_595 = arith.index_cast %parallel_loop3A_564 : i32 to index
        %parallel_loop3A_596 = arith.constant 48 : index
        %parallel_loop3A_597 = tpu.vector_load %arg11[%parallel_loop3A_595, %parallel_loop3A_596] {strides = array<i32>} : memref<80x64xf32, #tpu.memory_space<vmem>>, vector<1x16xf32>,
        %parallel_loop3A_598 = vector.shape_cast %parallel_loop3A_597 : vector<1x16xf32> to vector<16xf32>
        %parallel_loop3A_599 = arith.mulf %parallel_loop3A_598, %parallel_loop3A_562 : vector<16xf32>
        %parallel_loop3A_600 = arith.index_cast %parallel_loop3A_564 : i32 to index
        %parallel_loop3A_601 = arith.constant 48 : index
        %parallel_loop3A_602 = tpu.vector_load %arg13[%parallel_loop3A_600, %parallel_loop3A_601] {strides = array<i32>} : memref<80x64xf32, #tpu.memory_space<vmem>>, vector<1x16xf32>,
        %parallel_loop3A_603 = vector.shape_cast %parallel_loop3A_602 : vector<1x16xf32> to vector<16xf32>
        %parallel_loop3A_604 = vector.shape_cast %parallel_loop3A_599 : vector<16xf32> to vector<1x16xf32>
        tpu.vector_store %arg13[%parallel_loop3A_600, %parallel_loop3A_601], %parallel_loop3A_604 {strides = array<i32>} : memref<80x64xf32, #tpu.memory_space<vmem>>, vector<1x16xf32>,
        %parallel_loop3A_605 = arith.constant 9 : i32
        %parallel_loop3A_606 = vector.broadcast %parallel_loop3A_605 : i32 to vector<16x1xi32>
        %parallel_loop3A_607 = vector.shape_cast %parallel_loop3A_606 : vector<16x1xi32> to vector<16xi32>
        %parallel_loop3A_608 = tpu.dynamic_gather %parallel_loop3A_190[%parallel_loop3A_607] in [0] : vector<16xf32>, vector<16xi32> -> vector<16xf32>
        %parallel_loop3A_609 = arith.constant 9 : i32
        %parallel_loop3A_610 = arith.addi %parallel_loop3A_186, %parallel_loop3A_609 : i32
        %parallel_loop3A_611 = arith.index_cast %parallel_loop3A_610 : i32 to index
        %parallel_loop3A_612 = arith.constant 0 : index
        %parallel_loop3A_613 = tpu.vector_load %arg11[%parallel_loop3A_611, %parallel_loop3A_612] {strides = array<i32>} : memref<80x64xf32, #tpu.memory_space<vmem>>, vector<1x16xf32>,
        %parallel_loop3A_614 = vector.shape_cast %parallel_loop3A_613 : vector<1x16xf32> to vector<16xf32>
        %parallel_loop3A_615 = arith.mulf %parallel_loop3A_614, %parallel_loop3A_608 : vector<16xf32>
        %parallel_loop3A_616 = arith.index_cast %parallel_loop3A_610 : i32 to index
        %parallel_loop3A_617 = arith.constant 0 : index
        %parallel_loop3A_618 = tpu.vector_load %arg13[%parallel_loop3A_616, %parallel_loop3A_617] {strides = array<i32>} : memref<80x64xf32, #tpu.memory_space<vmem>>, vector<1x16xf32>,
        %parallel_loop3A_619 = vector.shape_cast %parallel_loop3A_618 : vector<1x16xf32> to vector<16xf32>
        %parallel_loop3A_620 = vector.shape_cast %parallel_loop3A_615 : vector<16xf32> to vector<1x16xf32>
        tpu.vector_store %arg13[%parallel_loop3A_616, %parallel_loop3A_617], %parallel_loop3A_620 {strides = array<i32>} : memref<80x64xf32, #tpu.memory_space<vmem>>, vector<1x16xf32>,
        %parallel_loop3A_621 = arith.index_cast %parallel_loop3A_610 : i32 to index
        %parallel_loop3A_622 = arith.constant 16 : index
        %parallel_loop3A_623 = tpu.vector_load %arg11[%parallel_loop3A_621, %parallel_loop3A_622] {strides = array<i32>} : memref<80x64xf32, #tpu.memory_space<vmem>>, vector<1x16xf32>,
        %parallel_loop3A_624 = vector.shape_cast %parallel_loop3A_623 : vector<1x16xf32> to vector<16xf32>
        %parallel_loop3A_625 = arith.mulf %parallel_loop3A_624, %parallel_loop3A_608 : vector<16xf32>
        %parallel_loop3A_626 = arith.index_cast %parallel_loop3A_610 : i32 to index
        %parallel_loop3A_627 = arith.constant 16 : index
        %parallel_loop3A_628 = tpu.vector_load %arg13[%parallel_loop3A_626, %parallel_loop3A_627] {strides = array<i32>} : memref<80x64xf32, #tpu.memory_space<vmem>>, vector<1x16xf32>,
        %parallel_loop3A_629 = vector.shape_cast %parallel_loop3A_628 : vector<1x16xf32> to vector<16xf32>
        %parallel_loop3A_630 = vector.shape_cast %parallel_loop3A_625 : vector<16xf32> to vector<1x16xf32>
        tpu.vector_store %arg13[%parallel_loop3A_626, %parallel_loop3A_627], %parallel_loop3A_630 {strides = array<i32>} : memref<80x64xf32, #tpu.memory_space<vmem>>, vector<1x16xf32>,
        %parallel_loop3A_631 = arith.index_cast %parallel_loop3A_610 : i32 to index
        %parallel_loop3A_632 = arith.constant 32 : index
        %parallel_loop3A_633 = tpu.vector_load %arg11[%parallel_loop3A_631, %parallel_loop3A_632] {strides = array<i32>} : memref<80x64xf32, #tpu.memory_space<vmem>>, vector<1x16xf32>,
        %parallel_loop3A_634 = vector.shape_cast %parallel_loop3A_633 : vector<1x16xf32> to vector<16xf32>
        %parallel_loop3A_635 = arith.mulf %parallel_loop3A_634, %parallel_loop3A_608 : vector<16xf32>
        %parallel_loop3A_636 = arith.index_cast %parallel_loop3A_610 : i32 to index
        %parallel_loop3A_637 = arith.constant 32 : index
        %parallel_loop3A_638 = tpu.vector_load %arg13[%parallel_loop3A_636, %parallel_loop3A_637] {strides = array<i32>} : memref<80x64xf32, #tpu.memory_space<vmem>>, vector<1x16xf32>,
        %parallel_loop3A_639 = vector.shape_cast %parallel_loop3A_638 : vector<1x16xf32> to vector<16xf32>
        %parallel_loop3A_640 = vector.shape_cast %parallel_loop3A_635 : vector<16xf32> to vector<1x16xf32>
        tpu.vector_store %arg13[%parallel_loop3A_636, %parallel_loop3A_637], %parallel_loop3A_640 {strides = array<i32>} : memref<80x64xf32, #tpu.memory_space<vmem>>, vector<1x16xf32>,
        %parallel_loop3A_641 = arith.index_cast %parallel_loop3A_610 : i32 to index
        %parallel_loop3A_642 = arith.constant 48 : index
        %parallel_loop3A_643 = tpu.vector_load %arg11[%parallel_loop3A_641, %parallel_loop3A_642] {strides = array<i32>} : memref<80x64xf32, #tpu.memory_space<vmem>>, vector<1x16xf32>,
        %parallel_loop3A_644 = vector.shape_cast %parallel_loop3A_643 : vector<1x16xf32> to vector<16xf32>
        %parallel_loop3A_645 = arith.mulf %parallel_loop3A_644, %parallel_loop3A_608 : vector<16xf32>
        %parallel_loop3A_646 = arith.index_cast %parallel_loop3A_610 : i32 to index
        %parallel_loop3A_647 = arith.constant 48 : index
        %parallel_loop3A_648 = tpu.vector_load %arg13[%parallel_loop3A_646, %parallel_loop3A_647] {strides = array<i32>} : memref<80x64xf32, #tpu.memory_space<vmem>>, vector<1x16xf32>,
        %parallel_loop3A_649 = vector.shape_cast %parallel_loop3A_648 : vector<1x16xf32> to vector<16xf32>
        %parallel_loop3A_650 = vector.shape_cast %parallel_loop3A_645 : vector<16xf32> to vector<1x16xf32>
        tpu.vector_store %arg13[%parallel_loop3A_646, %parallel_loop3A_647], %parallel_loop3A_650 {strides = array<i32>} : memref<80x64xf32, #tpu.memory_space<vmem>>, vector<1x16xf32>,
        %parallel_loop3A_651 = arith.constant 10 : i32
        %parallel_loop3A_652 = vector.broadcast %parallel_loop3A_651 : i32 to vector<16x1xi32>
        %parallel_loop3A_653 = vector.shape_cast %parallel_loop3A_652 : vector<16x1xi32> to vector<16xi32>
        %parallel_loop3A_654 = tpu.dynamic_gather %parallel_loop3A_190[%parallel_loop3A_653] in [0] : vector<16xf32>, vector<16xi32> -> vector<16xf32>
        %parallel_loop3A_655 = arith.constant 10 : i32
        %parallel_loop3A_656 = arith.addi %parallel_loop3A_186, %parallel_loop3A_655 : i32
        %parallel_loop3A_657 = arith.index_cast %parallel_loop3A_656 : i32 to index
        %parallel_loop3A_658 = arith.constant 0 : index
        %parallel_loop3A_659 = tpu.vector_load %arg11[%parallel_loop3A_657, %parallel_loop3A_658] {strides = array<i32>} : memref<80x64xf32, #tpu.memory_space<vmem>>, vector<1x16xf32>,
        %parallel_loop3A_660 = vector.shape_cast %parallel_loop3A_659 : vector<1x16xf32> to vector<16xf32>
        %parallel_loop3A_661 = arith.mulf %parallel_loop3A_660, %parallel_loop3A_654 : vector<16xf32>
        %parallel_loop3A_662 = arith.index_cast %parallel_loop3A_656 : i32 to index
        %parallel_loop3A_663 = arith.constant 0 : index
        %parallel_loop3A_664 = tpu.vector_load %arg13[%parallel_loop3A_662, %parallel_loop3A_663] {strides = array<i32>} : memref<80x64xf32, #tpu.memory_space<vmem>>, vector<1x16xf32>,
        %parallel_loop3A_665 = vector.shape_cast %parallel_loop3A_664 : vector<1x16xf32> to vector<16xf32>
        %parallel_loop3A_666 = vector.shape_cast %parallel_loop3A_661 : vector<16xf32> to vector<1x16xf32>
        tpu.vector_store %arg13[%parallel_loop3A_662, %parallel_loop3A_663], %parallel_loop3A_666 {strides = array<i32>} : memref<80x64xf32, #tpu.memory_space<vmem>>, vector<1x16xf32>,
        %parallel_loop3A_667 = arith.index_cast %parallel_loop3A_656 : i32 to index
        %parallel_loop3A_668 = arith.constant 16 : index
        %parallel_loop3A_669 = tpu.vector_load %arg11[%parallel_loop3A_667, %parallel_loop3A_668] {strides = array<i32>} : memref<80x64xf32, #tpu.memory_space<vmem>>, vector<1x16xf32>,
        %parallel_loop3A_670 = vector.shape_cast %parallel_loop3A_669 : vector<1x16xf32> to vector<16xf32>
        %parallel_loop3A_671 = arith.mulf %parallel_loop3A_670, %parallel_loop3A_654 : vector<16xf32>
        %parallel_loop3A_672 = arith.index_cast %parallel_loop3A_656 : i32 to index
        %parallel_loop3A_673 = arith.constant 16 : index
        %parallel_loop3A_674 = tpu.vector_load %arg13[%parallel_loop3A_672, %parallel_loop3A_673] {strides = array<i32>} : memref<80x64xf32, #tpu.memory_space<vmem>>, vector<1x16xf32>,
        %parallel_loop3A_675 = vector.shape_cast %parallel_loop3A_674 : vector<1x16xf32> to vector<16xf32>
        %parallel_loop3A_676 = vector.shape_cast %parallel_loop3A_671 : vector<16xf32> to vector<1x16xf32>
        tpu.vector_store %arg13[%parallel_loop3A_672, %parallel_loop3A_673], %parallel_loop3A_676 {strides = array<i32>} : memref<80x64xf32, #tpu.memory_space<vmem>>, vector<1x16xf32>,
        %parallel_loop3A_677 = arith.index_cast %parallel_loop3A_656 : i32 to index
        %parallel_loop3A_678 = arith.constant 32 : index
        %parallel_loop3A_679 = tpu.vector_load %arg11[%parallel_loop3A_677, %parallel_loop3A_678] {strides = array<i32>} : memref<80x64xf32, #tpu.memory_space<vmem>>, vector<1x16xf32>,
        %parallel_loop3A_680 = vector.shape_cast %parallel_loop3A_679 : vector<1x16xf32> to vector<16xf32>
        %parallel_loop3A_681 = arith.mulf %parallel_loop3A_680, %parallel_loop3A_654 : vector<16xf32>
        %parallel_loop3A_682 = arith.index_cast %parallel_loop3A_656 : i32 to index
        %parallel_loop3A_683 = arith.constant 32 : index
        %parallel_loop3A_684 = tpu.vector_load %arg13[%parallel_loop3A_682, %parallel_loop3A_683] {strides = array<i32>} : memref<80x64xf32, #tpu.memory_space<vmem>>, vector<1x16xf32>,
        %parallel_loop3A_685 = vector.shape_cast %parallel_loop3A_684 : vector<1x16xf32> to vector<16xf32>
        %parallel_loop3A_686 = vector.shape_cast %parallel_loop3A_681 : vector<16xf32> to vector<1x16xf32>
        tpu.vector_store %arg13[%parallel_loop3A_682, %parallel_loop3A_683], %parallel_loop3A_686 {strides = array<i32>} : memref<80x64xf32, #tpu.memory_space<vmem>>, vector<1x16xf32>,
        %parallel_loop3A_687 = arith.index_cast %parallel_loop3A_656 : i32 to index
        %parallel_loop3A_688 = arith.constant 48 : index
        %parallel_loop3A_689 = tpu.vector_load %arg11[%parallel_loop3A_687, %parallel_loop3A_688] {strides = array<i32>} : memref<80x64xf32, #tpu.memory_space<vmem>>, vector<1x16xf32>,
        %parallel_loop3A_690 = vector.shape_cast %parallel_loop3A_689 : vector<1x16xf32> to vector<16xf32>
        %parallel_loop3A_691 = arith.mulf %parallel_loop3A_690, %parallel_loop3A_654 : vector<16xf32>
        %parallel_loop3A_692 = arith.index_cast %parallel_loop3A_656 : i32 to index
        %parallel_loop3A_693 = arith.constant 48 : index
        %parallel_loop3A_694 = tpu.vector_load %arg13[%parallel_loop3A_692, %parallel_loop3A_693] {strides = array<i32>} : memref<80x64xf32, #tpu.memory_space<vmem>>, vector<1x16xf32>,
        %parallel_loop3A_695 = vector.shape_cast %parallel_loop3A_694 : vector<1x16xf32> to vector<16xf32>
        %parallel_loop3A_696 = vector.shape_cast %parallel_loop3A_691 : vector<16xf32> to vector<1x16xf32>
        tpu.vector_store %arg13[%parallel_loop3A_692, %parallel_loop3A_693], %parallel_loop3A_696 {strides = array<i32>} : memref<80x64xf32, #tpu.memory_space<vmem>>, vector<1x16xf32>,
        %parallel_loop3A_697 = arith.constant 11 : i32
        %parallel_loop3A_698 = vector.broadcast %parallel_loop3A_697 : i32 to vector<16x1xi32>
        %parallel_loop3A_699 = vector.shape_cast %parallel_loop3A_698 : vector<16x1xi32> to vector<16xi32>
        %parallel_loop3A_700 = tpu.dynamic_gather %parallel_loop3A_190[%parallel_loop3A_699] in [0] : vector<16xf32>, vector<16xi32> -> vector<16xf32>
        %parallel_loop3A_701 = arith.constant 11 : i32
        %parallel_loop3A_702 = arith.addi %parallel_loop3A_186, %parallel_loop3A_701 : i32
        %parallel_loop3A_703 = arith.index_cast %parallel_loop3A_702 : i32 to index
        %parallel_loop3A_704 = arith.constant 0 : index
        %parallel_loop3A_705 = tpu.vector_load %arg11[%parallel_loop3A_703, %parallel_loop3A_704] {strides = array<i32>} : memref<80x64xf32, #tpu.memory_space<vmem>>, vector<1x16xf32>,
        %parallel_loop3A_706 = vector.shape_cast %parallel_loop3A_705 : vector<1x16xf32> to vector<16xf32>
        %parallel_loop3A_707 = arith.mulf %parallel_loop3A_706, %parallel_loop3A_700 : vector<16xf32>
        %parallel_loop3A_708 = arith.index_cast %parallel_loop3A_702 : i32 to index
        %parallel_loop3A_709 = arith.constant 0 : index
        %parallel_loop3A_710 = tpu.vector_load %arg13[%parallel_loop3A_708, %parallel_loop3A_709] {strides = array<i32>} : memref<80x64xf32, #tpu.memory_space<vmem>>, vector<1x16xf32>,
        %parallel_loop3A_711 = vector.shape_cast %parallel_loop3A_710 : vector<1x16xf32> to vector<16xf32>
        %parallel_loop3A_712 = vector.shape_cast %parallel_loop3A_707 : vector<16xf32> to vector<1x16xf32>
        tpu.vector_store %arg13[%parallel_loop3A_708, %parallel_loop3A_709], %parallel_loop3A_712 {strides = array<i32>} : memref<80x64xf32, #tpu.memory_space<vmem>>, vector<1x16xf32>,
        %parallel_loop3A_713 = arith.index_cast %parallel_loop3A_702 : i32 to index
        %parallel_loop3A_714 = arith.constant 16 : index
        %parallel_loop3A_715 = tpu.vector_load %arg11[%parallel_loop3A_713, %parallel_loop3A_714] {strides = array<i32>} : memref<80x64xf32, #tpu.memory_space<vmem>>, vector<1x16xf32>,
        %parallel_loop3A_716 = vector.shape_cast %parallel_loop3A_715 : vector<1x16xf32> to vector<16xf32>
        %parallel_loop3A_717 = arith.mulf %parallel_loop3A_716, %parallel_loop3A_700 : vector<16xf32>
        %parallel_loop3A_718 = arith.index_cast %parallel_loop3A_702 : i32 to index
        %parallel_loop3A_719 = arith.constant 16 : index
        %parallel_loop3A_720 = tpu.vector_load %arg13[%parallel_loop3A_718, %parallel_loop3A_719] {strides = array<i32>} : memref<80x64xf32, #tpu.memory_space<vmem>>, vector<1x16xf32>,
        %parallel_loop3A_721 = vector.shape_cast %parallel_loop3A_720 : vector<1x16xf32> to vector<16xf32>
        %parallel_loop3A_722 = vector.shape_cast %parallel_loop3A_717 : vector<16xf32> to vector<1x16xf32>
        tpu.vector_store %arg13[%parallel_loop3A_718, %parallel_loop3A_719], %parallel_loop3A_722 {strides = array<i32>} : memref<80x64xf32, #tpu.memory_space<vmem>>, vector<1x16xf32>,
        %parallel_loop3A_723 = arith.index_cast %parallel_loop3A_702 : i32 to index
        %parallel_loop3A_724 = arith.constant 32 : index
        %parallel_loop3A_725 = tpu.vector_load %arg11[%parallel_loop3A_723, %parallel_loop3A_724] {strides = array<i32>} : memref<80x64xf32, #tpu.memory_space<vmem>>, vector<1x16xf32>,
        %parallel_loop3A_726 = vector.shape_cast %parallel_loop3A_725 : vector<1x16xf32> to vector<16xf32>
        %parallel_loop3A_727 = arith.mulf %parallel_loop3A_726, %parallel_loop3A_700 : vector<16xf32>
        %parallel_loop3A_728 = arith.index_cast %parallel_loop3A_702 : i32 to index
        %parallel_loop3A_729 = arith.constant 32 : index
        %parallel_loop3A_730 = tpu.vector_load %arg13[%parallel_loop3A_728, %parallel_loop3A_729] {strides = array<i32>} : memref<80x64xf32, #tpu.memory_space<vmem>>, vector<1x16xf32>,
        %parallel_loop3A_731 = vector.shape_cast %parallel_loop3A_730 : vector<1x16xf32> to vector<16xf32>
        %parallel_loop3A_732 = vector.shape_cast %parallel_loop3A_727 : vector<16xf32> to vector<1x16xf32>
        tpu.vector_store %arg13[%parallel_loop3A_728, %parallel_loop3A_729], %parallel_loop3A_732 {strides = array<i32>} : memref<80x64xf32, #tpu.memory_space<vmem>>, vector<1x16xf32>,
        %parallel_loop3A_733 = arith.index_cast %parallel_loop3A_702 : i32 to index
        %parallel_loop3A_734 = arith.constant 48 : index
        %parallel_loop3A_735 = tpu.vector_load %arg11[%parallel_loop3A_733, %parallel_loop3A_734] {strides = array<i32>} : memref<80x64xf32, #tpu.memory_space<vmem>>, vector<1x16xf32>,
        %parallel_loop3A_736 = vector.shape_cast %parallel_loop3A_735 : vector<1x16xf32> to vector<16xf32>
        %parallel_loop3A_737 = arith.mulf %parallel_loop3A_736, %parallel_loop3A_700 : vector<16xf32>
        %parallel_loop3A_738 = arith.index_cast %parallel_loop3A_702 : i32 to index
        %parallel_loop3A_739 = arith.constant 48 : index
        %parallel_loop3A_740 = tpu.vector_load %arg13[%parallel_loop3A_738, %parallel_loop3A_739] {strides = array<i32>} : memref<80x64xf32, #tpu.memory_space<vmem>>, vector<1x16xf32>,
        %parallel_loop3A_741 = vector.shape_cast %parallel_loop3A_740 : vector<1x16xf32> to vector<16xf32>
        %parallel_loop3A_742 = vector.shape_cast %parallel_loop3A_737 : vector<16xf32> to vector<1x16xf32>
        tpu.vector_store %arg13[%parallel_loop3A_738, %parallel_loop3A_739], %parallel_loop3A_742 {strides = array<i32>} : memref<80x64xf32, #tpu.memory_space<vmem>>, vector<1x16xf32>,
        %parallel_loop3A_743 = arith.constant 12 : i32
        %parallel_loop3A_744 = vector.broadcast %parallel_loop3A_743 : i32 to vector<16x1xi32>
        %parallel_loop3A_745 = vector.shape_cast %parallel_loop3A_744 : vector<16x1xi32> to vector<16xi32>
        %parallel_loop3A_746 = tpu.dynamic_gather %parallel_loop3A_190[%parallel_loop3A_745] in [0] : vector<16xf32>, vector<16xi32> -> vector<16xf32>
        %parallel_loop3A_747 = arith.constant 12 : i32
        %parallel_loop3A_748 = arith.addi %parallel_loop3A_186, %parallel_loop3A_747 : i32
        %parallel_loop3A_749 = arith.index_cast %parallel_loop3A_748 : i32 to index
        %parallel_loop3A_750 = arith.constant 0 : index
        %parallel_loop3A_751 = tpu.vector_load %arg11[%parallel_loop3A_749, %parallel_loop3A_750] {strides = array<i32>} : memref<80x64xf32, #tpu.memory_space<vmem>>, vector<1x16xf32>,
        %parallel_loop3A_752 = vector.shape_cast %parallel_loop3A_751 : vector<1x16xf32> to vector<16xf32>
        %parallel_loop3A_753 = arith.mulf %parallel_loop3A_752, %parallel_loop3A_746 : vector<16xf32>
        %parallel_loop3A_754 = arith.index_cast %parallel_loop3A_748 : i32 to index
        %parallel_loop3A_755 = arith.constant 0 : index
        %parallel_loop3A_756 = tpu.vector_load %arg13[%parallel_loop3A_754, %parallel_loop3A_755] {strides = array<i32>} : memref<80x64xf32, #tpu.memory_space<vmem>>, vector<1x16xf32>,
        %parallel_loop3A_757 = vector.shape_cast %parallel_loop3A_756 : vector<1x16xf32> to vector<16xf32>
        %parallel_loop3A_758 = vector.shape_cast %parallel_loop3A_753 : vector<16xf32> to vector<1x16xf32>
        tpu.vector_store %arg13[%parallel_loop3A_754, %parallel_loop3A_755], %parallel_loop3A_758 {strides = array<i32>} : memref<80x64xf32, #tpu.memory_space<vmem>>, vector<1x16xf32>,
        %parallel_loop3A_759 = arith.index_cast %parallel_loop3A_748 : i32 to index
        %parallel_loop3A_760 = arith.constant 16 : index
        %parallel_loop3A_761 = tpu.vector_load %arg11[%parallel_loop3A_759, %parallel_loop3A_760] {strides = array<i32>} : memref<80x64xf32, #tpu.memory_space<vmem>>, vector<1x16xf32>,
        %parallel_loop3A_762 = vector.shape_cast %parallel_loop3A_761 : vector<1x16xf32> to vector<16xf32>
        %parallel_loop3A_763 = arith.mulf %parallel_loop3A_762, %parallel_loop3A_746 : vector<16xf32>
        %parallel_loop3A_764 = arith.index_cast %parallel_loop3A_748 : i32 to index
        %parallel_loop3A_765 = arith.constant 16 : index
        %parallel_loop3A_766 = tpu.vector_load %arg13[%parallel_loop3A_764, %parallel_loop3A_765] {strides = array<i32>} : memref<80x64xf32, #tpu.memory_space<vmem>>, vector<1x16xf32>,
        %parallel_loop3A_767 = vector.shape_cast %parallel_loop3A_766 : vector<1x16xf32> to vector<16xf32>
        %parallel_loop3A_768 = vector.shape_cast %parallel_loop3A_763 : vector<16xf32> to vector<1x16xf32>
        tpu.vector_store %arg13[%parallel_loop3A_764, %parallel_loop3A_765], %parallel_loop3A_768 {strides = array<i32>} : memref<80x64xf32, #tpu.memory_space<vmem>>, vector<1x16xf32>,
        %parallel_loop3A_769 = arith.index_cast %parallel_loop3A_748 : i32 to index
        %parallel_loop3A_770 = arith.constant 32 : index
        %parallel_loop3A_771 = tpu.vector_load %arg11[%parallel_loop3A_769, %parallel_loop3A_770] {strides = array<i32>} : memref<80x64xf32, #tpu.memory_space<vmem>>, vector<1x16xf32>,
        %parallel_loop3A_772 = vector.shape_cast %parallel_loop3A_771 : vector<1x16xf32> to vector<16xf32>
        %parallel_loop3A_773 = arith.mulf %parallel_loop3A_772, %parallel_loop3A_746 : vector<16xf32>
        %parallel_loop3A_774 = arith.index_cast %parallel_loop3A_748 : i32 to index
        %parallel_loop3A_775 = arith.constant 32 : index
        %parallel_loop3A_776 = tpu.vector_load %arg13[%parallel_loop3A_774, %parallel_loop3A_775] {strides = array<i32>} : memref<80x64xf32, #tpu.memory_space<vmem>>, vector<1x16xf32>,
        %parallel_loop3A_777 = vector.shape_cast %parallel_loop3A_776 : vector<1x16xf32> to vector<16xf32>
        %parallel_loop3A_778 = vector.shape_cast %parallel_loop3A_773 : vector<16xf32> to vector<1x16xf32>
        tpu.vector_store %arg13[%parallel_loop3A_774, %parallel_loop3A_775], %parallel_loop3A_778 {strides = array<i32>} : memref<80x64xf32, #tpu.memory_space<vmem>>, vector<1x16xf32>,
        %parallel_loop3A_779 = arith.index_cast %parallel_loop3A_748 : i32 to index
        %parallel_loop3A_780 = arith.constant 48 : index
        %parallel_loop3A_781 = tpu.vector_load %arg11[%parallel_loop3A_779, %parallel_loop3A_780] {strides = array<i32>} : memref<80x64xf32, #tpu.memory_space<vmem>>, vector<1x16xf32>,
        %parallel_loop3A_782 = vector.shape_cast %parallel_loop3A_781 : vector<1x16xf32> to vector<16xf32>
        %parallel_loop3A_783 = arith.mulf %parallel_loop3A_782, %parallel_loop3A_746 : vector<16xf32>
        %parallel_loop3A_784 = arith.index_cast %parallel_loop3A_748 : i32 to index
        %parallel_loop3A_785 = arith.constant 48 : index
        %parallel_loop3A_786 = tpu.vector_load %arg13[%parallel_loop3A_784, %parallel_loop3A_785] {strides = array<i32>} : memref<80x64xf32, #tpu.memory_space<vmem>>, vector<1x16xf32>,
        %parallel_loop3A_787 = vector.shape_cast %parallel_loop3A_786 : vector<1x16xf32> to vector<16xf32>
        %parallel_loop3A_788 = vector.shape_cast %parallel_loop3A_783 : vector<16xf32> to vector<1x16xf32>
        tpu.vector_store %arg13[%parallel_loop3A_784, %parallel_loop3A_785], %parallel_loop3A_788 {strides = array<i32>} : memref<80x64xf32, #tpu.memory_space<vmem>>, vector<1x16xf32>,
        %parallel_loop3A_789 = arith.constant 13 : i32
        %parallel_loop3A_790 = vector.broadcast %parallel_loop3A_789 : i32 to vector<16x1xi32>
        %parallel_loop3A_791 = vector.shape_cast %parallel_loop3A_790 : vector<16x1xi32> to vector<16xi32>
        %parallel_loop3A_792 = tpu.dynamic_gather %parallel_loop3A_190[%parallel_loop3A_791] in [0] : vector<16xf32>, vector<16xi32> -> vector<16xf32>
        %parallel_loop3A_793 = arith.constant 13 : i32
        %parallel_loop3A_794 = arith.addi %parallel_loop3A_186, %parallel_loop3A_793 : i32
        %parallel_loop3A_795 = arith.index_cast %parallel_loop3A_794 : i32 to index
        %parallel_loop3A_796 = arith.constant 0 : index
        %parallel_loop3A_797 = tpu.vector_load %arg11[%parallel_loop3A_795, %parallel_loop3A_796] {strides = array<i32>} : memref<80x64xf32, #tpu.memory_space<vmem>>, vector<1x16xf32>,
        %parallel_loop3A_798 = vector.shape_cast %parallel_loop3A_797 : vector<1x16xf32> to vector<16xf32>
        %parallel_loop3A_799 = arith.mulf %parallel_loop3A_798, %parallel_loop3A_792 : vector<16xf32>
        %parallel_loop3A_800 = arith.index_cast %parallel_loop3A_794 : i32 to index
        %parallel_loop3A_801 = arith.constant 0 : index
        %parallel_loop3A_802 = tpu.vector_load %arg13[%parallel_loop3A_800, %parallel_loop3A_801] {strides = array<i32>} : memref<80x64xf32, #tpu.memory_space<vmem>>, vector<1x16xf32>,
        %parallel_loop3A_803 = vector.shape_cast %parallel_loop3A_802 : vector<1x16xf32> to vector<16xf32>
        %parallel_loop3A_804 = vector.shape_cast %parallel_loop3A_799 : vector<16xf32> to vector<1x16xf32>
        tpu.vector_store %arg13[%parallel_loop3A_800, %parallel_loop3A_801], %parallel_loop3A_804 {strides = array<i32>} : memref<80x64xf32, #tpu.memory_space<vmem>>, vector<1x16xf32>,
        %parallel_loop3A_805 = arith.index_cast %parallel_loop3A_794 : i32 to index
        %parallel_loop3A_806 = arith.constant 16 : index
        %parallel_loop3A_807 = tpu.vector_load %arg11[%parallel_loop3A_805, %parallel_loop3A_806] {strides = array<i32>} : memref<80x64xf32, #tpu.memory_space<vmem>>, vector<1x16xf32>,
        %parallel_loop3A_808 = vector.shape_cast %parallel_loop3A_807 : vector<1x16xf32> to vector<16xf32>
        %parallel_loop3A_809 = arith.mulf %parallel_loop3A_808, %parallel_loop3A_792 : vector<16xf32>
        %parallel_loop3A_810 = arith.index_cast %parallel_loop3A_794 : i32 to index
        %parallel_loop3A_811 = arith.constant 16 : index
        %parallel_loop3A_812 = tpu.vector_load %arg13[%parallel_loop3A_810, %parallel_loop3A_811] {strides = array<i32>} : memref<80x64xf32, #tpu.memory_space<vmem>>, vector<1x16xf32>,
        %parallel_loop3A_813 = vector.shape_cast %parallel_loop3A_812 : vector<1x16xf32> to vector<16xf32>
        %parallel_loop3A_814 = vector.shape_cast %parallel_loop3A_809 : vector<16xf32> to vector<1x16xf32>
        tpu.vector_store %arg13[%parallel_loop3A_810, %parallel_loop3A_811], %parallel_loop3A_814 {strides = array<i32>} : memref<80x64xf32, #tpu.memory_space<vmem>>, vector<1x16xf32>,
        %parallel_loop3A_815 = arith.index_cast %parallel_loop3A_794 : i32 to index
        %parallel_loop3A_816 = arith.constant 32 : index
        %parallel_loop3A_817 = tpu.vector_load %arg11[%parallel_loop3A_815, %parallel_loop3A_816] {strides = array<i32>} : memref<80x64xf32, #tpu.memory_space<vmem>>, vector<1x16xf32>,
        %parallel_loop3A_818 = vector.shape_cast %parallel_loop3A_817 : vector<1x16xf32> to vector<16xf32>
        %parallel_loop3A_819 = arith.mulf %parallel_loop3A_818, %parallel_loop3A_792 : vector<16xf32>
        %parallel_loop3A_820 = arith.index_cast %parallel_loop3A_794 : i32 to index
        %parallel_loop3A_821 = arith.constant 32 : index
        %parallel_loop3A_822 = tpu.vector_load %arg13[%parallel_loop3A_820, %parallel_loop3A_821] {strides = array<i32>} : memref<80x64xf32, #tpu.memory_space<vmem>>, vector<1x16xf32>,
        %parallel_loop3A_823 = vector.shape_cast %parallel_loop3A_822 : vector<1x16xf32> to vector<16xf32>
        %parallel_loop3A_824 = vector.shape_cast %parallel_loop3A_819 : vector<16xf32> to vector<1x16xf32>
        tpu.vector_store %arg13[%parallel_loop3A_820, %parallel_loop3A_821], %parallel_loop3A_824 {strides = array<i32>} : memref<80x64xf32, #tpu.memory_space<vmem>>, vector<1x16xf32>,
        %parallel_loop3A_825 = arith.index_cast %parallel_loop3A_794 : i32 to index
        %parallel_loop3A_826 = arith.constant 48 : index
        %parallel_loop3A_827 = tpu.vector_load %arg11[%parallel_loop3A_825, %parallel_loop3A_826] {strides = array<i32>} : memref<80x64xf32, #tpu.memory_space<vmem>>, vector<1x16xf32>,
        %parallel_loop3A_828 = vector.shape_cast %parallel_loop3A_827 : vector<1x16xf32> to vector<16xf32>
        %parallel_loop3A_829 = arith.mulf %parallel_loop3A_828, %parallel_loop3A_792 : vector<16xf32>
        %parallel_loop3A_830 = arith.index_cast %parallel_loop3A_794 : i32 to index
        %parallel_loop3A_831 = arith.constant 48 : index
        %parallel_loop3A_832 = tpu.vector_load %arg13[%parallel_loop3A_830, %parallel_loop3A_831] {strides = array<i32>} : memref<80x64xf32, #tpu.memory_space<vmem>>, vector<1x16xf32>,
        %parallel_loop3A_833 = vector.shape_cast %parallel_loop3A_832 : vector<1x16xf32> to vector<16xf32>
        %parallel_loop3A_834 = vector.shape_cast %parallel_loop3A_829 : vector<16xf32> to vector<1x16xf32>
        tpu.vector_store %arg13[%parallel_loop3A_830, %parallel_loop3A_831], %parallel_loop3A_834 {strides = array<i32>} : memref<80x64xf32, #tpu.memory_space<vmem>>, vector<1x16xf32>,
        %parallel_loop3A_835 = arith.constant 14 : i32
        %parallel_loop3A_836 = vector.broadcast %parallel_loop3A_835 : i32 to vector<16x1xi32>
        %parallel_loop3A_837 = vector.shape_cast %parallel_loop3A_836 : vector<16x1xi32> to vector<16xi32>
        %parallel_loop3A_838 = tpu.dynamic_gather %parallel_loop3A_190[%parallel_loop3A_837] in [0] : vector<16xf32>, vector<16xi32> -> vector<16xf32>
        %parallel_loop3A_839 = arith.constant 14 : i32
        %parallel_loop3A_840 = arith.addi %parallel_loop3A_186, %parallel_loop3A_839 : i32
        %parallel_loop3A_841 = arith.index_cast %parallel_loop3A_840 : i32 to index
        %parallel_loop3A_842 = arith.constant 0 : index
        %parallel_loop3A_843 = tpu.vector_load %arg11[%parallel_loop3A_841, %parallel_loop3A_842] {strides = array<i32>} : memref<80x64xf32, #tpu.memory_space<vmem>>, vector<1x16xf32>,
        %parallel_loop3A_844 = vector.shape_cast %parallel_loop3A_843 : vector<1x16xf32> to vector<16xf32>
        %parallel_loop3A_845 = arith.mulf %parallel_loop3A_844, %parallel_loop3A_838 : vector<16xf32>
        %parallel_loop3A_846 = arith.index_cast %parallel_loop3A_840 : i32 to index
        %parallel_loop3A_847 = arith.constant 0 : index
        %parallel_loop3A_848 = tpu.vector_load %arg13[%parallel_loop3A_846, %parallel_loop3A_847] {strides = array<i32>} : memref<80x64xf32, #tpu.memory_space<vmem>>, vector<1x16xf32>,
        %parallel_loop3A_849 = vector.shape_cast %parallel_loop3A_848 : vector<1x16xf32> to vector<16xf32>
        %parallel_loop3A_850 = vector.shape_cast %parallel_loop3A_845 : vector<16xf32> to vector<1x16xf32>
        tpu.vector_store %arg13[%parallel_loop3A_846, %parallel_loop3A_847], %parallel_loop3A_850 {strides = array<i32>} : memref<80x64xf32, #tpu.memory_space<vmem>>, vector<1x16xf32>,
        %parallel_loop3A_851 = arith.index_cast %parallel_loop3A_840 : i32 to index
        %parallel_loop3A_852 = arith.constant 16 : index
        %parallel_loop3A_853 = tpu.vector_load %arg11[%parallel_loop3A_851, %parallel_loop3A_852] {strides = array<i32>} : memref<80x64xf32, #tpu.memory_space<vmem>>, vector<1x16xf32>,
        %parallel_loop3A_854 = vector.shape_cast %parallel_loop3A_853 : vector<1x16xf32> to vector<16xf32>
        %parallel_loop3A_855 = arith.mulf %parallel_loop3A_854, %parallel_loop3A_838 : vector<16xf32>
        %parallel_loop3A_856 = arith.index_cast %parallel_loop3A_840 : i32 to index
        %parallel_loop3A_857 = arith.constant 16 : index
        %parallel_loop3A_858 = tpu.vector_load %arg13[%parallel_loop3A_856, %parallel_loop3A_857] {strides = array<i32>} : memref<80x64xf32, #tpu.memory_space<vmem>>, vector<1x16xf32>,
        %parallel_loop3A_859 = vector.shape_cast %parallel_loop3A_858 : vector<1x16xf32> to vector<16xf32>
        %parallel_loop3A_860 = vector.shape_cast %parallel_loop3A_855 : vector<16xf32> to vector<1x16xf32>
        tpu.vector_store %arg13[%parallel_loop3A_856, %parallel_loop3A_857], %parallel_loop3A_860 {strides = array<i32>} : memref<80x64xf32, #tpu.memory_space<vmem>>, vector<1x16xf32>,
        %parallel_loop3A_861 = arith.index_cast %parallel_loop3A_840 : i32 to index
        %parallel_loop3A_862 = arith.constant 32 : index
        %parallel_loop3A_863 = tpu.vector_load %arg11[%parallel_loop3A_861, %parallel_loop3A_862] {strides = array<i32>} : memref<80x64xf32, #tpu.memory_space<vmem>>, vector<1x16xf32>,
        %parallel_loop3A_864 = vector.shape_cast %parallel_loop3A_863 : vector<1x16xf32> to vector<16xf32>
        %parallel_loop3A_865 = arith.mulf %parallel_loop3A_864, %parallel_loop3A_838 : vector<16xf32>
        %parallel_loop3A_866 = arith.index_cast %parallel_loop3A_840 : i32 to index
        %parallel_loop3A_867 = arith.constant 32 : index
        %parallel_loop3A_868 = tpu.vector_load %arg13[%parallel_loop3A_866, %parallel_loop3A_867] {strides = array<i32>} : memref<80x64xf32, #tpu.memory_space<vmem>>, vector<1x16xf32>,
        %parallel_loop3A_869 = vector.shape_cast %parallel_loop3A_868 : vector<1x16xf32> to vector<16xf32>
        %parallel_loop3A_870 = vector.shape_cast %parallel_loop3A_865 : vector<16xf32> to vector<1x16xf32>
        tpu.vector_store %arg13[%parallel_loop3A_866, %parallel_loop3A_867], %parallel_loop3A_870 {strides = array<i32>} : memref<80x64xf32, #tpu.memory_space<vmem>>, vector<1x16xf32>,
        %parallel_loop3A_871 = arith.index_cast %parallel_loop3A_840 : i32 to index
        %parallel_loop3A_872 = arith.constant 48 : index
        %parallel_loop3A_873 = tpu.vector_load %arg11[%parallel_loop3A_871, %parallel_loop3A_872] {strides = array<i32>} : memref<80x64xf32, #tpu.memory_space<vmem>>, vector<1x16xf32>,
        %parallel_loop3A_874 = vector.shape_cast %parallel_loop3A_873 : vector<1x16xf32> to vector<16xf32>
        %parallel_loop3A_875 = arith.mulf %parallel_loop3A_874, %parallel_loop3A_838 : vector<16xf32>
        %parallel_loop3A_876 = arith.index_cast %parallel_loop3A_840 : i32 to index
        %parallel_loop3A_877 = arith.constant 48 : index
        %parallel_loop3A_878 = tpu.vector_load %arg13[%parallel_loop3A_876, %parallel_loop3A_877] {strides = array<i32>} : memref<80x64xf32, #tpu.memory_space<vmem>>, vector<1x16xf32>,
        %parallel_loop3A_879 = vector.shape_cast %parallel_loop3A_878 : vector<1x16xf32> to vector<16xf32>
        %parallel_loop3A_880 = vector.shape_cast %parallel_loop3A_875 : vector<16xf32> to vector<1x16xf32>
        tpu.vector_store %arg13[%parallel_loop3A_876, %parallel_loop3A_877], %parallel_loop3A_880 {strides = array<i32>} : memref<80x64xf32, #tpu.memory_space<vmem>>, vector<1x16xf32>,
        %parallel_loop3A_881 = arith.constant 15 : i32
        %parallel_loop3A_882 = vector.broadcast %parallel_loop3A_881 : i32 to vector<16x1xi32>
        %parallel_loop3A_883 = vector.shape_cast %parallel_loop3A_882 : vector<16x1xi32> to vector<16xi32>
        %parallel_loop3A_884 = tpu.dynamic_gather %parallel_loop3A_190[%parallel_loop3A_883] in [0] : vector<16xf32>, vector<16xi32> -> vector<16xf32>
        %parallel_loop3A_885 = arith.constant 15 : i32
        %parallel_loop3A_886 = arith.addi %parallel_loop3A_186, %parallel_loop3A_885 : i32
        %parallel_loop3A_887 = arith.index_cast %parallel_loop3A_886 : i32 to index
        %parallel_loop3A_888 = arith.constant 0 : index
        %parallel_loop3A_889 = tpu.vector_load %arg11[%parallel_loop3A_887, %parallel_loop3A_888] {strides = array<i32>} : memref<80x64xf32, #tpu.memory_space<vmem>>, vector<1x16xf32>,
        %parallel_loop3A_890 = vector.shape_cast %parallel_loop3A_889 : vector<1x16xf32> to vector<16xf32>
        %parallel_loop3A_891 = arith.mulf %parallel_loop3A_890, %parallel_loop3A_884 : vector<16xf32>
        %parallel_loop3A_892 = arith.index_cast %parallel_loop3A_886 : i32 to index
        %parallel_loop3A_893 = arith.constant 0 : index
        %parallel_loop3A_894 = tpu.vector_load %arg13[%parallel_loop3A_892, %parallel_loop3A_893] {strides = array<i32>} : memref<80x64xf32, #tpu.memory_space<vmem>>, vector<1x16xf32>,
        %parallel_loop3A_895 = vector.shape_cast %parallel_loop3A_894 : vector<1x16xf32> to vector<16xf32>
        %parallel_loop3A_896 = vector.shape_cast %parallel_loop3A_891 : vector<16xf32> to vector<1x16xf32>
        tpu.vector_store %arg13[%parallel_loop3A_892, %parallel_loop3A_893], %parallel_loop3A_896 {strides = array<i32>} : memref<80x64xf32, #tpu.memory_space<vmem>>, vector<1x16xf32>,
        %parallel_loop3A_897 = arith.index_cast %parallel_loop3A_886 : i32 to index
        %parallel_loop3A_898 = arith.constant 16 : index
        %parallel_loop3A_899 = tpu.vector_load %arg11[%parallel_loop3A_897, %parallel_loop3A_898] {strides = array<i32>} : memref<80x64xf32, #tpu.memory_space<vmem>>, vector<1x16xf32>,
        %parallel_loop3A_900 = vector.shape_cast %parallel_loop3A_899 : vector<1x16xf32> to vector<16xf32>
        %parallel_loop3A_901 = arith.mulf %parallel_loop3A_900, %parallel_loop3A_884 : vector<16xf32>
        %parallel_loop3A_902 = arith.index_cast %parallel_loop3A_886 : i32 to index
        %parallel_loop3A_903 = arith.constant 16 : index
        %parallel_loop3A_904 = tpu.vector_load %arg13[%parallel_loop3A_902, %parallel_loop3A_903] {strides = array<i32>} : memref<80x64xf32, #tpu.memory_space<vmem>>, vector<1x16xf32>,
        %parallel_loop3A_905 = vector.shape_cast %parallel_loop3A_904 : vector<1x16xf32> to vector<16xf32>
        %parallel_loop3A_906 = vector.shape_cast %parallel_loop3A_901 : vector<16xf32> to vector<1x16xf32>
        tpu.vector_store %arg13[%parallel_loop3A_902, %parallel_loop3A_903], %parallel_loop3A_906 {strides = array<i32>} : memref<80x64xf32, #tpu.memory_space<vmem>>, vector<1x16xf32>,
        %parallel_loop3A_907 = arith.index_cast %parallel_loop3A_886 : i32 to index
        %parallel_loop3A_908 = arith.constant 32 : index
        %parallel_loop3A_909 = tpu.vector_load %arg11[%parallel_loop3A_907, %parallel_loop3A_908] {strides = array<i32>} : memref<80x64xf32, #tpu.memory_space<vmem>>, vector<1x16xf32>,
        %parallel_loop3A_910 = vector.shape_cast %parallel_loop3A_909 : vector<1x16xf32> to vector<16xf32>
        %parallel_loop3A_911 = arith.mulf %parallel_loop3A_910, %parallel_loop3A_884 : vector<16xf32>
        %parallel_loop3A_912 = arith.index_cast %parallel_loop3A_886 : i32 to index
        %parallel_loop3A_913 = arith.constant 32 : index
        %parallel_loop3A_914 = tpu.vector_load %arg13[%parallel_loop3A_912, %parallel_loop3A_913] {strides = array<i32>} : memref<80x64xf32, #tpu.memory_space<vmem>>, vector<1x16xf32>,
        %parallel_loop3A_915 = vector.shape_cast %parallel_loop3A_914 : vector<1x16xf32> to vector<16xf32>
        %parallel_loop3A_916 = vector.shape_cast %parallel_loop3A_911 : vector<16xf32> to vector<1x16xf32>
        tpu.vector_store %arg13[%parallel_loop3A_912, %parallel_loop3A_913], %parallel_loop3A_916 {strides = array<i32>} : memref<80x64xf32, #tpu.memory_space<vmem>>, vector<1x16xf32>,
        %parallel_loop3A_917 = arith.index_cast %parallel_loop3A_886 : i32 to index
        %parallel_loop3A_918 = arith.constant 48 : index
        %parallel_loop3A_919 = tpu.vector_load %arg11[%parallel_loop3A_917, %parallel_loop3A_918] {strides = array<i32>} : memref<80x64xf32, #tpu.memory_space<vmem>>, vector<1x16xf32>,
        %parallel_loop3A_920 = vector.shape_cast %parallel_loop3A_919 : vector<1x16xf32> to vector<16xf32>
        %parallel_loop3A_921 = arith.mulf %parallel_loop3A_920, %parallel_loop3A_884 : vector<16xf32>
        %parallel_loop3A_922 = arith.index_cast %parallel_loop3A_886 : i32 to index
        %parallel_loop3A_923 = arith.constant 48 : index
        %parallel_loop3A_924 = tpu.vector_load %arg13[%parallel_loop3A_922, %parallel_loop3A_923] {strides = array<i32>} : memref<80x64xf32, #tpu.memory_space<vmem>>, vector<1x16xf32>,
        %parallel_loop3A_925 = vector.shape_cast %parallel_loop3A_924 : vector<1x16xf32> to vector<16xf32>
        %parallel_loop3A_926 = vector.shape_cast %parallel_loop3A_921 : vector<16xf32> to vector<1x16xf32>
        tpu.vector_store %arg13[%parallel_loop3A_922, %parallel_loop3A_923], %parallel_loop3A_926 {strides = array<i32>} : memref<80x64xf32, #tpu.memory_space<vmem>>, vector<1x16xf32>,
        scf.yield %parallel_loop3A_184 : i32
      } {sc.loop_unroll_factor = 2 : i64, sc.parallel_access}
      %add3A_134 = arith.constant 2 : i32
      %add3A_135 = arith.addi %add3A_115, %add3A_134 : i32
      %lt3A = arith.constant 250 : i32
      %lt3A_136 = arith.cmpi slt, %add3A_135, %lt3A : i32
      %convert_element_type3A_137 = arith.extui %lt3A_136 : i1 to i32
      %cond3A_138 = arith.constant 0 : i32
      %cond3A_139 = arith.cmpi ne, %convert_element_type3A_137, %cond3A_138 : i32
      scf.if %cond3A_139 {
        %add3A_183 = arith.constant 2 : i32
        %add3A_184 = arith.addi %add3A_115, %add3A_183 : i32
        %dma_start3A_185 = arith.constant 0 : i32
        %dma_start3A_186 = tpu.memref_slice %arg9[%add3A_184, %dma_start3A_185] : memref<250x80xi32, #tpu.memory_space<vmem>> -> memref<1x80xi32, #tpu.memory_space<vmem>>
        %dma_start3A_187 = tpu.memref_squeeze %dma_start3A_186 : memref<1x80xi32, #tpu.memory_space<vmem>> -> memref<80xi32, #tpu.memory_space<vmem>>
        %dma_start3A_188 = arith.constant 0 : i32
        %dma_start3A_189 = arith.constant 0 : i32
        %dma_start3A_190 = tpu.memref_slice %arg5[%arg0, %dma_start3A_188, %dma_start3A_189] : memref<2x10000x64xf32, #tpu.memory_space<hbm>> -> memref<1x10000x64xf32, #tpu.memory_space<hbm>>
        %dma_start3A_191 = tpu.memref_squeeze %dma_start3A_190 : memref<1x10000x64xf32, #tpu.memory_space<hbm>> -> memref<10000x64xf32, #tpu.memory_space<hbm>>
        %dma_start3A_192 = arith.constant 0 : i32
        %dma_start3A_193 = arith.constant 0 : i32
        %dma_start3A_194 = tpu.memref_slice %dma_start3A_191[%dma_start3A_192, %dma_start3A_193] : memref<10000x64xf32, #tpu.memory_space<hbm>> -> memref<10000x64xf32, #tpu.memory_space<hbm>>
        tpu.enqueue_indirect_dma source(%dma_start3A_194 : memref<10000x64xf32, #tpu.memory_space<hbm>>) target(%arg11 : memref<80x64xf32, #tpu.memory_space<vmem>>) offsets(%dma_start3A_187 : memref<80xi32, #tpu.memory_space<vmem>>) semaphore(%arg16 : memref<!tpu.dma_semaphore, #tpu.memory_space<semaphore_mem>>)
      } else {
      }
      %dma_start3A_140 = arith.constant 0 : i32
      %dma_start3A_141 = tpu.memref_slice %arg8[%add3A_115, %dma_start3A_140] : memref<250x80xi32, #tpu.memory_space<vmem>> -> memref<1x80xi32, #tpu.memory_space<vmem>>
      %dma_start3A_142 = tpu.memref_squeeze %dma_start3A_141 : memref<1x80xi32, #tpu.memory_space<vmem>> -> memref<80xi32, #tpu.memory_space<vmem>>
      %dma_start3A_143 = arith.constant 0 : i32
      %dma_start3A_144 = arith.constant 0 : i32
      %dma_start3A_145 = tpu.memref_slice %arg15[%dma_start3A_143, %dma_start3A_144] : memref<10000x64xf32, #tpu.memory_space<vmem_shared>> -> memref<10000x64xf32, #tpu.memory_space<vmem_shared>>
      tpu.enqueue_indirect_dma source(%arg13 : memref<80x64xf32, #tpu.memory_space<vmem>>) target(%dma_start3A_145 : memref<10000x64xf32, #tpu.memory_space<vmem_shared>>) offsets(%dma_start3A_142 : memref<80xi32, #tpu.memory_space<vmem>>) semaphore(%arg18 : memref<!tpu.dma_semaphore, #tpu.memory_space<semaphore_mem>>) {add = true}
      %mul3A_146 = arith.constant 2 : i32
      %mul3A_147 = arith.muli %mul3A_146, %scan3A_112 : i32
      %add3A_148 = arith.constant 1 : i32
      %add3A_149 = arith.addi %mul3A_147, %add3A_148 : i32
      %dma_wait3A_150 = arith.constant 0 : i32
      %dma_wait3A_151 = tpu.memref_slice %arg9[%add3A_149, %dma_wait3A_150] : memref<250x80xi32, #tpu.memory_space<vmem>> -> memref<1x80xi32, #tpu.memory_space<vmem>>
      %dma_wait3A_152 = tpu.memref_squeeze %dma_wait3A_151 : memref<1x80xi32, #tpu.memory_space<vmem>> -> memref<80xi32, #tpu.memory_space<vmem>>
      %dma_wait3A_153 = arith.constant 0 : i32
      %dma_wait3A_154 = arith.constant 0 : i32
      %dma_wait3A_155 = tpu.memref_slice %arg5[%arg0, %dma_wait3A_153, %dma_wait3A_154] : memref<2x10000x64xf32, #tpu.memory_space<hbm>> -> memref<1x10000x64xf32, #tpu.memory_space<hbm>>
      %dma_wait3A_156 = tpu.memref_squeeze %dma_wait3A_155 : memref<1x10000x64xf32, #tpu.memory_space<hbm>> -> memref<10000x64xf32, #tpu.memory_space<hbm>>
      %dma_wait3A_157 = arith.constant 0 : i32
      %dma_wait3A_158 = arith.constant 0 : i32
      %dma_wait3A_159 = tpu.memref_slice %dma_wait3A_156[%dma_wait3A_157, %dma_wait3A_158] : memref<10000x64xf32, #tpu.memory_space<hbm>> -> memref<10000x64xf32, #tpu.memory_space<hbm>>
      tpu.wait_indirect_dma semaphore(%arg17 : memref<!tpu.dma_semaphore, #tpu.memory_space<semaphore_mem>>) src(%dma_wait3A_159 : memref<10000x64xf32, #tpu.memory_space<hbm>>) dst(%arg12 : memref<80x64xf32, #tpu.memory_space<vmem>>)
      %ge3A_160 = arith.constant 2 : i32
      %ge3A_161 = arith.cmpi sge, %add3A_149, %ge3A_160 : i32
      %convert_element_type3A_162 = arith.extui %ge3A_161 : i1 to i32
      %cond3A_163 = arith.constant 0 : i32
      %cond3A_164 = arith.cmpi ne, %convert_element_type3A_162, %cond3A_163 : i32
      scf.if %cond3A_164 {
        %sub3A = arith.constant 2 : i32
        %sub3A_183 = arith.subi %add3A_149, %sub3A : i32
        %dma_wait3A_184 = arith.constant 0 : i32
        %dma_wait3A_185 = tpu.memref_slice %arg8[%sub3A_183, %dma_wait3A_184] : memref<250x80xi32, #tpu.memory_space<vmem>> -> memref<1x80xi32, #tpu.memory_space<vmem>>
        %dma_wait3A_186 = tpu.memref_squeeze %dma_wait3A_185 : memref<1x80xi32, #tpu.memory_space<vmem>> -> memref<80xi32, #tpu.memory_space<vmem>>
        %dma_wait3A_187 = arith.constant 0 : i32
        %dma_wait3A_188 = arith.constant 0 : i32
        %dma_wait3A_189 = tpu.memref_slice %arg15[%dma_wait3A_187, %dma_wait3A_188] : memref<10000x64xf32, #tpu.memory_space<vmem_shared>> -> memref<10000x64xf32, #tpu.memory_space<vmem_shared>>
        tpu.wait_indirect_dma semaphore(%arg19 : memref<!tpu.dma_semaphore, #tpu.memory_space<semaphore_mem>>) src(%arg14 : memref<80x64xf32, #tpu.memory_space<vmem>>) dst(%dma_wait3A_189 : memref<10000x64xf32, #tpu.memory_space<vmem_shared>>)
      } else {
      }
      %parallel_loop3A_165 = arith.constant 0 : i32
      %parallel_loop3A_166 = arith.constant 5 : i32
      %parallel_loop3A_167 = arith.constant 1 : i32
      %parallel_loop3A_168 = arith.constant 0 : i32
      %parallel_loop3A_169 = scf.for %parallel_loop3A_183 = %parallel_loop3A_165 to %parallel_loop3A_166 step %parallel_loop3A_167 iter_args(%parallel_loop3A_184 = %parallel_loop3A_168) -> (i32)  : i32 {
        %parallel_loop3A_185 = arith.constant 16 : i32
        %parallel_loop3A_186 = arith.muli %parallel_loop3A_183, %parallel_loop3A_185 : i32
        %parallel_loop3A_187 = arith.index_cast %add3A_149 : i32 to index
        %parallel_loop3A_188 = arith.index_cast %parallel_loop3A_186 : i32 to index
        %parallel_loop3A_189 = tpu.vector_load %arg10[%parallel_loop3A_187, %parallel_loop3A_188] {strides = array<i32>} : memref<250x80xf32, #tpu.memory_space<vmem>>, vector<1x16xf32>,
        %parallel_loop3A_190 = vector.shape_cast %parallel_loop3A_189 : vector<1x16xf32> to vector<16xf32>
        %parallel_loop3A_191 = arith.constant 0 : i32
        %parallel_loop3A_192 = vector.broadcast %parallel_loop3A_191 : i32 to vector<16x1xi32>
        %parallel_loop3A_193 = vector.shape_cast %parallel_loop3A_192 : vector<16x1xi32> to vector<16xi32>
        %parallel_loop3A_194 = tpu.dynamic_gather %parallel_loop3A_190[%parallel_loop3A_193] in [0] : vector<16xf32>, vector<16xi32> -> vector<16xf32>
        %parallel_loop3A_195 = arith.constant 0 : i32
        %parallel_loop3A_196 = arith.addi %parallel_loop3A_186, %parallel_loop3A_195 : i32
        %parallel_loop3A_197 = arith.index_cast %parallel_loop3A_196 : i32 to index
        %parallel_loop3A_198 = arith.constant 0 : index
        %parallel_loop3A_199 = tpu.vector_load %arg12[%parallel_loop3A_197, %parallel_loop3A_198] {strides = array<i32>} : memref<80x64xf32, #tpu.memory_space<vmem>>, vector<1x16xf32>,
        %parallel_loop3A_200 = vector.shape_cast %parallel_loop3A_199 : vector<1x16xf32> to vector<16xf32>
        %parallel_loop3A_201 = arith.mulf %parallel_loop3A_200, %parallel_loop3A_194 : vector<16xf32>
        %parallel_loop3A_202 = arith.index_cast %parallel_loop3A_196 : i32 to index
        %parallel_loop3A_203 = arith.constant 0 : index
        %parallel_loop3A_204 = tpu.vector_load %arg14[%parallel_loop3A_202, %parallel_loop3A_203] {strides = array<i32>} : memref<80x64xf32, #tpu.memory_space<vmem>>, vector<1x16xf32>,
        %parallel_loop3A_205 = vector.shape_cast %parallel_loop3A_204 : vector<1x16xf32> to vector<16xf32>
        %parallel_loop3A_206 = vector.shape_cast %parallel_loop3A_201 : vector<16xf32> to vector<1x16xf32>
        tpu.vector_store %arg14[%parallel_loop3A_202, %parallel_loop3A_203], %parallel_loop3A_206 {strides = array<i32>} : memref<80x64xf32, #tpu.memory_space<vmem>>, vector<1x16xf32>,
        %parallel_loop3A_207 = arith.index_cast %parallel_loop3A_196 : i32 to index
        %parallel_loop3A_208 = arith.constant 16 : index
        %parallel_loop3A_209 = tpu.vector_load %arg12[%parallel_loop3A_207, %parallel_loop3A_208] {strides = array<i32>} : memref<80x64xf32, #tpu.memory_space<vmem>>, vector<1x16xf32>,
        %parallel_loop3A_210 = vector.shape_cast %parallel_loop3A_209 : vector<1x16xf32> to vector<16xf32>
        %parallel_loop3A_211 = arith.mulf %parallel_loop3A_210, %parallel_loop3A_194 : vector<16xf32>
        %parallel_loop3A_212 = arith.index_cast %parallel_loop3A_196 : i32 to index
        %parallel_loop3A_213 = arith.constant 16 : index
        %parallel_loop3A_214 = tpu.vector_load %arg14[%parallel_loop3A_212, %parallel_loop3A_213] {strides = array<i32>} : memref<80x64xf32, #tpu.memory_space<vmem>>, vector<1x16xf32>,
        %parallel_loop3A_215 = vector.shape_cast %parallel_loop3A_214 : vector<1x16xf32> to vector<16xf32>
        %parallel_loop3A_216 = vector.shape_cast %parallel_loop3A_211 : vector<16xf32> to vector<1x16xf32>
        tpu.vector_store %arg14[%parallel_loop3A_212, %parallel_loop3A_213], %parallel_loop3A_216 {strides = array<i32>} : memref<80x64xf32, #tpu.memory_space<vmem>>, vector<1x16xf32>,
        %parallel_loop3A_217 = arith.index_cast %parallel_loop3A_196 : i32 to index
        %parallel_loop3A_218 = arith.constant 32 : index
        %parallel_loop3A_219 = tpu.vector_load %arg12[%parallel_loop3A_217, %parallel_loop3A_218] {strides = array<i32>} : memref<80x64xf32, #tpu.memory_space<vmem>>, vector<1x16xf32>,
        %parallel_loop3A_220 = vector.shape_cast %parallel_loop3A_219 : vector<1x16xf32> to vector<16xf32>
        %parallel_loop3A_221 = arith.mulf %parallel_loop3A_220, %parallel_loop3A_194 : vector<16xf32>
        %parallel_loop3A_222 = arith.index_cast %parallel_loop3A_196 : i32 to index
        %parallel_loop3A_223 = arith.constant 32 : index
        %parallel_loop3A_224 = tpu.vector_load %arg14[%parallel_loop3A_222, %parallel_loop3A_223] {strides = array<i32>} : memref<80x64xf32, #tpu.memory_space<vmem>>, vector<1x16xf32>,
        %parallel_loop3A_225 = vector.shape_cast %parallel_loop3A_224 : vector<1x16xf32> to vector<16xf32>
        %parallel_loop3A_226 = vector.shape_cast %parallel_loop3A_221 : vector<16xf32> to vector<1x16xf32>
        tpu.vector_store %arg14[%parallel_loop3A_222, %parallel_loop3A_223], %parallel_loop3A_226 {strides = array<i32>} : memref<80x64xf32, #tpu.memory_space<vmem>>, vector<1x16xf32>,
        %parallel_loop3A_227 = arith.index_cast %parallel_loop3A_196 : i32 to index
        %parallel_loop3A_228 = arith.constant 48 : index
        %parallel_loop3A_229 = tpu.vector_load %arg12[%parallel_loop3A_227, %parallel_loop3A_228] {strides = array<i32>} : memref<80x64xf32, #tpu.memory_space<vmem>>, vector<1x16xf32>,
        %parallel_loop3A_230 = vector.shape_cast %parallel_loop3A_229 : vector<1x16xf32> to vector<16xf32>
        %parallel_loop3A_231 = arith.mulf %parallel_loop3A_230, %parallel_loop3A_194 : vector<16xf32>
        %parallel_loop3A_232 = arith.index_cast %parallel_loop3A_196 : i32 to index
        %parallel_loop3A_233 = arith.constant 48 : index
        %parallel_loop3A_234 = tpu.vector_load %arg14[%parallel_loop3A_232, %parallel_loop3A_233] {strides = array<i32>} : memref<80x64xf32, #tpu.memory_space<vmem>>, vector<1x16xf32>,
        %parallel_loop3A_235 = vector.shape_cast %parallel_loop3A_234 : vector<1x16xf32> to vector<16xf32>
        %parallel_loop3A_236 = vector.shape_cast %parallel_loop3A_231 : vector<16xf32> to vector<1x16xf32>
        tpu.vector_store %arg14[%parallel_loop3A_232, %parallel_loop3A_233], %parallel_loop3A_236 {strides = array<i32>} : memref<80x64xf32, #tpu.memory_space<vmem>>, vector<1x16xf32>,
        %parallel_loop3A_237 = arith.constant 1 : i32
        %parallel_loop3A_238 = vector.broadcast %parallel_loop3A_237 : i32 to vector<16x1xi32>
        %parallel_loop3A_239 = vector.shape_cast %parallel_loop3A_238 : vector<16x1xi32> to vector<16xi32>
        %parallel_loop3A_240 = tpu.dynamic_gather %parallel_loop3A_190[%parallel_loop3A_239] in [0] : vector<16xf32>, vector<16xi32> -> vector<16xf32>
        %parallel_loop3A_241 = arith.constant 1 : i32
        %parallel_loop3A_242 = arith.addi %parallel_loop3A_186, %parallel_loop3A_241 : i32
        %parallel_loop3A_243 = arith.index_cast %parallel_loop3A_242 : i32 to index
        %parallel_loop3A_244 = arith.constant 0 : index
        %parallel_loop3A_245 = tpu.vector_load %arg12[%parallel_loop3A_243, %parallel_loop3A_244] {strides = array<i32>} : memref<80x64xf32, #tpu.memory_space<vmem>>, vector<1x16xf32>,
        %parallel_loop3A_246 = vector.shape_cast %parallel_loop3A_245 : vector<1x16xf32> to vector<16xf32>
        %parallel_loop3A_247 = arith.mulf %parallel_loop3A_246, %parallel_loop3A_240 : vector<16xf32>
        %parallel_loop3A_248 = arith.index_cast %parallel_loop3A_242 : i32 to index
        %parallel_loop3A_249 = arith.constant 0 : index
        %parallel_loop3A_250 = tpu.vector_load %arg14[%parallel_loop3A_248, %parallel_loop3A_249] {strides = array<i32>} : memref<80x64xf32, #tpu.memory_space<vmem>>, vector<1x16xf32>,
        %parallel_loop3A_251 = vector.shape_cast %parallel_loop3A_250 : vector<1x16xf32> to vector<16xf32>
        %parallel_loop3A_252 = vector.shape_cast %parallel_loop3A_247 : vector<16xf32> to vector<1x16xf32>
        tpu.vector_store %arg14[%parallel_loop3A_248, %parallel_loop3A_249], %parallel_loop3A_252 {strides = array<i32>} : memref<80x64xf32, #tpu.memory_space<vmem>>, vector<1x16xf32>,
        %parallel_loop3A_253 = arith.index_cast %parallel_loop3A_242 : i32 to index
        %parallel_loop3A_254 = arith.constant 16 : index
        %parallel_loop3A_255 = tpu.vector_load %arg12[%parallel_loop3A_253, %parallel_loop3A_254] {strides = array<i32>} : memref<80x64xf32, #tpu.memory_space<vmem>>, vector<1x16xf32>,
        %parallel_loop3A_256 = vector.shape_cast %parallel_loop3A_255 : vector<1x16xf32> to vector<16xf32>
        %parallel_loop3A_257 = arith.mulf %parallel_loop3A_256, %parallel_loop3A_240 : vector<16xf32>
        %parallel_loop3A_258 = arith.index_cast %parallel_loop3A_242 : i32 to index
        %parallel_loop3A_259 = arith.constant 16 : index
        %parallel_loop3A_260 = tpu.vector_load %arg14[%parallel_loop3A_258, %parallel_loop3A_259] {strides = array<i32>} : memref<80x64xf32, #tpu.memory_space<vmem>>, vector<1x16xf32>,
        %parallel_loop3A_261 = vector.shape_cast %parallel_loop3A_260 : vector<1x16xf32> to vector<16xf32>
        %parallel_loop3A_262 = vector.shape_cast %parallel_loop3A_257 : vector<16xf32> to vector<1x16xf32>
        tpu.vector_store %arg14[%parallel_loop3A_258, %parallel_loop3A_259], %parallel_loop3A_262 {strides = array<i32>} : memref<80x64xf32, #tpu.memory_space<vmem>>, vector<1x16xf32>,
        %parallel_loop3A_263 = arith.index_cast %parallel_loop3A_242 : i32 to index
        %parallel_loop3A_264 = arith.constant 32 : index
        %parallel_loop3A_265 = tpu.vector_load %arg12[%parallel_loop3A_263, %parallel_loop3A_264] {strides = array<i32>} : memref<80x64xf32, #tpu.memory_space<vmem>>, vector<1x16xf32>,
        %parallel_loop3A_266 = vector.shape_cast %parallel_loop3A_265 : vector<1x16xf32> to vector<16xf32>
        %parallel_loop3A_267 = arith.mulf %parallel_loop3A_266, %parallel_loop3A_240 : vector<16xf32>
        %parallel_loop3A_268 = arith.index_cast %parallel_loop3A_242 : i32 to index
        %parallel_loop3A_269 = arith.constant 32 : index
        %parallel_loop3A_270 = tpu.vector_load %arg14[%parallel_loop3A_268, %parallel_loop3A_269] {strides = array<i32>} : memref<80x64xf32, #tpu.memory_space<vmem>>, vector<1x16xf32>,
        %parallel_loop3A_271 = vector.shape_cast %parallel_loop3A_270 : vector<1x16xf32> to vector<16xf32>
        %parallel_loop3A_272 = vector.shape_cast %parallel_loop3A_267 : vector<16xf32> to vector<1x16xf32>
        tpu.vector_store %arg14[%parallel_loop3A_268, %parallel_loop3A_269], %parallel_loop3A_272 {strides = array<i32>} : memref<80x64xf32, #tpu.memory_space<vmem>>, vector<1x16xf32>,
        %parallel_loop3A_273 = arith.index_cast %parallel_loop3A_242 : i32 to index
        %parallel_loop3A_274 = arith.constant 48 : index
        %parallel_loop3A_275 = tpu.vector_load %arg12[%parallel_loop3A_273, %parallel_loop3A_274] {strides = array<i32>} : memref<80x64xf32, #tpu.memory_space<vmem>>, vector<1x16xf32>,
        %parallel_loop3A_276 = vector.shape_cast %parallel_loop3A_275 : vector<1x16xf32> to vector<16xf32>
        %parallel_loop3A_277 = arith.mulf %parallel_loop3A_276, %parallel_loop3A_240 : vector<16xf32>
        %parallel_loop3A_278 = arith.index_cast %parallel_loop3A_242 : i32 to index
        %parallel_loop3A_279 = arith.constant 48 : index
        %parallel_loop3A_280 = tpu.vector_load %arg14[%parallel_loop3A_278, %parallel_loop3A_279] {strides = array<i32>} : memref<80x64xf32, #tpu.memory_space<vmem>>, vector<1x16xf32>,
        %parallel_loop3A_281 = vector.shape_cast %parallel_loop3A_280 : vector<1x16xf32> to vector<16xf32>
        %parallel_loop3A_282 = vector.shape_cast %parallel_loop3A_277 : vector<16xf32> to vector<1x16xf32>
        tpu.vector_store %arg14[%parallel_loop3A_278, %parallel_loop3A_279], %parallel_loop3A_282 {strides = array<i32>} : memref<80x64xf32, #tpu.memory_space<vmem>>, vector<1x16xf32>,
        %parallel_loop3A_283 = arith.constant 2 : i32
        %parallel_loop3A_284 = vector.broadcast %parallel_loop3A_283 : i32 to vector<16x1xi32>
        %parallel_loop3A_285 = vector.shape_cast %parallel_loop3A_284 : vector<16x1xi32> to vector<16xi32>
        %parallel_loop3A_286 = tpu.dynamic_gather %parallel_loop3A_190[%parallel_loop3A_285] in [0] : vector<16xf32>, vector<16xi32> -> vector<16xf32>
        %parallel_loop3A_287 = arith.constant 2 : i32
        %parallel_loop3A_288 = arith.addi %parallel_loop3A_186, %parallel_loop3A_287 : i32
        %parallel_loop3A_289 = arith.index_cast %parallel_loop3A_288 : i32 to index
        %parallel_loop3A_290 = arith.constant 0 : index
        %parallel_loop3A_291 = tpu.vector_load %arg12[%parallel_loop3A_289, %parallel_loop3A_290] {strides = array<i32>} : memref<80x64xf32, #tpu.memory_space<vmem>>, vector<1x16xf32>,
        %parallel_loop3A_292 = vector.shape_cast %parallel_loop3A_291 : vector<1x16xf32> to vector<16xf32>
        %parallel_loop3A_293 = arith.mulf %parallel_loop3A_292, %parallel_loop3A_286 : vector<16xf32>
        %parallel_loop3A_294 = arith.index_cast %parallel_loop3A_288 : i32 to index
        %parallel_loop3A_295 = arith.constant 0 : index
        %parallel_loop3A_296 = tpu.vector_load %arg14[%parallel_loop3A_294, %parallel_loop3A_295] {strides = array<i32>} : memref<80x64xf32, #tpu.memory_space<vmem>>, vector<1x16xf32>,
        %parallel_loop3A_297 = vector.shape_cast %parallel_loop3A_296 : vector<1x16xf32> to vector<16xf32>
        %parallel_loop3A_298 = vector.shape_cast %parallel_loop3A_293 : vector<16xf32> to vector<1x16xf32>
        tpu.vector_store %arg14[%parallel_loop3A_294, %parallel_loop3A_295], %parallel_loop3A_298 {strides = array<i32>} : memref<80x64xf32, #tpu.memory_space<vmem>>, vector<1x16xf32>,
        %parallel_loop3A_299 = arith.index_cast %parallel_loop3A_288 : i32 to index
        %parallel_loop3A_300 = arith.constant 16 : index
        %parallel_loop3A_301 = tpu.vector_load %arg12[%parallel_loop3A_299, %parallel_loop3A_300] {strides = array<i32>} : memref<80x64xf32, #tpu.memory_space<vmem>>, vector<1x16xf32>,
        %parallel_loop3A_302 = vector.shape_cast %parallel_loop3A_301 : vector<1x16xf32> to vector<16xf32>
        %parallel_loop3A_303 = arith.mulf %parallel_loop3A_302, %parallel_loop3A_286 : vector<16xf32>
        %parallel_loop3A_304 = arith.index_cast %parallel_loop3A_288 : i32 to index
        %parallel_loop3A_305 = arith.constant 16 : index
        %parallel_loop3A_306 = tpu.vector_load %arg14[%parallel_loop3A_304, %parallel_loop3A_305] {strides = array<i32>} : memref<80x64xf32, #tpu.memory_space<vmem>>, vector<1x16xf32>,
        %parallel_loop3A_307 = vector.shape_cast %parallel_loop3A_306 : vector<1x16xf32> to vector<16xf32>
        %parallel_loop3A_308 = vector.shape_cast %parallel_loop3A_303 : vector<16xf32> to vector<1x16xf32>
        tpu.vector_store %arg14[%parallel_loop3A_304, %parallel_loop3A_305], %parallel_loop3A_308 {strides = array<i32>} : memref<80x64xf32, #tpu.memory_space<vmem>>, vector<1x16xf32>,
        %parallel_loop3A_309 = arith.index_cast %parallel_loop3A_288 : i32 to index
        %parallel_loop3A_310 = arith.constant 32 : index
        %parallel_loop3A_311 = tpu.vector_load %arg12[%parallel_loop3A_309, %parallel_loop3A_310] {strides = array<i32>} : memref<80x64xf32, #tpu.memory_space<vmem>>, vector<1x16xf32>,
        %parallel_loop3A_312 = vector.shape_cast %parallel_loop3A_311 : vector<1x16xf32> to vector<16xf32>
        %parallel_loop3A_313 = arith.mulf %parallel_loop3A_312, %parallel_loop3A_286 : vector<16xf32>
        %parallel_loop3A_314 = arith.index_cast %parallel_loop3A_288 : i32 to index
        %parallel_loop3A_315 = arith.constant 32 : index
        %parallel_loop3A_316 = tpu.vector_load %arg14[%parallel_loop3A_314, %parallel_loop3A_315] {strides = array<i32>} : memref<80x64xf32, #tpu.memory_space<vmem>>, vector<1x16xf32>,
        %parallel_loop3A_317 = vector.shape_cast %parallel_loop3A_316 : vector<1x16xf32> to vector<16xf32>
        %parallel_loop3A_318 = vector.shape_cast %parallel_loop3A_313 : vector<16xf32> to vector<1x16xf32>
        tpu.vector_store %arg14[%parallel_loop3A_314, %parallel_loop3A_315], %parallel_loop3A_318 {strides = array<i32>} : memref<80x64xf32, #tpu.memory_space<vmem>>, vector<1x16xf32>,
        %parallel_loop3A_319 = arith.index_cast %parallel_loop3A_288 : i32 to index
        %parallel_loop3A_320 = arith.constant 48 : index
        %parallel_loop3A_321 = tpu.vector_load %arg12[%parallel_loop3A_319, %parallel_loop3A_320] {strides = array<i32>} : memref<80x64xf32, #tpu.memory_space<vmem>>, vector<1x16xf32>,
        %parallel_loop3A_322 = vector.shape_cast %parallel_loop3A_321 : vector<1x16xf32> to vector<16xf32>
        %parallel_loop3A_323 = arith.mulf %parallel_loop3A_322, %parallel_loop3A_286 : vector<16xf32>
        %parallel_loop3A_324 = arith.index_cast %parallel_loop3A_288 : i32 to index
        %parallel_loop3A_325 = arith.constant 48 : index
        %parallel_loop3A_326 = tpu.vector_load %arg14[%parallel_loop3A_324, %parallel_loop3A_325] {strides = array<i32>} : memref<80x64xf32, #tpu.memory_space<vmem>>, vector<1x16xf32>,
        %parallel_loop3A_327 = vector.shape_cast %parallel_loop3A_326 : vector<1x16xf32> to vector<16xf32>
        %parallel_loop3A_328 = vector.shape_cast %parallel_loop3A_323 : vector<16xf32> to vector<1x16xf32>
        tpu.vector_store %arg14[%parallel_loop3A_324, %parallel_loop3A_325], %parallel_loop3A_328 {strides = array<i32>} : memref<80x64xf32, #tpu.memory_space<vmem>>, vector<1x16xf32>,
        %parallel_loop3A_329 = arith.constant 3 : i32
        %parallel_loop3A_330 = vector.broadcast %parallel_loop3A_329 : i32 to vector<16x1xi32>
        %parallel_loop3A_331 = vector.shape_cast %parallel_loop3A_330 : vector<16x1xi32> to vector<16xi32>
        %parallel_loop3A_332 = tpu.dynamic_gather %parallel_loop3A_190[%parallel_loop3A_331] in [0] : vector<16xf32>, vector<16xi32> -> vector<16xf32>
        %parallel_loop3A_333 = arith.constant 3 : i32
        %parallel_loop3A_334 = arith.addi %parallel_loop3A_186, %parallel_loop3A_333 : i32
        %parallel_loop3A_335 = arith.index_cast %parallel_loop3A_334 : i32 to index
        %parallel_loop3A_336 = arith.constant 0 : index
        %parallel_loop3A_337 = tpu.vector_load %arg12[%parallel_loop3A_335, %parallel_loop3A_336] {strides = array<i32>} : memref<80x64xf32, #tpu.memory_space<vmem>>, vector<1x16xf32>,
        %parallel_loop3A_338 = vector.shape_cast %parallel_loop3A_337 : vector<1x16xf32> to vector<16xf32>
        %parallel_loop3A_339 = arith.mulf %parallel_loop3A_338, %parallel_loop3A_332 : vector<16xf32>
        %parallel_loop3A_340 = arith.index_cast %parallel_loop3A_334 : i32 to index
        %parallel_loop3A_341 = arith.constant 0 : index
        %parallel_loop3A_342 = tpu.vector_load %arg14[%parallel_loop3A_340, %parallel_loop3A_341] {strides = array<i32>} : memref<80x64xf32, #tpu.memory_space<vmem>>, vector<1x16xf32>,
        %parallel_loop3A_343 = vector.shape_cast %parallel_loop3A_342 : vector<1x16xf32> to vector<16xf32>
        %parallel_loop3A_344 = vector.shape_cast %parallel_loop3A_339 : vector<16xf32> to vector<1x16xf32>
        tpu.vector_store %arg14[%parallel_loop3A_340, %parallel_loop3A_341], %parallel_loop3A_344 {strides = array<i32>} : memref<80x64xf32, #tpu.memory_space<vmem>>, vector<1x16xf32>,
        %parallel_loop3A_345 = arith.index_cast %parallel_loop3A_334 : i32 to index
        %parallel_loop3A_346 = arith.constant 16 : index
        %parallel_loop3A_347 = tpu.vector_load %arg12[%parallel_loop3A_345, %parallel_loop3A_346] {strides = array<i32>} : memref<80x64xf32, #tpu.memory_space<vmem>>, vector<1x16xf32>,
        %parallel_loop3A_348 = vector.shape_cast %parallel_loop3A_347 : vector<1x16xf32> to vector<16xf32>
        %parallel_loop3A_349 = arith.mulf %parallel_loop3A_348, %parallel_loop3A_332 : vector<16xf32>
        %parallel_loop3A_350 = arith.index_cast %parallel_loop3A_334 : i32 to index
        %parallel_loop3A_351 = arith.constant 16 : index
        %parallel_loop3A_352 = tpu.vector_load %arg14[%parallel_loop3A_350, %parallel_loop3A_351] {strides = array<i32>} : memref<80x64xf32, #tpu.memory_space<vmem>>, vector<1x16xf32>,
        %parallel_loop3A_353 = vector.shape_cast %parallel_loop3A_352 : vector<1x16xf32> to vector<16xf32>
        %parallel_loop3A_354 = vector.shape_cast %parallel_loop3A_349 : vector<16xf32> to vector<1x16xf32>
        tpu.vector_store %arg14[%parallel_loop3A_350, %parallel_loop3A_351], %parallel_loop3A_354 {strides = array<i32>} : memref<80x64xf32, #tpu.memory_space<vmem>>, vector<1x16xf32>,
        %parallel_loop3A_355 = arith.index_cast %parallel_loop3A_334 : i32 to index
        %parallel_loop3A_356 = arith.constant 32 : index
        %parallel_loop3A_357 = tpu.vector_load %arg12[%parallel_loop3A_355, %parallel_loop3A_356] {strides = array<i32>} : memref<80x64xf32, #tpu.memory_space<vmem>>, vector<1x16xf32>,
        %parallel_loop3A_358 = vector.shape_cast %parallel_loop3A_357 : vector<1x16xf32> to vector<16xf32>
        %parallel_loop3A_359 = arith.mulf %parallel_loop3A_358, %parallel_loop3A_332 : vector<16xf32>
        %parallel_loop3A_360 = arith.index_cast %parallel_loop3A_334 : i32 to index
        %parallel_loop3A_361 = arith.constant 32 : index
        %parallel_loop3A_362 = tpu.vector_load %arg14[%parallel_loop3A_360, %parallel_loop3A_361] {strides = array<i32>} : memref<80x64xf32, #tpu.memory_space<vmem>>, vector<1x16xf32>,
        %parallel_loop3A_363 = vector.shape_cast %parallel_loop3A_362 : vector<1x16xf32> to vector<16xf32>
        %parallel_loop3A_364 = vector.shape_cast %parallel_loop3A_359 : vector<16xf32> to vector<1x16xf32>
        tpu.vector_store %arg14[%parallel_loop3A_360, %parallel_loop3A_361], %parallel_loop3A_364 {strides = array<i32>} : memref<80x64xf32, #tpu.memory_space<vmem>>, vector<1x16xf32>,
        %parallel_loop3A_365 = arith.index_cast %parallel_loop3A_334 : i32 to index
        %parallel_loop3A_366 = arith.constant 48 : index
        %parallel_loop3A_367 = tpu.vector_load %arg12[%parallel_loop3A_365, %parallel_loop3A_366] {strides = array<i32>} : memref<80x64xf32, #tpu.memory_space<vmem>>, vector<1x16xf32>,
        %parallel_loop3A_368 = vector.shape_cast %parallel_loop3A_367 : vector<1x16xf32> to vector<16xf32>
        %parallel_loop3A_369 = arith.mulf %parallel_loop3A_368, %parallel_loop3A_332 : vector<16xf32>
        %parallel_loop3A_370 = arith.index_cast %parallel_loop3A_334 : i32 to index
        %parallel_loop3A_371 = arith.constant 48 : index
        %parallel_loop3A_372 = tpu.vector_load %arg14[%parallel_loop3A_370, %parallel_loop3A_371] {strides = array<i32>} : memref<80x64xf32, #tpu.memory_space<vmem>>, vector<1x16xf32>,
        %parallel_loop3A_373 = vector.shape_cast %parallel_loop3A_372 : vector<1x16xf32> to vector<16xf32>
        %parallel_loop3A_374 = vector.shape_cast %parallel_loop3A_369 : vector<16xf32> to vector<1x16xf32>
        tpu.vector_store %arg14[%parallel_loop3A_370, %parallel_loop3A_371], %parallel_loop3A_374 {strides = array<i32>} : memref<80x64xf32, #tpu.memory_space<vmem>>, vector<1x16xf32>,
        %parallel_loop3A_375 = arith.constant 4 : i32
        %parallel_loop3A_376 = vector.broadcast %parallel_loop3A_375 : i32 to vector<16x1xi32>
        %parallel_loop3A_377 = vector.shape_cast %parallel_loop3A_376 : vector<16x1xi32> to vector<16xi32>
        %parallel_loop3A_378 = tpu.dynamic_gather %parallel_loop3A_190[%parallel_loop3A_377] in [0] : vector<16xf32>, vector<16xi32> -> vector<16xf32>
        %parallel_loop3A_379 = arith.constant 4 : i32
        %parallel_loop3A_380 = arith.addi %parallel_loop3A_186, %parallel_loop3A_379 : i32
        %parallel_loop3A_381 = arith.index_cast %parallel_loop3A_380 : i32 to index
        %parallel_loop3A_382 = arith.constant 0 : index
        %parallel_loop3A_383 = tpu.vector_load %arg12[%parallel_loop3A_381, %parallel_loop3A_382] {strides = array<i32>} : memref<80x64xf32, #tpu.memory_space<vmem>>, vector<1x16xf32>,
        %parallel_loop3A_384 = vector.shape_cast %parallel_loop3A_383 : vector<1x16xf32> to vector<16xf32>
        %parallel_loop3A_385 = arith.mulf %parallel_loop3A_384, %parallel_loop3A_378 : vector<16xf32>
        %parallel_loop3A_386 = arith.index_cast %parallel_loop3A_380 : i32 to index
        %parallel_loop3A_387 = arith.constant 0 : index
        %parallel_loop3A_388 = tpu.vector_load %arg14[%parallel_loop3A_386, %parallel_loop3A_387] {strides = array<i32>} : memref<80x64xf32, #tpu.memory_space<vmem>>, vector<1x16xf32>,
        %parallel_loop3A_389 = vector.shape_cast %parallel_loop3A_388 : vector<1x16xf32> to vector<16xf32>
        %parallel_loop3A_390 = vector.shape_cast %parallel_loop3A_385 : vector<16xf32> to vector<1x16xf32>
        tpu.vector_store %arg14[%parallel_loop3A_386, %parallel_loop3A_387], %parallel_loop3A_390 {strides = array<i32>} : memref<80x64xf32, #tpu.memory_space<vmem>>, vector<1x16xf32>,
        %parallel_loop3A_391 = arith.index_cast %parallel_loop3A_380 : i32 to index
        %parallel_loop3A_392 = arith.constant 16 : index
        %parallel_loop3A_393 = tpu.vector_load %arg12[%parallel_loop3A_391, %parallel_loop3A_392] {strides = array<i32>} : memref<80x64xf32, #tpu.memory_space<vmem>>, vector<1x16xf32>,
        %parallel_loop3A_394 = vector.shape_cast %parallel_loop3A_393 : vector<1x16xf32> to vector<16xf32>
        %parallel_loop3A_395 = arith.mulf %parallel_loop3A_394, %parallel_loop3A_378 : vector<16xf32>
        %parallel_loop3A_396 = arith.index_cast %parallel_loop3A_380 : i32 to index
        %parallel_loop3A_397 = arith.constant 16 : index
        %parallel_loop3A_398 = tpu.vector_load %arg14[%parallel_loop3A_396, %parallel_loop3A_397] {strides = array<i32>} : memref<80x64xf32, #tpu.memory_space<vmem>>, vector<1x16xf32>,
        %parallel_loop3A_399 = vector.shape_cast %parallel_loop3A_398 : vector<1x16xf32> to vector<16xf32>
        %parallel_loop3A_400 = vector.shape_cast %parallel_loop3A_395 : vector<16xf32> to vector<1x16xf32>
        tpu.vector_store %arg14[%parallel_loop3A_396, %parallel_loop3A_397], %parallel_loop3A_400 {strides = array<i32>} : memref<80x64xf32, #tpu.memory_space<vmem>>, vector<1x16xf32>,
        %parallel_loop3A_401 = arith.index_cast %parallel_loop3A_380 : i32 to index
        %parallel_loop3A_402 = arith.constant 32 : index
        %parallel_loop3A_403 = tpu.vector_load %arg12[%parallel_loop3A_401, %parallel_loop3A_402] {strides = array<i32>} : memref<80x64xf32, #tpu.memory_space<vmem>>, vector<1x16xf32>,
        %parallel_loop3A_404 = vector.shape_cast %parallel_loop3A_403 : vector<1x16xf32> to vector<16xf32>
        %parallel_loop3A_405 = arith.mulf %parallel_loop3A_404, %parallel_loop3A_378 : vector<16xf32>
        %parallel_loop3A_406 = arith.index_cast %parallel_loop3A_380 : i32 to index
        %parallel_loop3A_407 = arith.constant 32 : index
        %parallel_loop3A_408 = tpu.vector_load %arg14[%parallel_loop3A_406, %parallel_loop3A_407] {strides = array<i32>} : memref<80x64xf32, #tpu.memory_space<vmem>>, vector<1x16xf32>,
        %parallel_loop3A_409 = vector.shape_cast %parallel_loop3A_408 : vector<1x16xf32> to vector<16xf32>
        %parallel_loop3A_410 = vector.shape_cast %parallel_loop3A_405 : vector<16xf32> to vector<1x16xf32>
        tpu.vector_store %arg14[%parallel_loop3A_406, %parallel_loop3A_407], %parallel_loop3A_410 {strides = array<i32>} : memref<80x64xf32, #tpu.memory_space<vmem>>, vector<1x16xf32>,
        %parallel_loop3A_411 = arith.index_cast %parallel_loop3A_380 : i32 to index
        %parallel_loop3A_412 = arith.constant 48 : index
        %parallel_loop3A_413 = tpu.vector_load %arg12[%parallel_loop3A_411, %parallel_loop3A_412] {strides = array<i32>} : memref<80x64xf32, #tpu.memory_space<vmem>>, vector<1x16xf32>,
        %parallel_loop3A_414 = vector.shape_cast %parallel_loop3A_413 : vector<1x16xf32> to vector<16xf32>
        %parallel_loop3A_415 = arith.mulf %parallel_loop3A_414, %parallel_loop3A_378 : vector<16xf32>
        %parallel_loop3A_416 = arith.index_cast %parallel_loop3A_380 : i32 to index
        %parallel_loop3A_417 = arith.constant 48 : index
        %parallel_loop3A_418 = tpu.vector_load %arg14[%parallel_loop3A_416, %parallel_loop3A_417] {strides = array<i32>} : memref<80x64xf32, #tpu.memory_space<vmem>>, vector<1x16xf32>,
        %parallel_loop3A_419 = vector.shape_cast %parallel_loop3A_418 : vector<1x16xf32> to vector<16xf32>
        %parallel_loop3A_420 = vector.shape_cast %parallel_loop3A_415 : vector<16xf32> to vector<1x16xf32>
        tpu.vector_store %arg14[%parallel_loop3A_416, %parallel_loop3A_417], %parallel_loop3A_420 {strides = array<i32>} : memref<80x64xf32, #tpu.memory_space<vmem>>, vector<1x16xf32>,
        %parallel_loop3A_421 = arith.constant 5 : i32
        %parallel_loop3A_422 = vector.broadcast %parallel_loop3A_421 : i32 to vector<16x1xi32>
        %parallel_loop3A_423 = vector.shape_cast %parallel_loop3A_422 : vector<16x1xi32> to vector<16xi32>
        %parallel_loop3A_424 = tpu.dynamic_gather %parallel_loop3A_190[%parallel_loop3A_423] in [0] : vector<16xf32>, vector<16xi32> -> vector<16xf32>
        %parallel_loop3A_425 = arith.constant 5 : i32
        %parallel_loop3A_426 = arith.addi %parallel_loop3A_186, %parallel_loop3A_425 : i32
        %parallel_loop3A_427 = arith.index_cast %parallel_loop3A_426 : i32 to index
        %parallel_loop3A_428 = arith.constant 0 : index
        %parallel_loop3A_429 = tpu.vector_load %arg12[%parallel_loop3A_427, %parallel_loop3A_428] {strides = array<i32>} : memref<80x64xf32, #tpu.memory_space<vmem>>, vector<1x16xf32>,
        %parallel_loop3A_430 = vector.shape_cast %parallel_loop3A_429 : vector<1x16xf32> to vector<16xf32>
        %parallel_loop3A_431 = arith.mulf %parallel_loop3A_430, %parallel_loop3A_424 : vector<16xf32>
        %parallel_loop3A_432 = arith.index_cast %parallel_loop3A_426 : i32 to index
        %parallel_loop3A_433 = arith.constant 0 : index
        %parallel_loop3A_434 = tpu.vector_load %arg14[%parallel_loop3A_432, %parallel_loop3A_433] {strides = array<i32>} : memref<80x64xf32, #tpu.memory_space<vmem>>, vector<1x16xf32>,
        %parallel_loop3A_435 = vector.shape_cast %parallel_loop3A_434 : vector<1x16xf32> to vector<16xf32>
        %parallel_loop3A_436 = vector.shape_cast %parallel_loop3A_431 : vector<16xf32> to vector<1x16xf32>
        tpu.vector_store %arg14[%parallel_loop3A_432, %parallel_loop3A_433], %parallel_loop3A_436 {strides = array<i32>} : memref<80x64xf32, #tpu.memory_space<vmem>>, vector<1x16xf32>,
        %parallel_loop3A_437 = arith.index_cast %parallel_loop3A_426 : i32 to index
        %parallel_loop3A_438 = arith.constant 16 : index
        %parallel_loop3A_439 = tpu.vector_load %arg12[%parallel_loop3A_437, %parallel_loop3A_438] {strides = array<i32>} : memref<80x64xf32, #tpu.memory_space<vmem>>, vector<1x16xf32>,
        %parallel_loop3A_440 = vector.shape_cast %parallel_loop3A_439 : vector<1x16xf32> to vector<16xf32>
        %parallel_loop3A_441 = arith.mulf %parallel_loop3A_440, %parallel_loop3A_424 : vector<16xf32>
        %parallel_loop3A_442 = arith.index_cast %parallel_loop3A_426 : i32 to index
        %parallel_loop3A_443 = arith.constant 16 : index
        %parallel_loop3A_444 = tpu.vector_load %arg14[%parallel_loop3A_442, %parallel_loop3A_443] {strides = array<i32>} : memref<80x64xf32, #tpu.memory_space<vmem>>, vector<1x16xf32>,
        %parallel_loop3A_445 = vector.shape_cast %parallel_loop3A_444 : vector<1x16xf32> to vector<16xf32>
        %parallel_loop3A_446 = vector.shape_cast %parallel_loop3A_441 : vector<16xf32> to vector<1x16xf32>
        tpu.vector_store %arg14[%parallel_loop3A_442, %parallel_loop3A_443], %parallel_loop3A_446 {strides = array<i32>} : memref<80x64xf32, #tpu.memory_space<vmem>>, vector<1x16xf32>,
        %parallel_loop3A_447 = arith.index_cast %parallel_loop3A_426 : i32 to index
        %parallel_loop3A_448 = arith.constant 32 : index
        %parallel_loop3A_449 = tpu.vector_load %arg12[%parallel_loop3A_447, %parallel_loop3A_448] {strides = array<i32>} : memref<80x64xf32, #tpu.memory_space<vmem>>, vector<1x16xf32>,
        %parallel_loop3A_450 = vector.shape_cast %parallel_loop3A_449 : vector<1x16xf32> to vector<16xf32>
        %parallel_loop3A_451 = arith.mulf %parallel_loop3A_450, %parallel_loop3A_424 : vector<16xf32>
        %parallel_loop3A_452 = arith.index_cast %parallel_loop3A_426 : i32 to index
        %parallel_loop3A_453 = arith.constant 32 : index
        %parallel_loop3A_454 = tpu.vector_load %arg14[%parallel_loop3A_452, %parallel_loop3A_453] {strides = array<i32>} : memref<80x64xf32, #tpu.memory_space<vmem>>, vector<1x16xf32>,
        %parallel_loop3A_455 = vector.shape_cast %parallel_loop3A_454 : vector<1x16xf32> to vector<16xf32>
        %parallel_loop3A_456 = vector.shape_cast %parallel_loop3A_451 : vector<16xf32> to vector<1x16xf32>
        tpu.vector_store %arg14[%parallel_loop3A_452, %parallel_loop3A_453], %parallel_loop3A_456 {strides = array<i32>} : memref<80x64xf32, #tpu.memory_space<vmem>>, vector<1x16xf32>,
        %parallel_loop3A_457 = arith.index_cast %parallel_loop3A_426 : i32 to index
        %parallel_loop3A_458 = arith.constant 48 : index
        %parallel_loop3A_459 = tpu.vector_load %arg12[%parallel_loop3A_457, %parallel_loop3A_458] {strides = array<i32>} : memref<80x64xf32, #tpu.memory_space<vmem>>, vector<1x16xf32>,
        %parallel_loop3A_460 = vector.shape_cast %parallel_loop3A_459 : vector<1x16xf32> to vector<16xf32>
        %parallel_loop3A_461 = arith.mulf %parallel_loop3A_460, %parallel_loop3A_424 : vector<16xf32>
        %parallel_loop3A_462 = arith.index_cast %parallel_loop3A_426 : i32 to index
        %parallel_loop3A_463 = arith.constant 48 : index
        %parallel_loop3A_464 = tpu.vector_load %arg14[%parallel_loop3A_462, %parallel_loop3A_463] {strides = array<i32>} : memref<80x64xf32, #tpu.memory_space<vmem>>, vector<1x16xf32>,
        %parallel_loop3A_465 = vector.shape_cast %parallel_loop3A_464 : vector<1x16xf32> to vector<16xf32>
        %parallel_loop3A_466 = vector.shape_cast %parallel_loop3A_461 : vector<16xf32> to vector<1x16xf32>
        tpu.vector_store %arg14[%parallel_loop3A_462, %parallel_loop3A_463], %parallel_loop3A_466 {strides = array<i32>} : memref<80x64xf32, #tpu.memory_space<vmem>>, vector<1x16xf32>,
        %parallel_loop3A_467 = arith.constant 6 : i32
        %parallel_loop3A_468 = vector.broadcast %parallel_loop3A_467 : i32 to vector<16x1xi32>
        %parallel_loop3A_469 = vector.shape_cast %parallel_loop3A_468 : vector<16x1xi32> to vector<16xi32>
        %parallel_loop3A_470 = tpu.dynamic_gather %parallel_loop3A_190[%parallel_loop3A_469] in [0] : vector<16xf32>, vector<16xi32> -> vector<16xf32>
        %parallel_loop3A_471 = arith.constant 6 : i32
        %parallel_loop3A_472 = arith.addi %parallel_loop3A_186, %parallel_loop3A_471 : i32
        %parallel_loop3A_473 = arith.index_cast %parallel_loop3A_472 : i32 to index
        %parallel_loop3A_474 = arith.constant 0 : index
        %parallel_loop3A_475 = tpu.vector_load %arg12[%parallel_loop3A_473, %parallel_loop3A_474] {strides = array<i32>} : memref<80x64xf32, #tpu.memory_space<vmem>>, vector<1x16xf32>,
        %parallel_loop3A_476 = vector.shape_cast %parallel_loop3A_475 : vector<1x16xf32> to vector<16xf32>
        %parallel_loop3A_477 = arith.mulf %parallel_loop3A_476, %parallel_loop3A_470 : vector<16xf32>
        %parallel_loop3A_478 = arith.index_cast %parallel_loop3A_472 : i32 to index
        %parallel_loop3A_479 = arith.constant 0 : index
        %parallel_loop3A_480 = tpu.vector_load %arg14[%parallel_loop3A_478, %parallel_loop3A_479] {strides = array<i32>} : memref<80x64xf32, #tpu.memory_space<vmem>>, vector<1x16xf32>,
        %parallel_loop3A_481 = vector.shape_cast %parallel_loop3A_480 : vector<1x16xf32> to vector<16xf32>
        %parallel_loop3A_482 = vector.shape_cast %parallel_loop3A_477 : vector<16xf32> to vector<1x16xf32>
        tpu.vector_store %arg14[%parallel_loop3A_478, %parallel_loop3A_479], %parallel_loop3A_482 {strides = array<i32>} : memref<80x64xf32, #tpu.memory_space<vmem>>, vector<1x16xf32>,
        %parallel_loop3A_483 = arith.index_cast %parallel_loop3A_472 : i32 to index
        %parallel_loop3A_484 = arith.constant 16 : index
        %parallel_loop3A_485 = tpu.vector_load %arg12[%parallel_loop3A_483, %parallel_loop3A_484] {strides = array<i32>} : memref<80x64xf32, #tpu.memory_space<vmem>>, vector<1x16xf32>,
        %parallel_loop3A_486 = vector.shape_cast %parallel_loop3A_485 : vector<1x16xf32> to vector<16xf32>
        %parallel_loop3A_487 = arith.mulf %parallel_loop3A_486, %parallel_loop3A_470 : vector<16xf32>
        %parallel_loop3A_488 = arith.index_cast %parallel_loop3A_472 : i32 to index
        %parallel_loop3A_489 = arith.constant 16 : index
        %parallel_loop3A_490 = tpu.vector_load %arg14[%parallel_loop3A_488, %parallel_loop3A_489] {strides = array<i32>} : memref<80x64xf32, #tpu.memory_space<vmem>>, vector<1x16xf32>,
        %parallel_loop3A_491 = vector.shape_cast %parallel_loop3A_490 : vector<1x16xf32> to vector<16xf32>
        %parallel_loop3A_492 = vector.shape_cast %parallel_loop3A_487 : vector<16xf32> to vector<1x16xf32>
        tpu.vector_store %arg14[%parallel_loop3A_488, %parallel_loop3A_489], %parallel_loop3A_492 {strides = array<i32>} : memref<80x64xf32, #tpu.memory_space<vmem>>, vector<1x16xf32>,
        %parallel_loop3A_493 = arith.index_cast %parallel_loop3A_472 : i32 to index
        %parallel_loop3A_494 = arith.constant 32 : index
        %parallel_loop3A_495 = tpu.vector_load %arg12[%parallel_loop3A_493, %parallel_loop3A_494] {strides = array<i32>} : memref<80x64xf32, #tpu.memory_space<vmem>>, vector<1x16xf32>,
        %parallel_loop3A_496 = vector.shape_cast %parallel_loop3A_495 : vector<1x16xf32> to vector<16xf32>
        %parallel_loop3A_497 = arith.mulf %parallel_loop3A_496, %parallel_loop3A_470 : vector<16xf32>
        %parallel_loop3A_498 = arith.index_cast %parallel_loop3A_472 : i32 to index
        %parallel_loop3A_499 = arith.constant 32 : index
        %parallel_loop3A_500 = tpu.vector_load %arg14[%parallel_loop3A_498, %parallel_loop3A_499] {strides = array<i32>} : memref<80x64xf32, #tpu.memory_space<vmem>>, vector<1x16xf32>,
        %parallel_loop3A_501 = vector.shape_cast %parallel_loop3A_500 : vector<1x16xf32> to vector<16xf32>
        %parallel_loop3A_502 = vector.shape_cast %parallel_loop3A_497 : vector<16xf32> to vector<1x16xf32>
        tpu.vector_store %arg14[%parallel_loop3A_498, %parallel_loop3A_499], %parallel_loop3A_502 {strides = array<i32>} : memref<80x64xf32, #tpu.memory_space<vmem>>, vector<1x16xf32>,
        %parallel_loop3A_503 = arith.index_cast %parallel_loop3A_472 : i32 to index
        %parallel_loop3A_504 = arith.constant 48 : index
        %parallel_loop3A_505 = tpu.vector_load %arg12[%parallel_loop3A_503, %parallel_loop3A_504] {strides = array<i32>} : memref<80x64xf32, #tpu.memory_space<vmem>>, vector<1x16xf32>,
        %parallel_loop3A_506 = vector.shape_cast %parallel_loop3A_505 : vector<1x16xf32> to vector<16xf32>
        %parallel_loop3A_507 = arith.mulf %parallel_loop3A_506, %parallel_loop3A_470 : vector<16xf32>
        %parallel_loop3A_508 = arith.index_cast %parallel_loop3A_472 : i32 to index
        %parallel_loop3A_509 = arith.constant 48 : index
        %parallel_loop3A_510 = tpu.vector_load %arg14[%parallel_loop3A_508, %parallel_loop3A_509] {strides = array<i32>} : memref<80x64xf32, #tpu.memory_space<vmem>>, vector<1x16xf32>,
        %parallel_loop3A_511 = vector.shape_cast %parallel_loop3A_510 : vector<1x16xf32> to vector<16xf32>
        %parallel_loop3A_512 = vector.shape_cast %parallel_loop3A_507 : vector<16xf32> to vector<1x16xf32>
        tpu.vector_store %arg14[%parallel_loop3A_508, %parallel_loop3A_509], %parallel_loop3A_512 {strides = array<i32>} : memref<80x64xf32, #tpu.memory_space<vmem>>, vector<1x16xf32>,
        %parallel_loop3A_513 = arith.constant 7 : i32
        %parallel_loop3A_514 = vector.broadcast %parallel_loop3A_513 : i32 to vector<16x1xi32>
        %parallel_loop3A_515 = vector.shape_cast %parallel_loop3A_514 : vector<16x1xi32> to vector<16xi32>
        %parallel_loop3A_516 = tpu.dynamic_gather %parallel_loop3A_190[%parallel_loop3A_515] in [0] : vector<16xf32>, vector<16xi32> -> vector<16xf32>
        %parallel_loop3A_517 = arith.constant 7 : i32
        %parallel_loop3A_518 = arith.addi %parallel_loop3A_186, %parallel_loop3A_517 : i32
        %parallel_loop3A_519 = arith.index_cast %parallel_loop3A_518 : i32 to index
        %parallel_loop3A_520 = arith.constant 0 : index
        %parallel_loop3A_521 = tpu.vector_load %arg12[%parallel_loop3A_519, %parallel_loop3A_520] {strides = array<i32>} : memref<80x64xf32, #tpu.memory_space<vmem>>, vector<1x16xf32>,
        %parallel_loop3A_522 = vector.shape_cast %parallel_loop3A_521 : vector<1x16xf32> to vector<16xf32>
        %parallel_loop3A_523 = arith.mulf %parallel_loop3A_522, %parallel_loop3A_516 : vector<16xf32>
        %parallel_loop3A_524 = arith.index_cast %parallel_loop3A_518 : i32 to index
        %parallel_loop3A_525 = arith.constant 0 : index
        %parallel_loop3A_526 = tpu.vector_load %arg14[%parallel_loop3A_524, %parallel_loop3A_525] {strides = array<i32>} : memref<80x64xf32, #tpu.memory_space<vmem>>, vector<1x16xf32>,
        %parallel_loop3A_527 = vector.shape_cast %parallel_loop3A_526 : vector<1x16xf32> to vector<16xf32>
        %parallel_loop3A_528 = vector.shape_cast %parallel_loop3A_523 : vector<16xf32> to vector<1x16xf32>
        tpu.vector_store %arg14[%parallel_loop3A_524, %parallel_loop3A_525], %parallel_loop3A_528 {strides = array<i32>} : memref<80x64xf32, #tpu.memory_space<vmem>>, vector<1x16xf32>,
        %parallel_loop3A_529 = arith.index_cast %parallel_loop3A_518 : i32 to index
        %parallel_loop3A_530 = arith.constant 16 : index
        %parallel_loop3A_531 = tpu.vector_load %arg12[%parallel_loop3A_529, %parallel_loop3A_530] {strides = array<i32>} : memref<80x64xf32, #tpu.memory_space<vmem>>, vector<1x16xf32>,
        %parallel_loop3A_532 = vector.shape_cast %parallel_loop3A_531 : vector<1x16xf32> to vector<16xf32>
        %parallel_loop3A_533 = arith.mulf %parallel_loop3A_532, %parallel_loop3A_516 : vector<16xf32>
        %parallel_loop3A_534 = arith.index_cast %parallel_loop3A_518 : i32 to index
        %parallel_loop3A_535 = arith.constant 16 : index
        %parallel_loop3A_536 = tpu.vector_load %arg14[%parallel_loop3A_534, %parallel_loop3A_535] {strides = array<i32>} : memref<80x64xf32, #tpu.memory_space<vmem>>, vector<1x16xf32>,
        %parallel_loop3A_537 = vector.shape_cast %parallel_loop3A_536 : vector<1x16xf32> to vector<16xf32>
        %parallel_loop3A_538 = vector.shape_cast %parallel_loop3A_533 : vector<16xf32> to vector<1x16xf32>
        tpu.vector_store %arg14[%parallel_loop3A_534, %parallel_loop3A_535], %parallel_loop3A_538 {strides = array<i32>} : memref<80x64xf32, #tpu.memory_space<vmem>>, vector<1x16xf32>,
        %parallel_loop3A_539 = arith.index_cast %parallel_loop3A_518 : i32 to index
        %parallel_loop3A_540 = arith.constant 32 : index
        %parallel_loop3A_541 = tpu.vector_load %arg12[%parallel_loop3A_539, %parallel_loop3A_540] {strides = array<i32>} : memref<80x64xf32, #tpu.memory_space<vmem>>, vector<1x16xf32>,
        %parallel_loop3A_542 = vector.shape_cast %parallel_loop3A_541 : vector<1x16xf32> to vector<16xf32>
        %parallel_loop3A_543 = arith.mulf %parallel_loop3A_542, %parallel_loop3A_516 : vector<16xf32>
        %parallel_loop3A_544 = arith.index_cast %parallel_loop3A_518 : i32 to index
        %parallel_loop3A_545 = arith.constant 32 : index
        %parallel_loop3A_546 = tpu.vector_load %arg14[%parallel_loop3A_544, %parallel_loop3A_545] {strides = array<i32>} : memref<80x64xf32, #tpu.memory_space<vmem>>, vector<1x16xf32>,
        %parallel_loop3A_547 = vector.shape_cast %parallel_loop3A_546 : vector<1x16xf32> to vector<16xf32>
        %parallel_loop3A_548 = vector.shape_cast %parallel_loop3A_543 : vector<16xf32> to vector<1x16xf32>
        tpu.vector_store %arg14[%parallel_loop3A_544, %parallel_loop3A_545], %parallel_loop3A_548 {strides = array<i32>} : memref<80x64xf32, #tpu.memory_space<vmem>>, vector<1x16xf32>,
        %parallel_loop3A_549 = arith.index_cast %parallel_loop3A_518 : i32 to index
        %parallel_loop3A_550 = arith.constant 48 : index
        %parallel_loop3A_551 = tpu.vector_load %arg12[%parallel_loop3A_549, %parallel_loop3A_550] {strides = array<i32>} : memref<80x64xf32, #tpu.memory_space<vmem>>, vector<1x16xf32>,
        %parallel_loop3A_552 = vector.shape_cast %parallel_loop3A_551 : vector<1x16xf32> to vector<16xf32>
        %parallel_loop3A_553 = arith.mulf %parallel_loop3A_552, %parallel_loop3A_516 : vector<16xf32>
        %parallel_loop3A_554 = arith.index_cast %parallel_loop3A_518 : i32 to index
        %parallel_loop3A_555 = arith.constant 48 : index
        %parallel_loop3A_556 = tpu.vector_load %arg14[%parallel_loop3A_554, %parallel_loop3A_555] {strides = array<i32>} : memref<80x64xf32, #tpu.memory_space<vmem>>, vector<1x16xf32>,
        %parallel_loop3A_557 = vector.shape_cast %parallel_loop3A_556 : vector<1x16xf32> to vector<16xf32>
        %parallel_loop3A_558 = vector.shape_cast %parallel_loop3A_553 : vector<16xf32> to vector<1x16xf32>
        tpu.vector_store %arg14[%parallel_loop3A_554, %parallel_loop3A_555], %parallel_loop3A_558 {strides = array<i32>} : memref<80x64xf32, #tpu.memory_space<vmem>>, vector<1x16xf32>,
        %parallel_loop3A_559 = arith.constant 8 : i32
        %parallel_loop3A_560 = vector.broadcast %parallel_loop3A_559 : i32 to vector<16x1xi32>
        %parallel_loop3A_561 = vector.shape_cast %parallel_loop3A_560 : vector<16x1xi32> to vector<16xi32>
        %parallel_loop3A_562 = tpu.dynamic_gather %parallel_loop3A_190[%parallel_loop3A_561] in [0] : vector<16xf32>, vector<16xi32> -> vector<16xf32>
        %parallel_loop3A_563 = arith.constant 8 : i32
        %parallel_loop3A_564 = arith.addi %parallel_loop3A_186, %parallel_loop3A_563 : i32
        %parallel_loop3A_565 = arith.index_cast %parallel_loop3A_564 : i32 to index
        %parallel_loop3A_566 = arith.constant 0 : index
        %parallel_loop3A_567 = tpu.vector_load %arg12[%parallel_loop3A_565, %parallel_loop3A_566] {strides = array<i32>} : memref<80x64xf32, #tpu.memory_space<vmem>>, vector<1x16xf32>,
        %parallel_loop3A_568 = vector.shape_cast %parallel_loop3A_567 : vector<1x16xf32> to vector<16xf32>
        %parallel_loop3A_569 = arith.mulf %parallel_loop3A_568, %parallel_loop3A_562 : vector<16xf32>
        %parallel_loop3A_570 = arith.index_cast %parallel_loop3A_564 : i32 to index
        %parallel_loop3A_571 = arith.constant 0 : index
        %parallel_loop3A_572 = tpu.vector_load %arg14[%parallel_loop3A_570, %parallel_loop3A_571] {strides = array<i32>} : memref<80x64xf32, #tpu.memory_space<vmem>>, vector<1x16xf32>,
        %parallel_loop3A_573 = vector.shape_cast %parallel_loop3A_572 : vector<1x16xf32> to vector<16xf32>
        %parallel_loop3A_574 = vector.shape_cast %parallel_loop3A_569 : vector<16xf32> to vector<1x16xf32>
        tpu.vector_store %arg14[%parallel_loop3A_570, %parallel_loop3A_571], %parallel_loop3A_574 {strides = array<i32>} : memref<80x64xf32, #tpu.memory_space<vmem>>, vector<1x16xf32>,
        %parallel_loop3A_575 = arith.index_cast %parallel_loop3A_564 : i32 to index
        %parallel_loop3A_576 = arith.constant 16 : index
        %parallel_loop3A_577 = tpu.vector_load %arg12[%parallel_loop3A_575, %parallel_loop3A_576] {strides = array<i32>} : memref<80x64xf32, #tpu.memory_space<vmem>>, vector<1x16xf32>,
        %parallel_loop3A_578 = vector.shape_cast %parallel_loop3A_577 : vector<1x16xf32> to vector<16xf32>
        %parallel_loop3A_579 = arith.mulf %parallel_loop3A_578, %parallel_loop3A_562 : vector<16xf32>
        %parallel_loop3A_580 = arith.index_cast %parallel_loop3A_564 : i32 to index
        %parallel_loop3A_581 = arith.constant 16 : index
        %parallel_loop3A_582 = tpu.vector_load %arg14[%parallel_loop3A_580, %parallel_loop3A_581] {strides = array<i32>} : memref<80x64xf32, #tpu.memory_space<vmem>>, vector<1x16xf32>,
        %parallel_loop3A_583 = vector.shape_cast %parallel_loop3A_582 : vector<1x16xf32> to vector<16xf32>
        %parallel_loop3A_584 = vector.shape_cast %parallel_loop3A_579 : vector<16xf32> to vector<1x16xf32>
        tpu.vector_store %arg14[%parallel_loop3A_580, %parallel_loop3A_581], %parallel_loop3A_584 {strides = array<i32>} : memref<80x64xf32, #tpu.memory_space<vmem>>, vector<1x16xf32>,
        %parallel_loop3A_585 = arith.index_cast %parallel_loop3A_564 : i32 to index
        %parallel_loop3A_586 = arith.constant 32 : index
        %parallel_loop3A_587 = tpu.vector_load %arg12[%parallel_loop3A_585, %parallel_loop3A_586] {strides = array<i32>} : memref<80x64xf32, #tpu.memory_space<vmem>>, vector<1x16xf32>,
        %parallel_loop3A_588 = vector.shape_cast %parallel_loop3A_587 : vector<1x16xf32> to vector<16xf32>
        %parallel_loop3A_589 = arith.mulf %parallel_loop3A_588, %parallel_loop3A_562 : vector<16xf32>
        %parallel_loop3A_590 = arith.index_cast %parallel_loop3A_564 : i32 to index
        %parallel_loop3A_591 = arith.constant 32 : index
        %parallel_loop3A_592 = tpu.vector_load %arg14[%parallel_loop3A_590, %parallel_loop3A_591] {strides = array<i32>} : memref<80x64xf32, #tpu.memory_space<vmem>>, vector<1x16xf32>,
        %parallel_loop3A_593 = vector.shape_cast %parallel_loop3A_592 : vector<1x16xf32> to vector<16xf32>
        %parallel_loop3A_594 = vector.shape_cast %parallel_loop3A_589 : vector<16xf32> to vector<1x16xf32>
        tpu.vector_store %arg14[%parallel_loop3A_590, %parallel_loop3A_591], %parallel_loop3A_594 {strides = array<i32>} : memref<80x64xf32, #tpu.memory_space<vmem>>, vector<1x16xf32>,
        %parallel_loop3A_595 = arith.index_cast %parallel_loop3A_564 : i32 to index
        %parallel_loop3A_596 = arith.constant 48 : index
        %parallel_loop3A_597 = tpu.vector_load %arg12[%parallel_loop3A_595, %parallel_loop3A_596] {strides = array<i32>} : memref<80x64xf32, #tpu.memory_space<vmem>>, vector<1x16xf32>,
        %parallel_loop3A_598 = vector.shape_cast %parallel_loop3A_597 : vector<1x16xf32> to vector<16xf32>
        %parallel_loop3A_599 = arith.mulf %parallel_loop3A_598, %parallel_loop3A_562 : vector<16xf32>
        %parallel_loop3A_600 = arith.index_cast %parallel_loop3A_564 : i32 to index
        %parallel_loop3A_601 = arith.constant 48 : index
        %parallel_loop3A_602 = tpu.vector_load %arg14[%parallel_loop3A_600, %parallel_loop3A_601] {strides = array<i32>} : memref<80x64xf32, #tpu.memory_space<vmem>>, vector<1x16xf32>,
        %parallel_loop3A_603 = vector.shape_cast %parallel_loop3A_602 : vector<1x16xf32> to vector<16xf32>
        %parallel_loop3A_604 = vector.shape_cast %parallel_loop3A_599 : vector<16xf32> to vector<1x16xf32>
        tpu.vector_store %arg14[%parallel_loop3A_600, %parallel_loop3A_601], %parallel_loop3A_604 {strides = array<i32>} : memref<80x64xf32, #tpu.memory_space<vmem>>, vector<1x16xf32>,
        %parallel_loop3A_605 = arith.constant 9 : i32
        %parallel_loop3A_606 = vector.broadcast %parallel_loop3A_605 : i32 to vector<16x1xi32>
        %parallel_loop3A_607 = vector.shape_cast %parallel_loop3A_606 : vector<16x1xi32> to vector<16xi32>
        %parallel_loop3A_608 = tpu.dynamic_gather %parallel_loop3A_190[%parallel_loop3A_607] in [0] : vector<16xf32>, vector<16xi32> -> vector<16xf32>
        %parallel_loop3A_609 = arith.constant 9 : i32
        %parallel_loop3A_610 = arith.addi %parallel_loop3A_186, %parallel_loop3A_609 : i32
        %parallel_loop3A_611 = arith.index_cast %parallel_loop3A_610 : i32 to index
        %parallel_loop3A_612 = arith.constant 0 : index
        %parallel_loop3A_613 = tpu.vector_load %arg12[%parallel_loop3A_611, %parallel_loop3A_612] {strides = array<i32>} : memref<80x64xf32, #tpu.memory_space<vmem>>, vector<1x16xf32>,
        %parallel_loop3A_614 = vector.shape_cast %parallel_loop3A_613 : vector<1x16xf32> to vector<16xf32>
        %parallel_loop3A_615 = arith.mulf %parallel_loop3A_614, %parallel_loop3A_608 : vector<16xf32>
        %parallel_loop3A_616 = arith.index_cast %parallel_loop3A_610 : i32 to index
        %parallel_loop3A_617 = arith.constant 0 : index
        %parallel_loop3A_618 = tpu.vector_load %arg14[%parallel_loop3A_616, %parallel_loop3A_617] {strides = array<i32>} : memref<80x64xf32, #tpu.memory_space<vmem>>, vector<1x16xf32>,
        %parallel_loop3A_619 = vector.shape_cast %parallel_loop3A_618 : vector<1x16xf32> to vector<16xf32>
        %parallel_loop3A_620 = vector.shape_cast %parallel_loop3A_615 : vector<16xf32> to vector<1x16xf32>
        tpu.vector_store %arg14[%parallel_loop3A_616, %parallel_loop3A_617], %parallel_loop3A_620 {strides = array<i32>} : memref<80x64xf32, #tpu.memory_space<vmem>>, vector<1x16xf32>,
        %parallel_loop3A_621 = arith.index_cast %parallel_loop3A_610 : i32 to index
        %parallel_loop3A_622 = arith.constant 16 : index
        %parallel_loop3A_623 = tpu.vector_load %arg12[%parallel_loop3A_621, %parallel_loop3A_622] {strides = array<i32>} : memref<80x64xf32, #tpu.memory_space<vmem>>, vector<1x16xf32>,
        %parallel_loop3A_624 = vector.shape_cast %parallel_loop3A_623 : vector<1x16xf32> to vector<16xf32>
        %parallel_loop3A_625 = arith.mulf %parallel_loop3A_624, %parallel_loop3A_608 : vector<16xf32>
        %parallel_loop3A_626 = arith.index_cast %parallel_loop3A_610 : i32 to index
        %parallel_loop3A_627 = arith.constant 16 : index
        %parallel_loop3A_628 = tpu.vector_load %arg14[%parallel_loop3A_626, %parallel_loop3A_627] {strides = array<i32>} : memref<80x64xf32, #tpu.memory_space<vmem>>, vector<1x16xf32>,
        %parallel_loop3A_629 = vector.shape_cast %parallel_loop3A_628 : vector<1x16xf32> to vector<16xf32>
        %parallel_loop3A_630 = vector.shape_cast %parallel_loop3A_625 : vector<16xf32> to vector<1x16xf32>
        tpu.vector_store %arg14[%parallel_loop3A_626, %parallel_loop3A_627], %parallel_loop3A_630 {strides = array<i32>} : memref<80x64xf32, #tpu.memory_space<vmem>>, vector<1x16xf32>,
        %parallel_loop3A_631 = arith.index_cast %parallel_loop3A_610 : i32 to index
        %parallel_loop3A_632 = arith.constant 32 : index
        %parallel_loop3A_633 = tpu.vector_load %arg12[%parallel_loop3A_631, %parallel_loop3A_632] {strides = array<i32>} : memref<80x64xf32, #tpu.memory_space<vmem>>, vector<1x16xf32>,
        %parallel_loop3A_634 = vector.shape_cast %parallel_loop3A_633 : vector<1x16xf32> to vector<16xf32>
        %parallel_loop3A_635 = arith.mulf %parallel_loop3A_634, %parallel_loop3A_608 : vector<16xf32>
        %parallel_loop3A_636 = arith.index_cast %parallel_loop3A_610 : i32 to index
        %parallel_loop3A_637 = arith.constant 32 : index
        %parallel_loop3A_638 = tpu.vector_load %arg14[%parallel_loop3A_636, %parallel_loop3A_637] {strides = array<i32>} : memref<80x64xf32, #tpu.memory_space<vmem>>, vector<1x16xf32>,
        %parallel_loop3A_639 = vector.shape_cast %parallel_loop3A_638 : vector<1x16xf32> to vector<16xf32>
        %parallel_loop3A_640 = vector.shape_cast %parallel_loop3A_635 : vector<16xf32> to vector<1x16xf32>
        tpu.vector_store %arg14[%parallel_loop3A_636, %parallel_loop3A_637], %parallel_loop3A_640 {strides = array<i32>} : memref<80x64xf32, #tpu.memory_space<vmem>>, vector<1x16xf32>,
        %parallel_loop3A_641 = arith.index_cast %parallel_loop3A_610 : i32 to index
        %parallel_loop3A_642 = arith.constant 48 : index
        %parallel_loop3A_643 = tpu.vector_load %arg12[%parallel_loop3A_641, %parallel_loop3A_642] {strides = array<i32>} : memref<80x64xf32, #tpu.memory_space<vmem>>, vector<1x16xf32>,
        %parallel_loop3A_644 = vector.shape_cast %parallel_loop3A_643 : vector<1x16xf32> to vector<16xf32>
        %parallel_loop3A_645 = arith.mulf %parallel_loop3A_644, %parallel_loop3A_608 : vector<16xf32>
        %parallel_loop3A_646 = arith.index_cast %parallel_loop3A_610 : i32 to index
        %parallel_loop3A_647 = arith.constant 48 : index
        %parallel_loop3A_648 = tpu.vector_load %arg14[%parallel_loop3A_646, %parallel_loop3A_647] {strides = array<i32>} : memref<80x64xf32, #tpu.memory_space<vmem>>, vector<1x16xf32>,
        %parallel_loop3A_649 = vector.shape_cast %parallel_loop3A_648 : vector<1x16xf32> to vector<16xf32>
        %parallel_loop3A_650 = vector.shape_cast %parallel_loop3A_645 : vector<16xf32> to vector<1x16xf32>
        tpu.vector_store %arg14[%parallel_loop3A_646, %parallel_loop3A_647], %parallel_loop3A_650 {strides = array<i32>} : memref<80x64xf32, #tpu.memory_space<vmem>>, vector<1x16xf32>,
        %parallel_loop3A_651 = arith.constant 10 : i32
        %parallel_loop3A_652 = vector.broadcast %parallel_loop3A_651 : i32 to vector<16x1xi32>
        %parallel_loop3A_653 = vector.shape_cast %parallel_loop3A_652 : vector<16x1xi32> to vector<16xi32>
        %parallel_loop3A_654 = tpu.dynamic_gather %parallel_loop3A_190[%parallel_loop3A_653] in [0] : vector<16xf32>, vector<16xi32> -> vector<16xf32>
        %parallel_loop3A_655 = arith.constant 10 : i32
        %parallel_loop3A_656 = arith.addi %parallel_loop3A_186, %parallel_loop3A_655 : i32
        %parallel_loop3A_657 = arith.index_cast %parallel_loop3A_656 : i32 to index
        %parallel_loop3A_658 = arith.constant 0 : index
        %parallel_loop3A_659 = tpu.vector_load %arg12[%parallel_loop3A_657, %parallel_loop3A_658] {strides = array<i32>} : memref<80x64xf32, #tpu.memory_space<vmem>>, vector<1x16xf32>,
        %parallel_loop3A_660 = vector.shape_cast %parallel_loop3A_659 : vector<1x16xf32> to vector<16xf32>
        %parallel_loop3A_661 = arith.mulf %parallel_loop3A_660, %parallel_loop3A_654 : vector<16xf32>
        %parallel_loop3A_662 = arith.index_cast %parallel_loop3A_656 : i32 to index
        %parallel_loop3A_663 = arith.constant 0 : index
        %parallel_loop3A_664 = tpu.vector_load %arg14[%parallel_loop3A_662, %parallel_loop3A_663] {strides = array<i32>} : memref<80x64xf32, #tpu.memory_space<vmem>>, vector<1x16xf32>,
        %parallel_loop3A_665 = vector.shape_cast %parallel_loop3A_664 : vector<1x16xf32> to vector<16xf32>
        %parallel_loop3A_666 = vector.shape_cast %parallel_loop3A_661 : vector<16xf32> to vector<1x16xf32>
        tpu.vector_store %arg14[%parallel_loop3A_662, %parallel_loop3A_663], %parallel_loop3A_666 {strides = array<i32>} : memref<80x64xf32, #tpu.memory_space<vmem>>, vector<1x16xf32>,
        %parallel_loop3A_667 = arith.index_cast %parallel_loop3A_656 : i32 to index
        %parallel_loop3A_668 = arith.constant 16 : index
        %parallel_loop3A_669 = tpu.vector_load %arg12[%parallel_loop3A_667, %parallel_loop3A_668] {strides = array<i32>} : memref<80x64xf32, #tpu.memory_space<vmem>>, vector<1x16xf32>,
        %parallel_loop3A_670 = vector.shape_cast %parallel_loop3A_669 : vector<1x16xf32> to vector<16xf32>
        %parallel_loop3A_671 = arith.mulf %parallel_loop3A_670, %parallel_loop3A_654 : vector<16xf32>
        %parallel_loop3A_672 = arith.index_cast %parallel_loop3A_656 : i32 to index
        %parallel_loop3A_673 = arith.constant 16 : index
        %parallel_loop3A_674 = tpu.vector_load %arg14[%parallel_loop3A_672, %parallel_loop3A_673] {strides = array<i32>} : memref<80x64xf32, #tpu.memory_space<vmem>>, vector<1x16xf32>,
        %parallel_loop3A_675 = vector.shape_cast %parallel_loop3A_674 : vector<1x16xf32> to vector<16xf32>
        %parallel_loop3A_676 = vector.shape_cast %parallel_loop3A_671 : vector<16xf32> to vector<1x16xf32>
        tpu.vector_store %arg14[%parallel_loop3A_672, %parallel_loop3A_673], %parallel_loop3A_676 {strides = array<i32>} : memref<80x64xf32, #tpu.memory_space<vmem>>, vector<1x16xf32>,
        %parallel_loop3A_677 = arith.index_cast %parallel_loop3A_656 : i32 to index
        %parallel_loop3A_678 = arith.constant 32 : index
        %parallel_loop3A_679 = tpu.vector_load %arg12[%parallel_loop3A_677, %parallel_loop3A_678] {strides = array<i32>} : memref<80x64xf32, #tpu.memory_space<vmem>>, vector<1x16xf32>,
        %parallel_loop3A_680 = vector.shape_cast %parallel_loop3A_679 : vector<1x16xf32> to vector<16xf32>
        %parallel_loop3A_681 = arith.mulf %parallel_loop3A_680, %parallel_loop3A_654 : vector<16xf32>
        %parallel_loop3A_682 = arith.index_cast %parallel_loop3A_656 : i32 to index
        %parallel_loop3A_683 = arith.constant 32 : index
        %parallel_loop3A_684 = tpu.vector_load %arg14[%parallel_loop3A_682, %parallel_loop3A_683] {strides = array<i32>} : memref<80x64xf32, #tpu.memory_space<vmem>>, vector<1x16xf32>,
        %parallel_loop3A_685 = vector.shape_cast %parallel_loop3A_684 : vector<1x16xf32> to vector<16xf32>
        %parallel_loop3A_686 = vector.shape_cast %parallel_loop3A_681 : vector<16xf32> to vector<1x16xf32>
        tpu.vector_store %arg14[%parallel_loop3A_682, %parallel_loop3A_683], %parallel_loop3A_686 {strides = array<i32>} : memref<80x64xf32, #tpu.memory_space<vmem>>, vector<1x16xf32>,
        %parallel_loop3A_687 = arith.index_cast %parallel_loop3A_656 : i32 to index
        %parallel_loop3A_688 = arith.constant 48 : index
        %parallel_loop3A_689 = tpu.vector_load %arg12[%parallel_loop3A_687, %parallel_loop3A_688] {strides = array<i32>} : memref<80x64xf32, #tpu.memory_space<vmem>>, vector<1x16xf32>,
        %parallel_loop3A_690 = vector.shape_cast %parallel_loop3A_689 : vector<1x16xf32> to vector<16xf32>
        %parallel_loop3A_691 = arith.mulf %parallel_loop3A_690, %parallel_loop3A_654 : vector<16xf32>
        %parallel_loop3A_692 = arith.index_cast %parallel_loop3A_656 : i32 to index
        %parallel_loop3A_693 = arith.constant 48 : index
        %parallel_loop3A_694 = tpu.vector_load %arg14[%parallel_loop3A_692, %parallel_loop3A_693] {strides = array<i32>} : memref<80x64xf32, #tpu.memory_space<vmem>>, vector<1x16xf32>,
        %parallel_loop3A_695 = vector.shape_cast %parallel_loop3A_694 : vector<1x16xf32> to vector<16xf32>
        %parallel_loop3A_696 = vector.shape_cast %parallel_loop3A_691 : vector<16xf32> to vector<1x16xf32>
        tpu.vector_store %arg14[%parallel_loop3A_692, %parallel_loop3A_693], %parallel_loop3A_696 {strides = array<i32>} : memref<80x64xf32, #tpu.memory_space<vmem>>, vector<1x16xf32>,
        %parallel_loop3A_697 = arith.constant 11 : i32
        %parallel_loop3A_698 = vector.broadcast %parallel_loop3A_697 : i32 to vector<16x1xi32>
        %parallel_loop3A_699 = vector.shape_cast %parallel_loop3A_698 : vector<16x1xi32> to vector<16xi32>
        %parallel_loop3A_700 = tpu.dynamic_gather %parallel_loop3A_190[%parallel_loop3A_699] in [0] : vector<16xf32>, vector<16xi32> -> vector<16xf32>
        %parallel_loop3A_701 = arith.constant 11 : i32
        %parallel_loop3A_702 = arith.addi %parallel_loop3A_186, %parallel_loop3A_701 : i32
        %parallel_loop3A_703 = arith.index_cast %parallel_loop3A_702 : i32 to index
        %parallel_loop3A_704 = arith.constant 0 : index
        %parallel_loop3A_705 = tpu.vector_load %arg12[%parallel_loop3A_703, %parallel_loop3A_704] {strides = array<i32>} : memref<80x64xf32, #tpu.memory_space<vmem>>, vector<1x16xf32>,
        %parallel_loop3A_706 = vector.shape_cast %parallel_loop3A_705 : vector<1x16xf32> to vector<16xf32>
        %parallel_loop3A_707 = arith.mulf %parallel_loop3A_706, %parallel_loop3A_700 : vector<16xf32>
        %parallel_loop3A_708 = arith.index_cast %parallel_loop3A_702 : i32 to index
        %parallel_loop3A_709 = arith.constant 0 : index
        %parallel_loop3A_710 = tpu.vector_load %arg14[%parallel_loop3A_708, %parallel_loop3A_709] {strides = array<i32>} : memref<80x64xf32, #tpu.memory_space<vmem>>, vector<1x16xf32>,
        %parallel_loop3A_711 = vector.shape_cast %parallel_loop3A_710 : vector<1x16xf32> to vector<16xf32>
        %parallel_loop3A_712 = vector.shape_cast %parallel_loop3A_707 : vector<16xf32> to vector<1x16xf32>
        tpu.vector_store %arg14[%parallel_loop3A_708, %parallel_loop3A_709], %parallel_loop3A_712 {strides = array<i32>} : memref<80x64xf32, #tpu.memory_space<vmem>>, vector<1x16xf32>,
        %parallel_loop3A_713 = arith.index_cast %parallel_loop3A_702 : i32 to index
        %parallel_loop3A_714 = arith.constant 16 : index
        %parallel_loop3A_715 = tpu.vector_load %arg12[%parallel_loop3A_713, %parallel_loop3A_714] {strides = array<i32>} : memref<80x64xf32, #tpu.memory_space<vmem>>, vector<1x16xf32>,
        %parallel_loop3A_716 = vector.shape_cast %parallel_loop3A_715 : vector<1x16xf32> to vector<16xf32>
        %parallel_loop3A_717 = arith.mulf %parallel_loop3A_716, %parallel_loop3A_700 : vector<16xf32>
        %parallel_loop3A_718 = arith.index_cast %parallel_loop3A_702 : i32 to index
        %parallel_loop3A_719 = arith.constant 16 : index
        %parallel_loop3A_720 = tpu.vector_load %arg14[%parallel_loop3A_718, %parallel_loop3A_719] {strides = array<i32>} : memref<80x64xf32, #tpu.memory_space<vmem>>, vector<1x16xf32>,
        %parallel_loop3A_721 = vector.shape_cast %parallel_loop3A_720 : vector<1x16xf32> to vector<16xf32>
        %parallel_loop3A_722 = vector.shape_cast %parallel_loop3A_717 : vector<16xf32> to vector<1x16xf32>
        tpu.vector_store %arg14[%parallel_loop3A_718, %parallel_loop3A_719], %parallel_loop3A_722 {strides = array<i32>} : memref<80x64xf32, #tpu.memory_space<vmem>>, vector<1x16xf32>,
        %parallel_loop3A_723 = arith.index_cast %parallel_loop3A_702 : i32 to index
        %parallel_loop3A_724 = arith.constant 32 : index
        %parallel_loop3A_725 = tpu.vector_load %arg12[%parallel_loop3A_723, %parallel_loop3A_724] {strides = array<i32>} : memref<80x64xf32, #tpu.memory_space<vmem>>, vector<1x16xf32>,
        %parallel_loop3A_726 = vector.shape_cast %parallel_loop3A_725 : vector<1x16xf32> to vector<16xf32>
        %parallel_loop3A_727 = arith.mulf %parallel_loop3A_726, %parallel_loop3A_700 : vector<16xf32>
        %parallel_loop3A_728 = arith.index_cast %parallel_loop3A_702 : i32 to index
        %parallel_loop3A_729 = arith.constant 32 : index
        %parallel_loop3A_730 = tpu.vector_load %arg14[%parallel_loop3A_728, %parallel_loop3A_729] {strides = array<i32>} : memref<80x64xf32, #tpu.memory_space<vmem>>, vector<1x16xf32>,
        %parallel_loop3A_731 = vector.shape_cast %parallel_loop3A_730 : vector<1x16xf32> to vector<16xf32>
        %parallel_loop3A_732 = vector.shape_cast %parallel_loop3A_727 : vector<16xf32> to vector<1x16xf32>
        tpu.vector_store %arg14[%parallel_loop3A_728, %parallel_loop3A_729], %parallel_loop3A_732 {strides = array<i32>} : memref<80x64xf32, #tpu.memory_space<vmem>>, vector<1x16xf32>,
        %parallel_loop3A_733 = arith.index_cast %parallel_loop3A_702 : i32 to index
        %parallel_loop3A_734 = arith.constant 48 : index
        %parallel_loop3A_735 = tpu.vector_load %arg12[%parallel_loop3A_733, %parallel_loop3A_734] {strides = array<i32>} : memref<80x64xf32, #tpu.memory_space<vmem>>, vector<1x16xf32>,
        %parallel_loop3A_736 = vector.shape_cast %parallel_loop3A_735 : vector<1x16xf32> to vector<16xf32>
        %parallel_loop3A_737 = arith.mulf %parallel_loop3A_736, %parallel_loop3A_700 : vector<16xf32>
        %parallel_loop3A_738 = arith.index_cast %parallel_loop3A_702 : i32 to index
        %parallel_loop3A_739 = arith.constant 48 : index
        %parallel_loop3A_740 = tpu.vector_load %arg14[%parallel_loop3A_738, %parallel_loop3A_739] {strides = array<i32>} : memref<80x64xf32, #tpu.memory_space<vmem>>, vector<1x16xf32>,
        %parallel_loop3A_741 = vector.shape_cast %parallel_loop3A_740 : vector<1x16xf32> to vector<16xf32>
        %parallel_loop3A_742 = vector.shape_cast %parallel_loop3A_737 : vector<16xf32> to vector<1x16xf32>
        tpu.vector_store %arg14[%parallel_loop3A_738, %parallel_loop3A_739], %parallel_loop3A_742 {strides = array<i32>} : memref<80x64xf32, #tpu.memory_space<vmem>>, vector<1x16xf32>,
        %parallel_loop3A_743 = arith.constant 12 : i32
        %parallel_loop3A_744 = vector.broadcast %parallel_loop3A_743 : i32 to vector<16x1xi32>
        %parallel_loop3A_745 = vector.shape_cast %parallel_loop3A_744 : vector<16x1xi32> to vector<16xi32>
        %parallel_loop3A_746 = tpu.dynamic_gather %parallel_loop3A_190[%parallel_loop3A_745] in [0] : vector<16xf32>, vector<16xi32> -> vector<16xf32>
        %parallel_loop3A_747 = arith.constant 12 : i32
        %parallel_loop3A_748 = arith.addi %parallel_loop3A_186, %parallel_loop3A_747 : i32
        %parallel_loop3A_749 = arith.index_cast %parallel_loop3A_748 : i32 to index
        %parallel_loop3A_750 = arith.constant 0 : index
        %parallel_loop3A_751 = tpu.vector_load %arg12[%parallel_loop3A_749, %parallel_loop3A_750] {strides = array<i32>} : memref<80x64xf32, #tpu.memory_space<vmem>>, vector<1x16xf32>,
        %parallel_loop3A_752 = vector.shape_cast %parallel_loop3A_751 : vector<1x16xf32> to vector<16xf32>
        %parallel_loop3A_753 = arith.mulf %parallel_loop3A_752, %parallel_loop3A_746 : vector<16xf32>
        %parallel_loop3A_754 = arith.index_cast %parallel_loop3A_748 : i32 to index
        %parallel_loop3A_755 = arith.constant 0 : index
        %parallel_loop3A_756 = tpu.vector_load %arg14[%parallel_loop3A_754, %parallel_loop3A_755] {strides = array<i32>} : memref<80x64xf32, #tpu.memory_space<vmem>>, vector<1x16xf32>,
        %parallel_loop3A_757 = vector.shape_cast %parallel_loop3A_756 : vector<1x16xf32> to vector<16xf32>
        %parallel_loop3A_758 = vector.shape_cast %parallel_loop3A_753 : vector<16xf32> to vector<1x16xf32>
        tpu.vector_store %arg14[%parallel_loop3A_754, %parallel_loop3A_755], %parallel_loop3A_758 {strides = array<i32>} : memref<80x64xf32, #tpu.memory_space<vmem>>, vector<1x16xf32>,
        %parallel_loop3A_759 = arith.index_cast %parallel_loop3A_748 : i32 to index
        %parallel_loop3A_760 = arith.constant 16 : index
        %parallel_loop3A_761 = tpu.vector_load %arg12[%parallel_loop3A_759, %parallel_loop3A_760] {strides = array<i32>} : memref<80x64xf32, #tpu.memory_space<vmem>>, vector<1x16xf32>,
        %parallel_loop3A_762 = vector.shape_cast %parallel_loop3A_761 : vector<1x16xf32> to vector<16xf32>
        %parallel_loop3A_763 = arith.mulf %parallel_loop3A_762, %parallel_loop3A_746 : vector<16xf32>
        %parallel_loop3A_764 = arith.index_cast %parallel_loop3A_748 : i32 to index
        %parallel_loop3A_765 = arith.constant 16 : index
        %parallel_loop3A_766 = tpu.vector_load %arg14[%parallel_loop3A_764, %parallel_loop3A_765] {strides = array<i32>} : memref<80x64xf32, #tpu.memory_space<vmem>>, vector<1x16xf32>,
        %parallel_loop3A_767 = vector.shape_cast %parallel_loop3A_766 : vector<1x16xf32> to vector<16xf32>
        %parallel_loop3A_768 = vector.shape_cast %parallel_loop3A_763 : vector<16xf32> to vector<1x16xf32>
        tpu.vector_store %arg14[%parallel_loop3A_764, %parallel_loop3A_765], %parallel_loop3A_768 {strides = array<i32>} : memref<80x64xf32, #tpu.memory_space<vmem>>, vector<1x16xf32>,
        %parallel_loop3A_769 = arith.index_cast %parallel_loop3A_748 : i32 to index
        %parallel_loop3A_770 = arith.constant 32 : index
        %parallel_loop3A_771 = tpu.vector_load %arg12[%parallel_loop3A_769, %parallel_loop3A_770] {strides = array<i32>} : memref<80x64xf32, #tpu.memory_space<vmem>>, vector<1x16xf32>,
        %parallel_loop3A_772 = vector.shape_cast %parallel_loop3A_771 : vector<1x16xf32> to vector<16xf32>
        %parallel_loop3A_773 = arith.mulf %parallel_loop3A_772, %parallel_loop3A_746 : vector<16xf32>
        %parallel_loop3A_774 = arith.index_cast %parallel_loop3A_748 : i32 to index
        %parallel_loop3A_775 = arith.constant 32 : index
        %parallel_loop3A_776 = tpu.vector_load %arg14[%parallel_loop3A_774, %parallel_loop3A_775] {strides = array<i32>} : memref<80x64xf32, #tpu.memory_space<vmem>>, vector<1x16xf32>,
        %parallel_loop3A_777 = vector.shape_cast %parallel_loop3A_776 : vector<1x16xf32> to vector<16xf32>
        %parallel_loop3A_778 = vector.shape_cast %parallel_loop3A_773 : vector<16xf32> to vector<1x16xf32>
        tpu.vector_store %arg14[%parallel_loop3A_774, %parallel_loop3A_775], %parallel_loop3A_778 {strides = array<i32>} : memref<80x64xf32, #tpu.memory_space<vmem>>, vector<1x16xf32>,
        %parallel_loop3A_779 = arith.index_cast %parallel_loop3A_748 : i32 to index
        %parallel_loop3A_780 = arith.constant 48 : index
        %parallel_loop3A_781 = tpu.vector_load %arg12[%parallel_loop3A_779, %parallel_loop3A_780] {strides = array<i32>} : memref<80x64xf32, #tpu.memory_space<vmem>>, vector<1x16xf32>,
        %parallel_loop3A_782 = vector.shape_cast %parallel_loop3A_781 : vector<1x16xf32> to vector<16xf32>
        %parallel_loop3A_783 = arith.mulf %parallel_loop3A_782, %parallel_loop3A_746 : vector<16xf32>
        %parallel_loop3A_784 = arith.index_cast %parallel_loop3A_748 : i32 to index
        %parallel_loop3A_785 = arith.constant 48 : index
        %parallel_loop3A_786 = tpu.vector_load %arg14[%parallel_loop3A_784, %parallel_loop3A_785] {strides = array<i32>} : memref<80x64xf32, #tpu.memory_space<vmem>>, vector<1x16xf32>,
        %parallel_loop3A_787 = vector.shape_cast %parallel_loop3A_786 : vector<1x16xf32> to vector<16xf32>
        %parallel_loop3A_788 = vector.shape_cast %parallel_loop3A_783 : vector<16xf32> to vector<1x16xf32>
        tpu.vector_store %arg14[%parallel_loop3A_784, %parallel_loop3A_785], %parallel_loop3A_788 {strides = array<i32>} : memref<80x64xf32, #tpu.memory_space<vmem>>, vector<1x16xf32>,
        %parallel_loop3A_789 = arith.constant 13 : i32
        %parallel_loop3A_790 = vector.broadcast %parallel_loop3A_789 : i32 to vector<16x1xi32>
        %parallel_loop3A_791 = vector.shape_cast %parallel_loop3A_790 : vector<16x1xi32> to vector<16xi32>
        %parallel_loop3A_792 = tpu.dynamic_gather %parallel_loop3A_190[%parallel_loop3A_791] in [0] : vector<16xf32>, vector<16xi32> -> vector<16xf32>
        %parallel_loop3A_793 = arith.constant 13 : i32
        %parallel_loop3A_794 = arith.addi %parallel_loop3A_186, %parallel_loop3A_793 : i32
        %parallel_loop3A_795 = arith.index_cast %parallel_loop3A_794 : i32 to index
        %parallel_loop3A_796 = arith.constant 0 : index
        %parallel_loop3A_797 = tpu.vector_load %arg12[%parallel_loop3A_795, %parallel_loop3A_796] {strides = array<i32>} : memref<80x64xf32, #tpu.memory_space<vmem>>, vector<1x16xf32>,
        %parallel_loop3A_798 = vector.shape_cast %parallel_loop3A_797 : vector<1x16xf32> to vector<16xf32>
        %parallel_loop3A_799 = arith.mulf %parallel_loop3A_798, %parallel_loop3A_792 : vector<16xf32>
        %parallel_loop3A_800 = arith.index_cast %parallel_loop3A_794 : i32 to index
        %parallel_loop3A_801 = arith.constant 0 : index
        %parallel_loop3A_802 = tpu.vector_load %arg14[%parallel_loop3A_800, %parallel_loop3A_801] {strides = array<i32>} : memref<80x64xf32, #tpu.memory_space<vmem>>, vector<1x16xf32>,
        %parallel_loop3A_803 = vector.shape_cast %parallel_loop3A_802 : vector<1x16xf32> to vector<16xf32>
        %parallel_loop3A_804 = vector.shape_cast %parallel_loop3A_799 : vector<16xf32> to vector<1x16xf32>
        tpu.vector_store %arg14[%parallel_loop3A_800, %parallel_loop3A_801], %parallel_loop3A_804 {strides = array<i32>} : memref<80x64xf32, #tpu.memory_space<vmem>>, vector<1x16xf32>,
        %parallel_loop3A_805 = arith.index_cast %parallel_loop3A_794 : i32 to index
        %parallel_loop3A_806 = arith.constant 16 : index
        %parallel_loop3A_807 = tpu.vector_load %arg12[%parallel_loop3A_805, %parallel_loop3A_806] {strides = array<i32>} : memref<80x64xf32, #tpu.memory_space<vmem>>, vector<1x16xf32>,
        %parallel_loop3A_808 = vector.shape_cast %parallel_loop3A_807 : vector<1x16xf32> to vector<16xf32>
        %parallel_loop3A_809 = arith.mulf %parallel_loop3A_808, %parallel_loop3A_792 : vector<16xf32>
        %parallel_loop3A_810 = arith.index_cast %parallel_loop3A_794 : i32 to index
        %parallel_loop3A_811 = arith.constant 16 : index
        %parallel_loop3A_812 = tpu.vector_load %arg14[%parallel_loop3A_810, %parallel_loop3A_811] {strides = array<i32>} : memref<80x64xf32, #tpu.memory_space<vmem>>, vector<1x16xf32>,
        %parallel_loop3A_813 = vector.shape_cast %parallel_loop3A_812 : vector<1x16xf32> to vector<16xf32>
        %parallel_loop3A_814 = vector.shape_cast %parallel_loop3A_809 : vector<16xf32> to vector<1x16xf32>
        tpu.vector_store %arg14[%parallel_loop3A_810, %parallel_loop3A_811], %parallel_loop3A_814 {strides = array<i32>} : memref<80x64xf32, #tpu.memory_space<vmem>>, vector<1x16xf32>,
        %parallel_loop3A_815 = arith.index_cast %parallel_loop3A_794 : i32 to index
        %parallel_loop3A_816 = arith.constant 32 : index
        %parallel_loop3A_817 = tpu.vector_load %arg12[%parallel_loop3A_815, %parallel_loop3A_816] {strides = array<i32>} : memref<80x64xf32, #tpu.memory_space<vmem>>, vector<1x16xf32>,
        %parallel_loop3A_818 = vector.shape_cast %parallel_loop3A_817 : vector<1x16xf32> to vector<16xf32>
        %parallel_loop3A_819 = arith.mulf %parallel_loop3A_818, %parallel_loop3A_792 : vector<16xf32>
        %parallel_loop3A_820 = arith.index_cast %parallel_loop3A_794 : i32 to index
        %parallel_loop3A_821 = arith.constant 32 : index
        %parallel_loop3A_822 = tpu.vector_load %arg14[%parallel_loop3A_820, %parallel_loop3A_821] {strides = array<i32>} : memref<80x64xf32, #tpu.memory_space<vmem>>, vector<1x16xf32>,
        %parallel_loop3A_823 = vector.shape_cast %parallel_loop3A_822 : vector<1x16xf32> to vector<16xf32>
        %parallel_loop3A_824 = vector.shape_cast %parallel_loop3A_819 : vector<16xf32> to vector<1x16xf32>
        tpu.vector_store %arg14[%parallel_loop3A_820, %parallel_loop3A_821], %parallel_loop3A_824 {strides = array<i32>} : memref<80x64xf32, #tpu.memory_space<vmem>>, vector<1x16xf32>,
        %parallel_loop3A_825 = arith.index_cast %parallel_loop3A_794 : i32 to index
        %parallel_loop3A_826 = arith.constant 48 : index
        %parallel_loop3A_827 = tpu.vector_load %arg12[%parallel_loop3A_825, %parallel_loop3A_826] {strides = array<i32>} : memref<80x64xf32, #tpu.memory_space<vmem>>, vector<1x16xf32>,
        %parallel_loop3A_828 = vector.shape_cast %parallel_loop3A_827 : vector<1x16xf32> to vector<16xf32>
        %parallel_loop3A_829 = arith.mulf %parallel_loop3A_828, %parallel_loop3A_792 : vector<16xf32>
        %parallel_loop3A_830 = arith.index_cast %parallel_loop3A_794 : i32 to index
        %parallel_loop3A_831 = arith.constant 48 : index
        %parallel_loop3A_832 = tpu.vector_load %arg14[%parallel_loop3A_830, %parallel_loop3A_831] {strides = array<i32>} : memref<80x64xf32, #tpu.memory_space<vmem>>, vector<1x16xf32>,
        %parallel_loop3A_833 = vector.shape_cast %parallel_loop3A_832 : vector<1x16xf32> to vector<16xf32>
        %parallel_loop3A_834 = vector.shape_cast %parallel_loop3A_829 : vector<16xf32> to vector<1x16xf32>
        tpu.vector_store %arg14[%parallel_loop3A_830, %parallel_loop3A_831], %parallel_loop3A_834 {strides = array<i32>} : memref<80x64xf32, #tpu.memory_space<vmem>>, vector<1x16xf32>,
        %parallel_loop3A_835 = arith.constant 14 : i32
        %parallel_loop3A_836 = vector.broadcast %parallel_loop3A_835 : i32 to vector<16x1xi32>
        %parallel_loop3A_837 = vector.shape_cast %parallel_loop3A_836 : vector<16x1xi32> to vector<16xi32>
        %parallel_loop3A_838 = tpu.dynamic_gather %parallel_loop3A_190[%parallel_loop3A_837] in [0] : vector<16xf32>, vector<16xi32> -> vector<16xf32>
        %parallel_loop3A_839 = arith.constant 14 : i32
        %parallel_loop3A_840 = arith.addi %parallel_loop3A_186, %parallel_loop3A_839 : i32
        %parallel_loop3A_841 = arith.index_cast %parallel_loop3A_840 : i32 to index
        %parallel_loop3A_842 = arith.constant 0 : index
        %parallel_loop3A_843 = tpu.vector_load %arg12[%parallel_loop3A_841, %parallel_loop3A_842] {strides = array<i32>} : memref<80x64xf32, #tpu.memory_space<vmem>>, vector<1x16xf32>,
        %parallel_loop3A_844 = vector.shape_cast %parallel_loop3A_843 : vector<1x16xf32> to vector<16xf32>
        %parallel_loop3A_845 = arith.mulf %parallel_loop3A_844, %parallel_loop3A_838 : vector<16xf32>
        %parallel_loop3A_846 = arith.index_cast %parallel_loop3A_840 : i32 to index
        %parallel_loop3A_847 = arith.constant 0 : index
        %parallel_loop3A_848 = tpu.vector_load %arg14[%parallel_loop3A_846, %parallel_loop3A_847] {strides = array<i32>} : memref<80x64xf32, #tpu.memory_space<vmem>>, vector<1x16xf32>,
        %parallel_loop3A_849 = vector.shape_cast %parallel_loop3A_848 : vector<1x16xf32> to vector<16xf32>
        %parallel_loop3A_850 = vector.shape_cast %parallel_loop3A_845 : vector<16xf32> to vector<1x16xf32>
        tpu.vector_store %arg14[%parallel_loop3A_846, %parallel_loop3A_847], %parallel_loop3A_850 {strides = array<i32>} : memref<80x64xf32, #tpu.memory_space<vmem>>, vector<1x16xf32>,
        %parallel_loop3A_851 = arith.index_cast %parallel_loop3A_840 : i32 to index
        %parallel_loop3A_852 = arith.constant 16 : index
        %parallel_loop3A_853 = tpu.vector_load %arg12[%parallel_loop3A_851, %parallel_loop3A_852] {strides = array<i32>} : memref<80x64xf32, #tpu.memory_space<vmem>>, vector<1x16xf32>,
        %parallel_loop3A_854 = vector.shape_cast %parallel_loop3A_853 : vector<1x16xf32> to vector<16xf32>
        %parallel_loop3A_855 = arith.mulf %parallel_loop3A_854, %parallel_loop3A_838 : vector<16xf32>
        %parallel_loop3A_856 = arith.index_cast %parallel_loop3A_840 : i32 to index
        %parallel_loop3A_857 = arith.constant 16 : index
        %parallel_loop3A_858 = tpu.vector_load %arg14[%parallel_loop3A_856, %parallel_loop3A_857] {strides = array<i32>} : memref<80x64xf32, #tpu.memory_space<vmem>>, vector<1x16xf32>,
        %parallel_loop3A_859 = vector.shape_cast %parallel_loop3A_858 : vector<1x16xf32> to vector<16xf32>
        %parallel_loop3A_860 = vector.shape_cast %parallel_loop3A_855 : vector<16xf32> to vector<1x16xf32>
        tpu.vector_store %arg14[%parallel_loop3A_856, %parallel_loop3A_857], %parallel_loop3A_860 {strides = array<i32>} : memref<80x64xf32, #tpu.memory_space<vmem>>, vector<1x16xf32>,
        %parallel_loop3A_861 = arith.index_cast %parallel_loop3A_840 : i32 to index
        %parallel_loop3A_862 = arith.constant 32 : index
        %parallel_loop3A_863 = tpu.vector_load %arg12[%parallel_loop3A_861, %parallel_loop3A_862] {strides = array<i32>} : memref<80x64xf32, #tpu.memory_space<vmem>>, vector<1x16xf32>,
        %parallel_loop3A_864 = vector.shape_cast %parallel_loop3A_863 : vector<1x16xf32> to vector<16xf32>
        %parallel_loop3A_865 = arith.mulf %parallel_loop3A_864, %parallel_loop3A_838 : vector<16xf32>
        %parallel_loop3A_866 = arith.index_cast %parallel_loop3A_840 : i32 to index
        %parallel_loop3A_867 = arith.constant 32 : index
        %parallel_loop3A_868 = tpu.vector_load %arg14[%parallel_loop3A_866, %parallel_loop3A_867] {strides = array<i32>} : memref<80x64xf32, #tpu.memory_space<vmem>>, vector<1x16xf32>,
        %parallel_loop3A_869 = vector.shape_cast %parallel_loop3A_868 : vector<1x16xf32> to vector<16xf32>
        %parallel_loop3A_870 = vector.shape_cast %parallel_loop3A_865 : vector<16xf32> to vector<1x16xf32>
        tpu.vector_store %arg14[%parallel_loop3A_866, %parallel_loop3A_867], %parallel_loop3A_870 {strides = array<i32>} : memref<80x64xf32, #tpu.memory_space<vmem>>, vector<1x16xf32>,
        %parallel_loop3A_871 = arith.index_cast %parallel_loop3A_840 : i32 to index
        %parallel_loop3A_872 = arith.constant 48 : index
        %parallel_loop3A_873 = tpu.vector_load %arg12[%parallel_loop3A_871, %parallel_loop3A_872] {strides = array<i32>} : memref<80x64xf32, #tpu.memory_space<vmem>>, vector<1x16xf32>,
        %parallel_loop3A_874 = vector.shape_cast %parallel_loop3A_873 : vector<1x16xf32> to vector<16xf32>
        %parallel_loop3A_875 = arith.mulf %parallel_loop3A_874, %parallel_loop3A_838 : vector<16xf32>
        %parallel_loop3A_876 = arith.index_cast %parallel_loop3A_840 : i32 to index
        %parallel_loop3A_877 = arith.constant 48 : index
        %parallel_loop3A_878 = tpu.vector_load %arg14[%parallel_loop3A_876, %parallel_loop3A_877] {strides = array<i32>} : memref<80x64xf32, #tpu.memory_space<vmem>>, vector<1x16xf32>,
        %parallel_loop3A_879 = vector.shape_cast %parallel_loop3A_878 : vector<1x16xf32> to vector<16xf32>
        %parallel_loop3A_880 = vector.shape_cast %parallel_loop3A_875 : vector<16xf32> to vector<1x16xf32>
        tpu.vector_store %arg14[%parallel_loop3A_876, %parallel_loop3A_877], %parallel_loop3A_880 {strides = array<i32>} : memref<80x64xf32, #tpu.memory_space<vmem>>, vector<1x16xf32>,
        %parallel_loop3A_881 = arith.constant 15 : i32
        %parallel_loop3A_882 = vector.broadcast %parallel_loop3A_881 : i32 to vector<16x1xi32>
        %parallel_loop3A_883 = vector.shape_cast %parallel_loop3A_882 : vector<16x1xi32> to vector<16xi32>
        %parallel_loop3A_884 = tpu.dynamic_gather %parallel_loop3A_190[%parallel_loop3A_883] in [0] : vector<16xf32>, vector<16xi32> -> vector<16xf32>
        %parallel_loop3A_885 = arith.constant 15 : i32
        %parallel_loop3A_886 = arith.addi %parallel_loop3A_186, %parallel_loop3A_885 : i32
        %parallel_loop3A_887 = arith.index_cast %parallel_loop3A_886 : i32 to index
        %parallel_loop3A_888 = arith.constant 0 : index
        %parallel_loop3A_889 = tpu.vector_load %arg12[%parallel_loop3A_887, %parallel_loop3A_888] {strides = array<i32>} : memref<80x64xf32, #tpu.memory_space<vmem>>, vector<1x16xf32>,
        %parallel_loop3A_890 = vector.shape_cast %parallel_loop3A_889 : vector<1x16xf32> to vector<16xf32>
        %parallel_loop3A_891 = arith.mulf %parallel_loop3A_890, %parallel_loop3A_884 : vector<16xf32>
        %parallel_loop3A_892 = arith.index_cast %parallel_loop3A_886 : i32 to index
        %parallel_loop3A_893 = arith.constant 0 : index
        %parallel_loop3A_894 = tpu.vector_load %arg14[%parallel_loop3A_892, %parallel_loop3A_893] {strides = array<i32>} : memref<80x64xf32, #tpu.memory_space<vmem>>, vector<1x16xf32>,
        %parallel_loop3A_895 = vector.shape_cast %parallel_loop3A_894 : vector<1x16xf32> to vector<16xf32>
        %parallel_loop3A_896 = vector.shape_cast %parallel_loop3A_891 : vector<16xf32> to vector<1x16xf32>
        tpu.vector_store %arg14[%parallel_loop3A_892, %parallel_loop3A_893], %parallel_loop3A_896 {strides = array<i32>} : memref<80x64xf32, #tpu.memory_space<vmem>>, vector<1x16xf32>,
        %parallel_loop3A_897 = arith.index_cast %parallel_loop3A_886 : i32 to index
        %parallel_loop3A_898 = arith.constant 16 : index
        %parallel_loop3A_899 = tpu.vector_load %arg12[%parallel_loop3A_897, %parallel_loop3A_898] {strides = array<i32>} : memref<80x64xf32, #tpu.memory_space<vmem>>, vector<1x16xf32>,
        %parallel_loop3A_900 = vector.shape_cast %parallel_loop3A_899 : vector<1x16xf32> to vector<16xf32>
        %parallel_loop3A_901 = arith.mulf %parallel_loop3A_900, %parallel_loop3A_884 : vector<16xf32>
        %parallel_loop3A_902 = arith.index_cast %parallel_loop3A_886 : i32 to index
        %parallel_loop3A_903 = arith.constant 16 : index
        %parallel_loop3A_904 = tpu.vector_load %arg14[%parallel_loop3A_902, %parallel_loop3A_903] {strides = array<i32>} : memref<80x64xf32, #tpu.memory_space<vmem>>, vector<1x16xf32>,
        %parallel_loop3A_905 = vector.shape_cast %parallel_loop3A_904 : vector<1x16xf32> to vector<16xf32>
        %parallel_loop3A_906 = vector.shape_cast %parallel_loop3A_901 : vector<16xf32> to vector<1x16xf32>
        tpu.vector_store %arg14[%parallel_loop3A_902, %parallel_loop3A_903], %parallel_loop3A_906 {strides = array<i32>} : memref<80x64xf32, #tpu.memory_space<vmem>>, vector<1x16xf32>,
        %parallel_loop3A_907 = arith.index_cast %parallel_loop3A_886 : i32 to index
        %parallel_loop3A_908 = arith.constant 32 : index
        %parallel_loop3A_909 = tpu.vector_load %arg12[%parallel_loop3A_907, %parallel_loop3A_908] {strides = array<i32>} : memref<80x64xf32, #tpu.memory_space<vmem>>, vector<1x16xf32>,
        %parallel_loop3A_910 = vector.shape_cast %parallel_loop3A_909 : vector<1x16xf32> to vector<16xf32>
        %parallel_loop3A_911 = arith.mulf %parallel_loop3A_910, %parallel_loop3A_884 : vector<16xf32>
        %parallel_loop3A_912 = arith.index_cast %parallel_loop3A_886 : i32 to index
        %parallel_loop3A_913 = arith.constant 32 : index
        %parallel_loop3A_914 = tpu.vector_load %arg14[%parallel_loop3A_912, %parallel_loop3A_913] {strides = array<i32>} : memref<80x64xf32, #tpu.memory_space<vmem>>, vector<1x16xf32>,
        %parallel_loop3A_915 = vector.shape_cast %parallel_loop3A_914 : vector<1x16xf32> to vector<16xf32>
        %parallel_loop3A_916 = vector.shape_cast %parallel_loop3A_911 : vector<16xf32> to vector<1x16xf32>
        tpu.vector_store %arg14[%parallel_loop3A_912, %parallel_loop3A_913], %parallel_loop3A_916 {strides = array<i32>} : memref<80x64xf32, #tpu.memory_space<vmem>>, vector<1x16xf32>,
        %parallel_loop3A_917 = arith.index_cast %parallel_loop3A_886 : i32 to index
        %parallel_loop3A_918 = arith.constant 48 : index
        %parallel_loop3A_919 = tpu.vector_load %arg12[%parallel_loop3A_917, %parallel_loop3A_918] {strides = array<i32>} : memref<80x64xf32, #tpu.memory_space<vmem>>, vector<1x16xf32>,
        %parallel_loop3A_920 = vector.shape_cast %parallel_loop3A_919 : vector<1x16xf32> to vector<16xf32>
        %parallel_loop3A_921 = arith.mulf %parallel_loop3A_920, %parallel_loop3A_884 : vector<16xf32>
        %parallel_loop3A_922 = arith.index_cast %parallel_loop3A_886 : i32 to index
        %parallel_loop3A_923 = arith.constant 48 : index
        %parallel_loop3A_924 = tpu.vector_load %arg14[%parallel_loop3A_922, %parallel_loop3A_923] {strides = array<i32>} : memref<80x64xf32, #tpu.memory_space<vmem>>, vector<1x16xf32>,
        %parallel_loop3A_925 = vector.shape_cast %parallel_loop3A_924 : vector<1x16xf32> to vector<16xf32>
        %parallel_loop3A_926 = vector.shape_cast %parallel_loop3A_921 : vector<16xf32> to vector<1x16xf32>
        tpu.vector_store %arg14[%parallel_loop3A_922, %parallel_loop3A_923], %parallel_loop3A_926 {strides = array<i32>} : memref<80x64xf32, #tpu.memory_space<vmem>>, vector<1x16xf32>,
        scf.yield %parallel_loop3A_184 : i32
      } {sc.loop_unroll_factor = 2 : i64, sc.parallel_access}
      %add3A_170 = arith.constant 2 : i32
      %add3A_171 = arith.addi %add3A_149, %add3A_170 : i32
      %lt3A_172 = arith.constant 250 : i32
      %lt3A_173 = arith.cmpi slt, %add3A_171, %lt3A_172 : i32
      %convert_element_type3A_174 = arith.extui %lt3A_173 : i1 to i32
      %cond3A_175 = arith.constant 0 : i32
      %cond3A_176 = arith.cmpi ne, %convert_element_type3A_174, %cond3A_175 : i32
      scf.if %cond3A_176 {
        %add3A_183 = arith.constant 2 : i32
        %add3A_184 = arith.addi %add3A_149, %add3A_183 : i32
        %dma_start3A_185 = arith.constant 0 : i32
        %dma_start3A_186 = tpu.memref_slice %arg9[%add3A_184, %dma_start3A_185] : memref<250x80xi32, #tpu.memory_space<vmem>> -> memref<1x80xi32, #tpu.memory_space<vmem>>
        %dma_start3A_187 = tpu.memref_squeeze %dma_start3A_186 : memref<1x80xi32, #tpu.memory_space<vmem>> -> memref<80xi32, #tpu.memory_space<vmem>>
        %dma_start3A_188 = arith.constant 0 : i32
        %dma_start3A_189 = arith.constant 0 : i32
        %dma_start3A_190 = tpu.memref_slice %arg5[%arg0, %dma_start3A_188, %dma_start3A_189] : memref<2x10000x64xf32, #tpu.memory_space<hbm>> -> memref<1x10000x64xf32, #tpu.memory_space<hbm>>
        %dma_start3A_191 = tpu.memref_squeeze %dma_start3A_190 : memref<1x10000x64xf32, #tpu.memory_space<hbm>> -> memref<10000x64xf32, #tpu.memory_space<hbm>>
        %dma_start3A_192 = arith.constant 0 : i32
        %dma_start3A_193 = arith.constant 0 : i32
        %dma_start3A_194 = tpu.memref_slice %dma_start3A_191[%dma_start3A_192, %dma_start3A_193] : memref<10000x64xf32, #tpu.memory_space<hbm>> -> memref<10000x64xf32, #tpu.memory_space<hbm>>
        tpu.enqueue_indirect_dma source(%dma_start3A_194 : memref<10000x64xf32, #tpu.memory_space<hbm>>) target(%arg12 : memref<80x64xf32, #tpu.memory_space<vmem>>) offsets(%dma_start3A_187 : memref<80xi32, #tpu.memory_space<vmem>>) semaphore(%arg17 : memref<!tpu.dma_semaphore, #tpu.memory_space<semaphore_mem>>)
      } else {
      }
      %dma_start3A_177 = arith.constant 0 : i32
      %dma_start3A_178 = tpu.memref_slice %arg8[%add3A_149, %dma_start3A_177] : memref<250x80xi32, #tpu.memory_space<vmem>> -> memref<1x80xi32, #tpu.memory_space<vmem>>
      %dma_start3A_179 = tpu.memref_squeeze %dma_start3A_178 : memref<1x80xi32, #tpu.memory_space<vmem>> -> memref<80xi32, #tpu.memory_space<vmem>>
      %dma_start3A_180 = arith.constant 0 : i32
      %dma_start3A_181 = arith.constant 0 : i32
      %dma_start3A_182 = tpu.memref_slice %arg15[%dma_start3A_180, %dma_start3A_181] : memref<10000x64xf32, #tpu.memory_space<vmem_shared>> -> memref<10000x64xf32, #tpu.memory_space<vmem_shared>>
      tpu.enqueue_indirect_dma source(%arg14 : memref<80x64xf32, #tpu.memory_space<vmem>>) target(%dma_start3A_182 : memref<10000x64xf32, #tpu.memory_space<vmem_shared>>) offsets(%dma_start3A_179 : memref<80xi32, #tpu.memory_space<vmem>>) semaphore(%arg19 : memref<!tpu.dma_semaphore, #tpu.memory_space<semaphore_mem>>) {add = true}
    }
    %scan3A_87 = arith.constant 125 : i32
    %dma_wait3A_88 = arith.constant 248 : i32
    %dma_wait3A_89 = arith.constant 0 : i32
    %dma_wait3A_90 = tpu.memref_slice %arg8[%dma_wait3A_88, %dma_wait3A_89] : memref<250x80xi32, #tpu.memory_space<vmem>> -> memref<1x80xi32, #tpu.memory_space<vmem>>
    %dma_wait3A_91 = tpu.memref_squeeze %dma_wait3A_90 : memref<1x80xi32, #tpu.memory_space<vmem>> -> memref<80xi32, #tpu.memory_space<vmem>>
    %dma_wait3A_92 = arith.constant 0 : i32
    %dma_wait3A_93 = arith.constant 0 : i32
    %dma_wait3A_94 = tpu.memref_slice %arg15[%dma_wait3A_92, %dma_wait3A_93] : memref<10000x64xf32, #tpu.memory_space<vmem_shared>> -> memref<10000x64xf32, #tpu.memory_space<vmem_shared>>
    tpu.wait_indirect_dma semaphore(%arg18 : memref<!tpu.dma_semaphore, #tpu.memory_space<semaphore_mem>>) src(%arg13 : memref<80x64xf32, #tpu.memory_space<vmem>>) dst(%dma_wait3A_94 : memref<10000x64xf32, #tpu.memory_space<vmem_shared>>)
    %dma_wait3A_95 = arith.constant 249 : i32
    %dma_wait3A_96 = arith.constant 0 : i32
    %dma_wait3A_97 = tpu.memref_slice %arg8[%dma_wait3A_95, %dma_wait3A_96] : memref<250x80xi32, #tpu.memory_space<vmem>> -> memref<1x80xi32, #tpu.memory_space<vmem>>
    %dma_wait3A_98 = tpu.memref_squeeze %dma_wait3A_97 : memref<1x80xi32, #tpu.memory_space<vmem>> -> memref<80xi32, #tpu.memory_space<vmem>>
    %dma_wait3A_99 = arith.constant 0 : i32
    %dma_wait3A_100 = arith.constant 0 : i32
    %dma_wait3A_101 = tpu.memref_slice %arg15[%dma_wait3A_99, %dma_wait3A_100] : memref<10000x64xf32, #tpu.memory_space<vmem_shared>> -> memref<10000x64xf32, #tpu.memory_space<vmem_shared>>
    tpu.wait_indirect_dma semaphore(%arg19 : memref<!tpu.dma_semaphore, #tpu.memory_space<semaphore_mem>>) src(%arg14 : memref<80x64xf32, #tpu.memory_space<vmem>>) dst(%dma_wait3A_101 : memref<10000x64xf32, #tpu.memory_space<vmem_shared>>)
    %barrier3A_102 = arith.constant 0 : index
    tpu.barrier barrier_id(%barrier3A_102)
    %mul3A_103 = arith.constant 624 : i32
    %mul3A_104 = arith.muli %arg1, %mul3A_103 : i32
    %mul3A_105 = arith.constant 624 : i32
    %mul3A_106 = arith.muli %arg1, %mul3A_105 : i32
    "tpu.region"() ({
      %run_scoped3A = tpu.sem_alloc : memref<!tpu.dma_semaphore, #tpu.memory_space<semaphore_mem>>
      %dma_start3A_112 = arith.constant 0 : i32
      %dma_start3A_113 = tpu.memref_slice %arg7[%arg0, %mul3A_106, %dma_start3A_112] : memref<2x10000x64xf32, #tpu.memory_space<hbm>> -> memref<1x624x64xf32, #tpu.memory_space<hbm>>
      %dma_start3A_114 = tpu.memref_squeeze %dma_start3A_113 : memref<1x624x64xf32, #tpu.memory_space<hbm>> -> memref<624x64xf32, #tpu.memory_space<hbm>>
      %dma_start3A_115 = arith.constant 0 : i32
      %dma_start3A_116 = tpu.memref_slice %arg15[%mul3A_104, %dma_start3A_115] : memref<10000x64xf32, #tpu.memory_space<vmem_shared>> -> memref<624x64xf32, #tpu.memory_space<vmem_shared>>
      tpu.enqueue_dma source(%dma_start3A_116 : memref<624x64xf32, #tpu.memory_space<vmem_shared>>) target(%dma_start3A_114 : memref<624x64xf32, #tpu.memory_space<hbm>>) target_semaphore(%run_scoped3A : memref<!tpu.dma_semaphore, #tpu.memory_space<semaphore_mem>>)
      %dma_wait3A_117 = arith.constant 0 : i32
      %dma_wait3A_118 = tpu.memref_slice %arg7[%arg0, %mul3A_106, %dma_wait3A_117] : memref<2x10000x64xf32, #tpu.memory_space<hbm>> -> memref<1x624x64xf32, #tpu.memory_space<hbm>>
      %dma_wait3A_119 = tpu.memref_squeeze %dma_wait3A_118 : memref<1x624x64xf32, #tpu.memory_space<hbm>> -> memref<624x64xf32, #tpu.memory_space<hbm>>
      %dma_wait3A_120 = arith.constant 0 : i32
      %dma_wait3A_121 = tpu.memref_slice %arg15[%mul3A_104, %dma_wait3A_120] : memref<10000x64xf32, #tpu.memory_space<vmem_shared>> -> memref<624x64xf32, #tpu.memory_space<vmem_shared>>
      tpu.wait_dma2 semaphore(%run_scoped3A : memref<!tpu.dma_semaphore, #tpu.memory_space<semaphore_mem>>) src(%dma_wait3A_121 : memref<624x64xf32, #tpu.memory_space<vmem_shared>>) dst(%dma_wait3A_119 : memref<624x64xf32, #tpu.memory_space<hbm>>)
      tpu.yield
    }) : () -> ()
    %eq3A_107 = arith.constant 15 : i32
    %eq3A_108 = arith.cmpi eq, %arg1, %eq3A_107 : i32
    %convert_element_type3A_109 = arith.extui %eq3A_108 : i1 to i32
    %cond3A_110 = arith.constant 0 : i32
    %cond3A_111 = arith.cmpi ne, %convert_element_type3A_109, %cond3A_110 : i32
    scf.if %cond3A_111 {
      "tpu.region"() ({
        %run_scoped3A = tpu.sem_alloc : memref<!tpu.dma_semaphore, #tpu.memory_space<semaphore_mem>>
        %dma_start3A_112 = arith.constant 9984 : i32
        %dma_start3A_113 = arith.constant 0 : i32
        %dma_start3A_114 = tpu.memref_slice %arg7[%arg0, %dma_start3A_112, %dma_start3A_113] : memref<2x10000x64xf32, #tpu.memory_space<hbm>> -> memref<1x16x64xf32, #tpu.memory_space<hbm>>
        %dma_start3A_115 = tpu.memref_squeeze %dma_start3A_114 : memref<1x16x64xf32, #tpu.memory_space<hbm>> -> memref<16x64xf32, #tpu.memory_space<hbm>>
        %dma_start3A_116 = arith.constant 9984 : i32
        %dma_start3A_117 = arith.constant 0 : i32
        %dma_start3A_118 = tpu.memref_slice %arg15[%dma_start3A_116, %dma_start3A_117] : memref<10000x64xf32, #tpu.memory_space<vmem_shared>> -> memref<16x64xf32, #tpu.memory_space<vmem_shared>>
        tpu.enqueue_dma source(%dma_start3A_118 : memref<16x64xf32, #tpu.memory_space<vmem_shared>>) target(%dma_start3A_115 : memref<16x64xf32, #tpu.memory_space<hbm>>) target_semaphore(%run_scoped3A : memref<!tpu.dma_semaphore, #tpu.memory_space<semaphore_mem>>)
        %dma_wait3A_119 = arith.constant 9984 : i32
        %dma_wait3A_120 = arith.constant 0 : i32
        %dma_wait3A_121 = tpu.memref_slice %arg7[%arg0, %dma_wait3A_119, %dma_wait3A_120] : memref<2x10000x64xf32, #tpu.memory_space<hbm>> -> memref<1x16x64xf32, #tpu.memory_space<hbm>>
        %dma_wait3A_122 = tpu.memref_squeeze %dma_wait3A_121 : memref<1x16x64xf32, #tpu.memory_space<hbm>> -> memref<16x64xf32, #tpu.memory_space<hbm>>
        %dma_wait3A_123 = arith.constant 9984 : i32
        %dma_wait3A_124 = arith.constant 0 : i32
        %dma_wait3A_125 = tpu.memref_slice %arg15[%dma_wait3A_123, %dma_wait3A_124] : memref<10000x64xf32, #tpu.memory_space<vmem_shared>> -> memref<16x64xf32, #tpu.memory_space<vmem_shared>>
        tpu.wait_dma2 semaphore(%run_scoped3A : memref<!tpu.dma_semaphore, #tpu.memory_space<semaphore_mem>>) src(%dma_wait3A_125 : memref<16x64xf32, #tpu.memory_space<vmem_shared>>) dst(%dma_wait3A_122 : memref<16x64xf32, #tpu.memory_space<hbm>>)
        tpu.yield
      }) : () -> ()
    } else {
    }
    return
  }
}

module attributes {stable_mosaic.version = 14 : i64} {
  func.func @body(%arg0: i32, %arg1: memref<1000x128xf32, #tpu.memory_space<vmem>>, %arg2: memref<128x128xf32, #tpu.memory_space<vmem>>, %arg3: memref<2x1000x64xf32, #tpu.memory_space<vmem>>) attributes {dimension_semantics = [#tpu.dimension_semantics<arbitrary>], iteration_bounds = array<i64: 10>, scalar_prefetch = 0 : i64, scratch_operands = 0 : i64, tpu.core_type = #tpu.core_type<tc>, window_params = [{transform_indices = @transform_0, window_bounds = array<i64: 1000, 128>}, {pipeline_mode = #tpu.pipeline_mode<synchronous>, transform_indices = @transform_1, window_bounds = array<i64: 128, 128>}, {transform_indices = @transform_2, window_bounds = array<i64: 2, 1000, 64>}]} {
    %get3A = arith.constant 0 : index
    %get3A_0 = arith.constant 0 : index
    %get3A_1 = vector.load %arg1[%get3A, %get3A_0] : memref<1000x128xf32, #tpu.memory_space<vmem>>, vector<1000x128xf32>
    %get3A_2 = arith.constant 0 : index
    %get3A_3 = arith.constant 0 : index
    %get3A_4 = vector.load %arg2[%get3A_2, %get3A_3] : memref<128x128xf32, #tpu.memory_space<vmem>>, vector<128x128xf32>
    %dot_general3A = arith.constant dense<0.000000e+00> : vector<1000x128xf32>
    %dot_general3A_5 = tpu.matmul %get3A_1, %get3A_4, %dot_general3A {dimension_numbers = #tpu.dot_dimension_numbers<[1], [0], [0], [1], [0, 0, 1, 1], [], []>, transpose_lhs_hint = false} : vector<1000x128xf32>, vector<128x128xf32>, vector<1000x128xf32> -> vector<1000x128xf32>
    %slice3A = vector.extract_strided_slice %dot_general3A_5 {offsets = [0, 0], sizes = [1000, 64], strides = [1, 1]} : vector<1000x128xf32> to vector<1000x64xf32>
    %swap3A = arith.constant 0 : index
    %swap3A_6 = arith.constant 0 : index
    %swap3A_7 = arith.constant 0 : index
    %swap3A_8 = vector.load %arg3[%swap3A, %swap3A_6, %swap3A_7] : memref<2x1000x64xf32, #tpu.memory_space<vmem>>, vector<1x1000x64xf32>
    %swap3A_9 = vector.shape_cast %swap3A_8 : vector<1x1000x64xf32> to vector<1000x64xf32>
    %swap3A_10 = vector.shape_cast %slice3A : vector<1000x64xf32> to vector<1x1000x64xf32>
    tpu.vector_store %arg3[%swap3A, %swap3A_6, %swap3A_7], %swap3A_10 {strides = array<i32>} : memref<2x1000x64xf32, #tpu.memory_space<vmem>>, vector<1x1000x64xf32>,
    %slice3A_11 = vector.extract_strided_slice %dot_general3A_5 {offsets = [0, 64], sizes = [1000, 64], strides = [1, 1]} : vector<1000x128xf32> to vector<1000x64xf32>
    %swap3A_12 = arith.constant 1 : index
    %swap3A_13 = arith.constant 0 : index
    %swap3A_14 = arith.constant 0 : index
    %swap3A_15 = vector.load %arg3[%swap3A_12, %swap3A_13, %swap3A_14] : memref<2x1000x64xf32, #tpu.memory_space<vmem>>, vector<1x1000x64xf32>
    %swap3A_16 = vector.shape_cast %swap3A_15 : vector<1x1000x64xf32> to vector<1000x64xf32>
    %swap3A_17 = vector.shape_cast %slice3A_11 : vector<1000x64xf32> to vector<1x1000x64xf32>
    tpu.vector_store %arg3[%swap3A_12, %swap3A_13, %swap3A_14], %swap3A_17 {strides = array<i32>} : memref<2x1000x64xf32, #tpu.memory_space<vmem>>, vector<1x1000x64xf32>,
    return
  }
  func.func @transform_0(%arg0: i32) -> (i32, i32) {
    %c0_i32 = arith.constant 0 : i32
    %c0_i32_0 = arith.constant 0 : i32
    return %arg0, %c0_i32 : i32, i32
  }
  func.func @transform_1(%arg0: i32) -> (i32, i32) {
    %c0_i32 = arith.constant 0 : i32
    %c0_i32_0 = arith.constant 0 : i32
    %c0_i32_1 = arith.constant 0 : i32
    return %c0_i32, %c0_i32_0 : i32, i32
  }
  func.func @transform_2(%arg0: i32) -> (i32, i32, i32) {
    %c0_i32 = arith.constant 0 : i32
    %c0_i32_0 = arith.constant 0 : i32
    %c0_i32_1 = arith.constant 0 : i32
    return %c0_i32, %arg0, %c0_i32_0 : i32, i32, i32
  }
}

</mosaic_0001>

<sc_bundles>
// kernel: kernel.4.cloned.1.call-start
scs
__scs_entry_jumppad:
0x0: {  	(pc) =	sbr.rel $0x88, $3  }
0x1: {  	(tag) =	ssettag $0x0;
	lr =	simm.s32 $0x1  }
0x2: {  	[smem:$0x3F9C] =	sst lr;
	_ =	strace $0xD0000000  }
0x3: {  	_ = 	snop  }
0x4: {  	_ = 	snop  }
0x5: {  	_ = 	snop  }
0x6: {  	_ = 	snop  }
0x7: {  	_ = 	snop  }
__scs_overlays_trampoline_lowered:
0x8: {  	[smem:$0x3FAB] =	sst s0  }
0x9: {  	[smem:$0x3FAC] =	sst s1  }
0xa: {  	[smem:$0x3FAD] =	sst s2  }
0xb: {  	[smem:$0x3FAE] =	sst s3  }
0xc: {  	[smem:$0x3FAF] =	sst s4  }
0xd: {  	[smem:$0x3FB0] =	sst s5  }
0xe: {  	[smem:$0x3FB1] =	sst s6  }
0xf: {  	[smem:$0x3FB2] =	sst s7  }
0x10: {  	[smem:$0x3FB3] =	sst s8  }
0x11: {  	[smem:$0x3FB4] =	sst s9;
	s0 =	simm.s32 @!p0 $0x0  }
0x12: {  	s1 =	sld [smem:$0x3F9A];
	s0 =	simm.s32 @p0 $0x1  }
0x13: {  	[smem:$0x3FB5] =	sst s0;
	s0 =	simm.s32 @!p1 $0x0  }
0x14: {  	s2 =	sld [smem:$0x3F99];
	s0 =	simm.s32 @p1 $0x1  }
0x15: {  	[smem:$0x3FB6] =	sst s0;
	s0 =	simm.s32 @!p2 $0x0  }
0x16: {  	s3 =	sld [smem:$0x3FDB];
	s0 =	simm.s32 @p2 $0x1  }
0x17: {  	s4 =	simm.s32 $0x1BF5;
	[smem:$0x3FB8] =	sst s0  }
0x18: {  	s0 =	sld [smem:$0x3F9B];
	_ =	swait.ge [sflag:s4], $0x0  }
0x19: {  	s7 =	sld [smem:$0x3F9C]  }
0x1a: {  	s8 =	sadd.s32 $0xFFFFE003, lr  }
0x1b: {  	s9 =	sadd.s32 $0xFFFFFEF7, lr;
	s5 =	simm.s32 $0xFFFFFFFF;
	p2 =	slt.u32 s8, $0xFFFFF086  }
0x1c: {  	p1 =	slt.u32 s9, $0xF7A;
	s5 =	simm.s32 @!p2 $0x0  }
0x1d: {  	s5 =	simm.s32 @p1 $0x1;
	p0 =	seq.s32 s7, s2  }
0x1e: {  	s7 =	smul.u32 @!p0 $0xF7A, s2;
	p2 =	seq.s32 @!p0 s5, $0x0  }
0x1f: {  	s9 =	smul.u32 $0xF7A, s1;
	s8 =	simm.s32 @!p0 $0x1BF5;
	p2 =	por !p2, p0  }
0x20: {  	[sflag:s8] =	ssyncset.s32 @!p0 $0xFFFFF086;
	s6 =	sadd.s32 @!p0 s3, s7;
	s7 =	simm.s32 @!p0 $0x108  }
0x21: {  	s3 =	sadd.s32 s3, s9;
	s6 =	sadd.s32 @!p0 $0x88, s6;
	s7 =	simm.s32 @p2 $0x1082  }
0x22: {  	[simem:s7], [sflag:s8] =	dma.local @!p0 [hbm:s6], $0xF7A  }
0x23: {  	s9 =	sor.u32 $0xD0000000, s2;
	s6 =	simm.s32 $0x108;
	_ =	swait.ge @!p0 [sflag:s8], $0x0  }
0x24: {  	s3 =	sadd.s32 $0x88, s3;
	s6 =	simm.s32 @!p1 $0x1082;
	[sflag:s4] =	ssyncset.s32 $0xFFFFF086  }
0x25: {  	[simem:s6], [sflag:s4] =	dma.local [hbm:s3], $0xF7A  }
0x26: {  	[smem:$0x3F9C] =	sst s1;
	(tag) =	ssettag s2;
	_ =	strace s9  }
0x27: {  	s1 =	sld [smem:$0x3FAC]  }
0x28: {  	s2 =	sld [smem:$0x3FAD]  }
0x29: {  	s4 =	sld [smem:$0x3FAF]  }
0x2a: {  	p0 =	seq.s32 s5, $0x0;
	s5 =	sld [smem:$0x3FB0]  }
0x2b: {  	s6 =	sld [smem:$0x3FB1]  }
0x2c: {  	s7 =	sld [smem:$0x3FB2]  }
0x2d: {  	s3 =	simm.s32 $0x108;
	s8 =	sld [smem:$0x3FB3]  }
0x2e: {  	s3 =	simm.s32 @!p0 $0x1082;
	s9 =	sld [smem:$0x3FB4]  }
0x2f: {  	lr =	sadd.s32 s0, s3;
	s0 =	sld [smem:$0x3FAB]  }
0x30: {  	s3 =	sld [smem:$0x3FAE]  }
0x31: {  	[smem:$0x3FB7] =	sst s10  }
0x32: {  	s10 =	sld [smem:$0x3FB5];
	_ =	sdelay $0x3  }
0x33: {  	p0 =	seq.s32 s10, $0x1;
	s10 =	sld [smem:$0x3FB7];
	_ =	sdelay $0x3  }
0x34: {  	[smem:$0x3FB7] =	sst s10  }
0x35: {  	s10 =	sld [smem:$0x3FB6];
	_ =	sdelay $0x3  }
0x36: {  	p1 =	seq.s32 s10, $0x1;
	s10 =	sld [smem:$0x3FB7];
	_ =	sdelay $0x3  }
0x37: {  	[smem:$0x3FB7] =	sst s10  }
0x38: {  	s10 =	sld [smem:$0x3FB8]  }
0x39: {  	_ = 	snop;
	(pc) =	sbr.ind lr, $3  }
0x3a: {  	_ = 	snop  }
0x3b: {  	_ = 	snop  }
0x3c: {  	p2 =	seq.s32 s10, $0x1;
	s10 =	sld [smem:$0x3FB7]  }
0x3d: {  	_ =	shalt  }
0x3e: {  	_ =	shalt  }
0x3f: {  	_ =	shalt  }
0x40: {  	_ =	shalt  }
0x41: {  	_ =	shalt  }
0x42: {  	_ =	shalt  }
0x43: {  	_ =	shalt  }
0x44: {  	_ =	shalt  }
0x45: {  	_ =	shalt  }
0x46: {  	_ =	shalt  }
0x47: {  	_ =	shalt  }
0x48: {  	_ =	shalt  }
0x49: {  	_ =	shalt  }
0x4a: {  	_ =	shalt  }
0x4b: {  	_ =	shalt  }
0x4c: {  	_ =	shalt  }
0x4d: {  	_ =	shalt  }
0x4e: {  	_ =	shalt  }
0x4f: {  	_ =	shalt  }
0x50: {  	_ =	shalt  }
0x51: {  	_ =	shalt  }
0x52: {  	_ =	shalt  }
0x53: {  	_ =	shalt  }
0x54: {  	_ =	shalt  }
0x55: {  	_ =	shalt  }
0x56: {  	_ =	shalt  }
0x57: {  	_ =	shalt  }
0x58: {  	_ =	shalt  }
0x59: {  	_ =	shalt  }
0x5a: {  	_ =	shalt  }
0x5b: {  	_ =	shalt  }
0x5c: {  	_ =	shalt  }
0x5d: {  	_ =	shalt  }
0x5e: {  	_ =	shalt  }
0x5f: {  	_ =	shalt  }
0x60: {  	_ =	shalt  }
0x61: {  	_ =	shalt  }
0x62: {  	_ =	shalt  }
0x63: {  	_ =	shalt  }
0x64: {  	_ =	shalt  }
0x65: {  	_ =	shalt  }
0x66: {  	_ =	shalt  }
0x67: {  	_ =	shalt  }
0x68: {  	_ =	shalt  }
0x69: {  	_ =	shalt  }
0x6a: {  	_ =	shalt  }
0x6b: {  	_ =	shalt  }
0x6c: {  	_ =	shalt  }
0x6d: {  	_ =	shalt  }
0x6e: {  	_ =	shalt  }
0x6f: {  	_ =	shalt  }
0x70: {  	_ =	shalt  }
0x71: {  	_ =	shalt  }
0x72: {  	_ =	shalt  }
0x73: {  	_ =	shalt  }
0x74: {  	_ =	shalt  }
0x75: {  	_ =	shalt  }
0x76: {  	_ =	shalt  }
0x77: {  	_ =	shalt  }
0x78: {  	_ =	shalt  }
0x79: {  	_ =	shalt  }
0x7a: {  	_ =	shalt  }
0x7b: {  	_ =	shalt  }
0x7c: {  	_ =	shalt  }
0x7d: {  	_ =	shalt  }
0x7e: {  	_ =	shalt  }
0x7f: {  	_ =	shalt  }
0x80: {  	_ =	shalt  }
0x81: {  	_ =	shalt  }
0x82: {  	_ =	shalt  }
0x83: {  	_ =	shalt  }
0x84: {  	_ =	shalt  }
0x85: {  	_ =	shalt  }
0x86: {  	_ =	shalt  }
0x87: {  	_ =	shalt  }
.Lfunc_end0:
.L_simem_size_0:
called_computation_lowered:
.L_overlay_start_0:
0x88: {  	s2 =	sld [smem:$0x3FD9]  }
0x89: {  	s3 =	sld [smem:$0x3FFE];
	_ =	sdelay $0x1  }
0x8a: {  	s1 =	srdreg.scid  }
0x8b: {  	s0 =	sand.u32 $0x1, s1  }
0x8c: {  	s17 =	sshll.u32 s0, $0xA;
	s2 =	sadd.s32 s3, s2  }
0x8d: {  	s2 =	sadd.s32 s2, s17  }
0x8e: {  	[smem:$0x3FC3] =	sst s2  }
0x8f: {  	_ = 	snop  }
0x90: {  	s2 =	sld [smem:$0x3FC8]  }
0x91: {  	s18 =	sld [smem:$0x3FD0];
	(tm) =	ssettm $0x1  }
0x92: {  	s4 =	sld [smem:$0x3FFB];
	_ =	sdelay $0x3  }
0x93: {  	_ =	strace s4  }
0x94: {  	s4 =	sld [smem:$0x3FFC];
	_ =	sdelay $0x3  }
0x95: {  	_ =	strace s4  }
0x96: {  	s4 =	sld [smem:$0x3FFD];
	_ =	sdelay $0x3  }
0x97: {  	_ =	strace s4  }
0x98: {  	_ =	strace $0x8FFFFFFF  }
0x99: {  	s19 =	sld [smem:$0x3FDB];
	_ =	sdelay $0x1  }
0x9a: {  	s5 =	simm.s32 $_scs_section_size  }
0x9b: {  	s6 =	simm.s32 $_size__tile_overlayer_lowered;
	s7 =	simm.s32 $_tile_overlayer_lowered  }
0x9c: {  	s22 =	simm.s32 $0x1BFF;
	s21 =	sshll.u32 s7, $0x1;
	s4 =	sadd.s32 s5, s19  }
0x9d: {  	s8 =	simm.s32 $0x0;
	s20 =	sshll.u32 s6, $0x1;
	s6 =	sadd.s32 s21, s4  }
0x9e: {  	[timem:s8], [sflag:s22] =	dma.local [hbm:s6], s20  }
0x9f: {  	_ =	swait.ge [sflag:s22], s20  }
0xa0: {  	s5 =	ssub.s32 $0x0, s20;
	[sflag:s22] =	ssyncset.done $0x0  }
0xa1: {  	[sflag:s22] =	ssyncadd.s32 s5;
	_ =	sdelay $0x1  }
0xa2: {  	s23 =	simm.s32 $0x1B8B  }
0xa3: {  	_ =	swait.ge [sflag:s23], $0x1  }
0xa4: {  	[sflag:s23] =	ssyncset.done $0x0  }
0xa5: {  	s25 =	simm.s32 $0x1B8E;
	s24 =	sld [smem:$0x3FFE];
	[sflag:s23] =	ssyncadd.s32 $0xFFFFFFFF  }
0xa6: {  	s26 =	simm.s32 $execute0_lowered;
	[smem:$0x3FD2] =	sst s25  }
0xa7: {  	s6 =	sshll.u32 s26, $0x1;
	_ =	strace $0x80000046;
	[dreg:$0x1] =	wrdreg $0xFFFFFFFF  }
0xa8: {  	s28 =	simm.s32 $_size_execute0_lowered;
	s4 =	sadd.s32 s4, s6;
	[dreg:$0x0] =	wrdreg $0x0  }
0xa9: {  	s6 =	sshll.u32 s28, $0x1;
	[dreg:$0x2] =	wrdreg s4  }
0xaa: {  	[dreg:$0x3] =	wrdreg s6  }
0xab: {  	[dreg:$0x4] =	wrdreg $0xC0  }
0xac: {  	_ =	task [dreg:s8], $0x5FFFF  }
0xad: {  	[dreg:$0x1] =	wrdreg $0xFFFFFFFF  }
0xae: {  	[dreg:$0x0] =	wrdreg $0x60  }
0xaf: {  	[dreg:$0x2] =	wrdreg s24  }
0xb0: {  	[dreg:$0x3] =	wrdreg s2  }
0xb1: {  	[dreg:$0x4] =	wrdreg s18  }
0xb2: {  	[dreg:$0x5] =	wrdreg $0x13A600  }
0xb3: {  	[dreg:$0x6] =	wrdreg $0x9  }
0xb4: {  	_ =	task.clear_ibuf [dreg:s8], $0x7FFFF;
	_ =	strace $0x90000046  }
0xb5: {  	s29 =	simm.s32 $0x9;
	_ =	strace $0x80000048  }
0xb6: {  	_ =	swait.ge [sflag:s29], $0x1  }
0xb7: {  	[sflag:s29] =	ssyncadd.s32 $0xFFFFFFFF  }
0xb8: {  	_ =	strace $0x90000048  }
0xb9: {  	_ =	sfence  }
0xba: {  	s30 =	sld [smem:$0x0];
	_ =	sdelay $0x2  }
0xbb: {  	s31 =	sshll.u32 s1, $0xD;
	s1 =	sshrl.u32 s1, $0x2  }
0xbc: {  	s3 =	sand.u32 $0x4000, s31;
	s1 =	sadd.s32 s1, s30  }
0xbd: {  	s0 =	sor.u32 s3, s0;
	s1 =	sshll.u32 s1, $0x11  }
0xbe: {  	s0 =	sor.u32 s1, s0  }
0xbf: {  	s0 =	sadd.s32 $0x8F2B, s0  }
0xc0: {  	[sflag:s0] =	ssyncadd.remote.s32 $0x1  }
0xc1: {  	_ =	sfence.sel $0xFFFF  }
0xc2: {  	[dreg:$0x0] =	wrdreg $0xFFFFFFFF;
	(pc) =	sbr.abs _section_cstart, $3  }
0xc3: {  	[dreg:$0x1] =	wrdreg $0xFFFFFFFF  }
0xc4: {  	_ =	task.clear_ibuf [dreg:s8], $0x2FFFF;
	_ =	strace $0x9FFFFFFF  }
0xc5: {  	(tm) =	ssettm $0x7FFFFFFF  }
tec
execute0_lowered:
.L_overlay_start_1:
0x0: {  	(tag) =	ssettag $0x1  }
0x1: {  	s0 =	rddreg [dreg:$0x0]  }
0x2: {  	s1 =	rddreg [dreg:$0x1]  }
0x3: {  	s10 =	rddreg [dreg:$0x2]  }
0x4: {  	s2 =	rddreg [dreg:$0x3];
	s16 =	stileid.u32  }
0x5: {  	s4 =	srdreg.scid;
	s3 =	simm.s32 $0x0;
	s18 =	simm.s32 $0x1  }
0x6: {  	s19 =	simm.s32 $0x50;
	s22 =	simm.s32 $0xFE60;
	s23 =	simm.s32 $0x2  }
0x7: {  	s24 =	simm.s32 $0x3;
	s28 =	simm.s32 $0x12660;
	s29 =	simm.s32 $0x5  }
0x8: {  	s30 =	simm.s32 $0x0;
	s5 =	smul.u32 $0x9C4, s16;
	s6 =	sand.u32 $0x1, s4  }
0x9: {  	[smem:$0x7FF] =	sst s3;
	s11 =	smul.u32 $0x9C00, s16;
	p0 =	sne.s32 s16, $0xF  }
0xa: {  	s4 =	smul.u32 $0x1380, s6;
	_ =	strace $0x80000047;
	s7 =	ssub.s32 $0x2, s6  }
0xb: {  	s31 =	smul.u32 $0x9C400, s6;
	s8 =	sadd.s32 s5, s0;
	s25 =	sshrl.u32 s7, $0x1  }
0xc: {  	s5 =	sadd.s32 s1, s5;
	s15 =	sadd.s32 s11, s2;
	s9 =	sadd.s32 s4, s0  }
0xd: {  	s0 =	sadd.s32 $0x16600, s0;
	s14 =	ssub.s32 s7, s25;
	s26 =	sadd.s32 $0x200, s8  }
0xe: {  	v0 =	vimm.s32 $0x0;
	s6 =	sadd.s32 $0xA000, s8;
	s8 =	sshll.u32 s16, $0x6;
	s13 =	sshrl.u32 s31, $0x3  }
.Ltmp0:
0xf: {  	v1 =	vimm.s32 $0x1;
	v2 =	vimm.s32 $0x2;
	v3 =	vimm.s32 $0x3;
	s1 =	sadd.s32 s11, s31;
	s11 =	sadd.s32 $0x9C000, s2;
	(pc) =	sbr.rel .LBB2_1-.Ltmp0, $4  }
0x10: {  	v4 =	vimm.s32 $0x4;
	v5 =	vimm.s32 $0x5;
	v6 =	vimm.s32 $0x6;
	s17 =	sshrl.u32 s15, $0x3;
	s25 =	simm.s32 $0x4;
	[dreg:$0x5] =	wrdreg s26  }
0x11: {  	v7 =	vimm.s32 $0x7;
	v8 =	vimm.s32 $0x8;
	v9 =	vimm.s32 $0x9;
	s7 =	sadd.s32 $0x13E00, s9;
	s9 =	sor.u32 $0x1C04, s8;
	s1 =	sshrl.u32 s1, $0x3  }
0x12: {  	v10 =	vimm.s32 $0xA;
	v11 =	vimm.s32 $0xB;
	v12 =	vimm.s32 $0xC;
	s10 =	sadd.s32 s10, s13;
	s12 =	sadd.s32 s0, s1;
	s0 =	sadd.s32 s0, s13  }
0x13: {  	v13 =	vimm.s32 $0xD;
	v14 =	vimm.s32 $0xE;
	v15 =	vimm.s32 $0xF;
	s14 =	smax.u32 s14, $0x1;
	s26 =	simm.s32 $0x11260;
	s13 =	sadd.s32 $0x13800, s0  }
.LBB2_8:
0x14: {  	[spmem:s2] =	stream.indirect.scatter.add.f32 [tilespmem:s28], [sflag:$0x4], $0x40, s16, s19, $0xb8;
	[tilespmem:$0x1D6A0] =	vst v63  }
0x15: {  	_ =	swait.ge [sflag:s24], $0x1400  }
0x16: {  	[sflag:s24] =	ssyncset.done $0x0  }
0x17: {  	[sflag:s24] =	ssyncadd.s32 $0xFFFFEC00  }
0x18: {  	_ =	swait.ge [sflag:s25], $0x1400  }
0x19: {  	[sflag:s25] =	ssyncset.done $0x0  }
0x1a: {  	[sflag:s25] =	ssyncadd.s32 $0xFFFFEC00  }
0x1b: {  	s0 =	sor.u32 $0x1C05, s8;
	[bflag:$0x0] =	sbarrier.arrive $0xFFFF  }
0x1c: {  	[hbm:s12], [sflag:s0] =	dma.local [spmem:s17], $0x1380  }
0x1d: {  	_ =	swait.ge [sflag:s29], $0x1380  }
0x1e: {  	s30 =	sadd.s32 $0x1, s30;
	[sflag:s29] =	ssyncset.done $0x0  }
0x1f: {  	p1 =	sne.s32 s30, s14;
	[sflag:s29] =	ssyncadd.s32 $0xFFFFEC80  }
0x20: {  	[hbm:s13], [sflag:s0] =	dma.local @!p0 [spmem:s31], $0x80  }
.Ltmp1:
0x21: {  	_ = 	snop;
	(pc) =	sbr.rel @!p1 .LBB2_9-.Ltmp1, $4  }
0x22: {  	s0 =	simm.s32 @!p0 $0x5  }
0x23: {  	_ =	swait.ge @!p0 [sflag:s0], $0x80  }
0x24: {  	[sflag:s0] =	ssyncset.done @!p0 $0x0  }
0x25: {  	[sflag:s0] =	ssyncadd.s32 @!p0 $0xFFFFFF80  }
.LBB2_1:
0x26: {  	s0 =	rddreg [dreg:$0x5];
	s1 =	simm.s32 $0x4E20  }
0x27: {  	[tilespmem:s1], [sflag:$0x1] =	stream.linear.gather [hbm4b:s0+s3], $0x4E20, $0x38;
	[tilespmem:$0x1D6A0] =	vst v63  }
0x28: {  	s16 =	simm.s32 $0x9C40  }
0x29: {  	[tilespmem:s16], [sflag:$0x2] =	stream.linear.gather [hbm4b:s5+s3], $0x4E20, $0x38;
	[tilespmem:$0x1D6A0] =	vst v63  }
0x2a: {  	_ = 	snop  }
0x2b: {  	[tilespmem:s3], [sflag:$0x3] =	stream.linear.gather [hbm4b:s6+s3], $0x4E20, $0x38;
	[tilespmem:$0x1D6A0] =	vst v63  }
0x2c: {  	[spmem:s17], [sflag:s9] =	dma.local [hbm:s7], $0x1380  }
0x2d: {  	_ =	swait.ge [sflag:s18], $0x4E20  }
0x2e: {  	[sflag:s18] =	ssyncset.done $0x0  }
0x2f: {  	s20 =	simm.s32 $0xEA60;
	[sflag:s18] =	ssyncadd.s32 $0xFFFFB1E0  }
0x30: {  	[tilespmem:s20], [sflag:$0x1] =	stream.indirect.gather [hbm4b:s10+s19], $0x40, s1, s19, $0xb8;
	[tilespmem:$0x1D6A0] =	vst v63  }
0x31: {  	s21 =	simm.s32 $0x4E70  }
0x32: {  	[tilespmem:s22], [sflag:$0x2] =	stream.indirect.gather [hbm4b:s10+s19], $0x40, s21, s19, $0xb8;
	[tilespmem:$0x1D6A0] =	vst v63  }
0x33: {  	_ =	swait.ge [sflag:s23], $0x4E20  }
0x34: {  	[sflag:s23] =	ssyncset.done $0x0  }
0x35: {  	[sflag:s23] =	ssyncadd.s32 $0xFFFFB1E0  }
0x36: {  	_ =	swait.ge [sflag:s24], $0x4E20  }
0x37: {  	[sflag:s24] =	ssyncset.done $0x0  }
0x38: {  	[sflag:s24] =	ssyncadd.s32 $0xFFFFB1E0  }
0x39: {  	_ =	swait.ge [sflag:s25], $0x1380  }
0x3a: {  	[sflag:s25] =	ssyncset.done $0x0  }
0x3b: {  	s31 =	sshrl.u32 @!p0 s11, $0x3;
	s0 =	simm.s32 @!p0 $0x1FC5;
	[sflag:s25] =	ssyncadd.s32 $0xFFFFEC80  }
0x3c: {  	[spmem:s31], [sflag:s0] =	dma.local @!p0 [hbm:s7], $0x80  }
0x3d: {  	s0 =	simm.s32 @!p0 $0x5  }
0x3e: {  	_ =	swait.ge @!p0 [sflag:s0], $0x80  }
0x3f: {  	[sflag:s0] =	ssyncset.done @!p0 $0x0  }
0x40: {  	[sflag:s0] =	ssyncadd.s32 @!p0 $0xFFFFFF80  }
0x41: {  	s0 =	simm.s32 $0x0;
	[bflag:$0x0] =	sbarrier.arrive $0xFFFF  }
.LBB2_2:
0x42: {  	s20 =	smul.u32 $0x280, s0  }
0x43: {  	_ =	swait.ge [sflag:s18], $0x1400  }
0x44: {  	p1 =	seq.s32 s0, $0x0;
	[sflag:s18] =	ssyncset.done $0x0;
	s1 =	sshra.s32 s20, $0x2  }
0x45: {  	s15 =	simm.s32 @!p1 $0x3;
	[sflag:s18] =	ssyncadd.s32 $0xFFFFEC00;
	s4 =	sadd.s32 $0x9C40, s1  }
0x46: {  	_ =	swait.ge @!p1 [sflag:s15], $0x1400;
	v16 =	vmov s4  }
0x47: {  	s16 =	sshll.u32 s0, $0x1;
	[sflag:s15] =	ssyncset.done @!p1 $0x0  }
0x48: {  	s21 =	simm.s32 $0x0;
	p2 =	por $0x1, $0x1;
	[sflag:s15] =	ssyncadd.s32 @!p1 $0xFFFFEC00  }
.LBB2_3:
0x49: {  	s15 =	sshll.u32 s21, $0x4  }
0x4a: {  	s4 =	sand.u32 $0x3FFFFFF0, s15  }
0x4b: {  	s21 =	sshll.u32 s21, $0xA;
	v18 =	vld.idx.msk [tilespmem:v16+s4+$0x0 ss:$0x1], $0xffff  }
0x4c: {  	v17 =	vld [tilespmem:s21+$0xEA60]  }
0x4d: {  	v19 =	vld [tilespmem:s21+$0xEA70]  }
0x4e: {  	v20 =	vld [tilespmem:s21+$0xEA80]  }
0x4f: {  	v21 =	vld [tilespmem:s21+$0xEA90]  }
0x50: {  	v23 =	vld [tilespmem:s21+$0xEAA0];
	v22 =	vperm.xlane v18, v0  }
0x51: {  	v24 =	vld [tilespmem:s21+$0xEAB0]  }
0x52: {  	v25 =	vld [tilespmem:s21+$0xEAC0];
	v17 =	vmul.f32 v17, v22  }
0x53: {  	v26 =	vld [tilespmem:s21+$0xEAD0];
	v19 =	vmul.f32 v19, v22  }
0x54: {  	v27 =	vld [tilespmem:s21+$0xEAE0];
	v54 =	vperm.xlane v18, v1;
	[tilespmem:s21+$0x11260] =	vst v17;
	v17 =	vmul.f32 v20, v22  }
0x55: {  	v55 =	vld [tilespmem:s21+$0xEAF0];
	[tilespmem:s21+$0x11270] =	vst v19;
	v19 =	vmul.f32 v21, v22  }
0x56: {  	v56 =	vld [tilespmem:s21+$0xEB00];
	[tilespmem:s21+$0x11280] =	vst v17;
	v17 =	vmul.f32 v23, v54  }
0x57: {  	v57 =	vld [tilespmem:s21+$0xEB10];
	[tilespmem:s21+$0x11290] =	vst v19;
	v19 =	vmul.f32 v24, v54  }
0x58: {  	v59 =	vld [tilespmem:s21+$0xEB20];
	v58 =	vperm.xlane v18, v2;
	[tilespmem:s21+$0x112A0] =	vst v17;
	v17 =	vmul.f32 v25, v54  }
0x59: {  	v60 =	vld [tilespmem:s21+$0xEB30];
	[tilespmem:s21+$0x112B0] =	vst v19;
	v19 =	vmul.f32 v26, v54  }
0x5a: {  	v61 =	vld [tilespmem:s21+$0xEB40];
	[tilespmem:s21+$0x112C0] =	vst v17;
	v17 =	vmul.f32 v27, v58  }
0x5b: {  	v62 =	vld [tilespmem:s21+$0xEB50];
	[tilespmem:s21+$0x112D0] =	vst v19;
	v19 =	vmul.f32 v55, v58  }
0x5c: {  	v30 =	vld [tilespmem:s21+$0xEB60];
	v63 =	vperm.xlane v18, v3;
	[tilespmem:s21+$0x112E0] =	vst v17;
	v17 =	vmul.f32 v56, v58  }
0x5d: {  	v31 =	vld [tilespmem:s21+$0xEB70];
	[tilespmem:s21+$0x112F0] =	vst v19;
	v19 =	vmul.f32 v57, v58  }
0x5e: {  	v32 =	vld [tilespmem:s21+$0xEB80];
	[tilespmem:s21+$0x11300] =	vst v17;
	v17 =	vmul.f32 v59, v63  }
0x5f: {  	v33 =	vld [tilespmem:s21+$0xEB90];
	[tilespmem:s21+$0x11310] =	vst v19;
	v19 =	vmul.f32 v60, v63  }
0x60: {  	v35 =	vld [tilespmem:s21+$0xEBA0];
	v34 =	vperm.xlane v18, v4;
	[tilespmem:s21+$0x11320] =	vst v17;
	v17 =	vmul.f32 v61, v63  }
0x61: {  	v36 =	vld [tilespmem:s21+$0xEBB0];
	[tilespmem:s21+$0x11330] =	vst v19;
	v19 =	vmul.f32 v62, v63  }
0x62: {  	v37 =	vld [tilespmem:s21+$0xEBC0];
	[tilespmem:s21+$0x11340] =	vst v17;
	v17 =	vmul.f32 v30, v34  }
0x63: {  	v38 =	vld [tilespmem:s21+$0xEBD0];
	[tilespmem:s21+$0x11350] =	vst v19;
	v19 =	vmul.f32 v31, v34  }
0x64: {  	v40 =	vld [tilespmem:s21+$0xEBE0];
	v39 =	vperm.xlane v18, v5;
	[tilespmem:s21+$0x11360] =	vst v17;
	v17 =	vmul.f32 v32, v34  }
0x65: {  	v41 =	vld [tilespmem:s21+$0xEBF0];
	[tilespmem:s21+$0x11370] =	vst v19;
	v19 =	vmul.f32 v33, v34  }
0x66: {  	v42 =	vld [tilespmem:s21+$0xEC00];
	[tilespmem:s21+$0x11380] =	vst v17;
	v17 =	vmul.f32 v35, v39  }
0x67: {  	v43 =	vld [tilespmem:s21+$0xEC10];
	[tilespmem:s21+$0x11390] =	vst v19;
	v19 =	vmul.f32 v36, v39  }
0x68: {  	v45 =	vld [tilespmem:s21+$0xEC20];
	v44 =	vperm.xlane v18, v6;
	[tilespmem:s21+$0x113A0] =	vst v17;
	v17 =	vmul.f32 v37, v39  }
0x69: {  	v46 =	vld [tilespmem:s21+$0xEC30];
	[tilespmem:s21+$0x113B0] =	vst v19;
	v19 =	vmul.f32 v38, v39  }
0x6a: {  	v47 =	vld [tilespmem:s21+$0xEC40];
	[tilespmem:s21+$0x113C0] =	vst v17;
	v17 =	vmul.f32 v40, v44  }
0x6b: {  	v48 =	vld [tilespmem:s21+$0xEC50];
	[tilespmem:s21+$0x113D0] =	vst v19;
	v19 =	vmul.f32 v41, v44  }
0x6c: {  	v50 =	vld [tilespmem:s21+$0xEC60];
	v49 =	vperm.xlane v18, v7;
	[tilespmem:s21+$0x113E0] =	vst v17;
	v17 =	vmul.f32 v42, v44  }
0x6d: {  	v51 =	vld [tilespmem:s21+$0xEC70];
	[tilespmem:s21+$0x113F0] =	vst v19;
	v19 =	vmul.f32 v43, v44  }
0x6e: {  	v52 =	vld [tilespmem:s21+$0xEC80];
	[tilespmem:s21+$0x11400] =	vst v17;
	v17 =	vmul.f32 v45, v49  }
0x6f: {  	v53 =	vld [tilespmem:s21+$0xEC90];
	[tilespmem:s21+$0x11410] =	vst v19;
	v19 =	vmul.f32 v46, v49  }
0x70: {  	v54 =	vperm.xlane v18, v8;
	v55 =	vld [tilespmem:s21+$0xECA0];
	[tilespmem:s21+$0x11420] =	vst v17;
	v17 =	vmul.f32 v47, v49  }
0x71: {  	v56 =	vld [tilespmem:s21+$0xECB0];
	[tilespmem:s21+$0x11430] =	vst v19;
	v19 =	vmul.f32 v48, v49  }
0x72: {  	v57 =	vld [tilespmem:s21+$0xECC0];
	[tilespmem:s21+$0x11440] =	vst v17;
	v17 =	vmul.f32 v50, v54  }
0x73: {  	v58 =	vld [tilespmem:s21+$0xECD0];
	[tilespmem:s21+$0x11450] =	vst v19;
	v19 =	vmul.f32 v51, v54  }
0x74: {  	v59 =	vperm.xlane v18, v9;
	v60 =	vld [tilespmem:s21+$0xECE0];
	[tilespmem:s21+$0x11460] =	vst v17;
	v17 =	vmul.f32 v52, v54  }
0x75: {  	v61 =	vld [tilespmem:s21+$0xECF0];
	[tilespmem:s21+$0x11470] =	vst v19;
	v19 =	vmul.f32 v53, v54  }
0x76: {  	v62 =	vld [tilespmem:s21+$0xED00];
	[tilespmem:s21+$0x11480] =	vst v17;
	v17 =	vmul.f32 v55, v59  }
0x77: {  	v63 =	vld [tilespmem:s21+$0xED10];
	[tilespmem:s21+$0x11490] =	vst v19;
	v19 =	vmul.f32 v56, v59  }
0x78: {  	v30 =	vperm.xlane v18, v10;
	v31 =	vld [tilespmem:s21+$0xED20];
	[tilespmem:s21+$0x114A0] =	vst v17;
	v17 =	vmul.f32 v57, v59  }
0x79: {  	v32 =	vld [tilespmem:s21+$0xED30];
	[tilespmem:s21+$0x114B0] =	vst v19;
	v19 =	vmul.f32 v58, v59  }
0x7a: {  	v33 =	vld [tilespmem:s21+$0xED40];
	[tilespmem:s21+$0x114C0] =	vst v17;
	v17 =	vmul.f32 v60, v30  }
0x7b: {  	v34 =	vld [tilespmem:s21+$0xED50];
	[tilespmem:s21+$0x114D0] =	vst v19;
	v19 =	vmul.f32 v61, v30  }
0x7c: {  	v35 =	vperm.xlane v18, v11;
	v36 =	vld [tilespmem:s21+$0xED60];
	[tilespmem:s21+$0x114E0] =	vst v17;
	v17 =	vmul.f32 v62, v30  }
0x7d: {  	v37 =	vld [tilespmem:s21+$0xED70];
	[tilespmem:s21+$0x114F0] =	vst v19;
	v19 =	vmul.f32 v63, v30  }
0x7e: {  	v38 =	vld [tilespmem:s21+$0xED80];
	[tilespmem:s21+$0x11500] =	vst v17;
	v17 =	vmul.f32 v31, v35  }
0x7f: {  	v39 =	vld [tilespmem:s21+$0xED90];
	[tilespmem:s21+$0x11510] =	vst v19;
	v19 =	vmul.f32 v32, v35  }
0x80: {  	v40 =	vperm.xlane v18, v12;
	v41 =	vld [tilespmem:s21+$0xEDA0];
	[tilespmem:s21+$0x11520] =	vst v17;
	v17 =	vmul.f32 v33, v35  }
0x81: {  	v42 =	vld [tilespmem:s21+$0xEDB0];
	[tilespmem:s21+$0x11530] =	vst v19;
	v19 =	vmul.f32 v34, v35  }
0x82: {  	v43 =	vld [tilespmem:s21+$0xEDC0];
	[tilespmem:s21+$0x11540] =	vst v17;
	v17 =	vmul.f32 v36, v40  }
0x83: {  	s15 =	sor.u32 $0x10, s15;
	v44 =	vld [tilespmem:s21+$0xEDD0];
	[tilespmem:s21+$0x11550] =	vst v19;
	v19 =	vmul.f32 v37, v40  }
0x84: {  	v25 =	vmul.f32 v38, v40;
	v45 =	vperm.xlane v18, v13;
	[tilespmem:s21+$0x11560] =	vst v17;
	v17 =	vld.idx.msk [tilespmem:v16+s15+$0x0 ss:$0x1], $0xffff  }
0x85: {  	s4 =	sshll.u32 s15, $0x6;
	v46 =	vld [tilespmem:s21+$0xEDE0];
	[tilespmem:s21+$0x11570] =	vst v19;
	v19 =	vmul.f32 v39, v40  }
0x86: {  	[tilespmem:s21+$0x11580] =	vst v25;
	v47 =	vmul.f32 v41, v45;
	v48 =	vld [tilespmem:s4+$0xEA60]  }
0x87: {  	v49 =	vld [tilespmem:s4+$0xEA70];
	[tilespmem:s21+$0x11590] =	vst v19;
	v19 =	vmul.f32 v42, v45  }
0x88: {  	[tilespmem:s21+$0x115A0] =	vst v47;
	v50 =	vmul.f32 v43, v45;
	v51 =	vperm.xlane v18, v14;
	v52 =	vld [tilespmem:s4+$0xEA80]  }
0x89: {  	v54 =	vld [tilespmem:s4+$0xEA90];
	[tilespmem:s21+$0x115B0] =	vst v19;
	v19 =	vmul.f32 v44, v45;
	v53 =	vperm.xlane v17, v0  }
0x8a: {  	[tilespmem:s21+$0x115C0] =	vst v50;
	v21 =	vmul.f32 v46, v51;
	v55 =	vld [tilespmem:s21+$0xEDF0]  }
0x8b: {  	[tilespmem:s21+$0x115D0] =	vst v19;
	v19 =	vld [tilespmem:s21+$0xEE00];
	v25 =	vmul.f32 v48, v53  }
0x8c: {  	[tilespmem:s21+$0x115E0] =	vst v21;
	v56 =	vld [tilespmem:s21+$0xEE10];
	v23 =	vmul.f32 v49, v53  }
0x8d: {  	v57 =	vld [tilespmem:s21+$0xEE20];
	v26 =	vmul.f32 v52, v53;
	[tilespmem:s4+$0x11260] =	vst v25  }
0x8e: {  	v58 =	vld [tilespmem:s21+$0xEE30];
	v20 =	vmul.f32 v54, v53;
	[tilespmem:s4+$0x11270] =	vst v23  }
0x8f: {  	v59 =	vld [tilespmem:s21+$0xEE40];
	v22 =	vmul.f32 v55, v51;
	[tilespmem:s4+$0x11280] =	vst v26  }
0x90: {  	v18 =	vperm.xlane v18, v15;
	v60 =	vld [tilespmem:s21+$0xEE50];
	[tilespmem:s4+$0x11290] =	vst v20;
	v19 =	vmul.f32 v19, v51  }
0x91: {  	v21 =	vmul.f32 v56, v51;
	[tilespmem:s21+$0x115F0] =	vst v22;
	v61 =	vld [tilespmem:s21+$0xEEA0]  }
0x92: {  	v62 =	vld [tilespmem:s21+$0xEEB0];
	[tilespmem:s21+$0x11600] =	vst v19;
	v19 =	vmul.f32 v57, v18  }
0x93: {  	[tilespmem:s21+$0x11610] =	vst v21;
	v63 =	vmul.f32 v58, v18;
	v28 =	vld [tilespmem:s21+$0xEEC0]  }
0x94: {  	v29 =	vperm.xlane v17, v1;
	v30 =	vld [tilespmem:s21+$0xEED0];
	[tilespmem:s21+$0x11620] =	vst v19;
	v19 =	vmul.f32 v59, v18  }
0x95: {  	[tilespmem:s21+$0x11630] =	vst v63;
	v31 =	vld [tilespmem:s21+$0xEEE0];
	v18 =	vmul.f32 v60, v18  }
0x96: {  	v32 =	vld [tilespmem:s21+$0xEEF0];
	[tilespmem:s21+$0x11640] =	vst v19;
	v19 =	vmul.f32 v61, v29  }
0x97: {  	v33 =	vld [tilespmem:s21+$0xEF00];
	[tilespmem:s21+$0x11650] =	vst v18;
	v18 =	vmul.f32 v62, v29  }
0x98: {  	v34 =	vperm.xlane v17, v2;
	v35 =	vld [tilespmem:s21+$0xEF10];
	[tilespmem:s21+$0x116A0] =	vst v19;
	v19 =	vmul.f32 v28, v29  }
0x99: {  	v36 =	vld [tilespmem:s21+$0xEF20];
	[tilespmem:s21+$0x116B0] =	vst v18;
	v18 =	vmul.f32 v30, v29  }
0x9a: {  	v37 =	vld [tilespmem:s21+$0xEF30];
	[tilespmem:s21+$0x116C0] =	vst v19;
	v19 =	vmul.f32 v31, v34  }
0x9b: {  	v38 =	vld [tilespmem:s21+$0xEF40];
	[tilespmem:s21+$0x116D0] =	vst v18;
	v18 =	vmul.f32 v32, v34  }
0x9c: {  	v39 =	vperm.xlane v17, v3;
	v40 =	vld [tilespmem:s21+$0xEF50];
	[tilespmem:s21+$0x116E0] =	vst v19;
	v19 =	vmul.f32 v33, v34  }
0x9d: {  	v41 =	vld [tilespmem:s21+$0xEF60];
	[tilespmem:s21+$0x116F0] =	vst v18;
	v18 =	vmul.f32 v35, v34  }
0x9e: {  	v42 =	vld [tilespmem:s21+$0xEF70];
	[tilespmem:s21+$0x11700] =	vst v19;
	v19 =	vmul.f32 v36, v39  }
0x9f: {  	v43 =	vld [tilespmem:s21+$0xEF80];
	[tilespmem:s21+$0x11710] =	vst v18;
	v18 =	vmul.f32 v37, v39  }
0xa0: {  	v44 =	vperm.xlane v17, v4;
	v45 =	vld [tilespmem:s21+$0xEF90];
	[tilespmem:s21+$0x11720] =	vst v19;
	v19 =	vmul.f32 v38, v39  }
0xa1: {  	v46 =	vld [tilespmem:s21+$0xEFA0];
	[tilespmem:s21+$0x11730] =	vst v18;
	v18 =	vmul.f32 v40, v39  }
0xa2: {  	v47 =	vld [tilespmem:s21+$0xEFB0];
	[tilespmem:s21+$0x11740] =	vst v19;
	v19 =	vmul.f32 v41, v44  }
0xa3: {  	v48 =	vld [tilespmem:s21+$0xEFC0];
	[tilespmem:s21+$0x11750] =	vst v18;
	v18 =	vmul.f32 v42, v44  }
0xa4: {  	v49 =	vperm.xlane v17, v5;
	v50 =	vld [tilespmem:s21+$0xEFD0];
	[tilespmem:s21+$0x11760] =	vst v19;
	v19 =	vmul.f32 v43, v44  }
0xa5: {  	v51 =	vld [tilespmem:s21+$0xEFE0];
	[tilespmem:s21+$0x11770] =	vst v18;
	v18 =	vmul.f32 v45, v44  }
0xa6: {  	v52 =	vld [tilespmem:s21+$0xEFF0];
	[tilespmem:s21+$0x11780] =	vst v19;
	v19 =	vmul.f32 v46, v49  }
0xa7: {  	v53 =	vld [tilespmem:s21+$0xF000];
	[tilespmem:s21+$0x11790] =	vst v18;
	v18 =	vmul.f32 v47, v49  }
0xa8: {  	v54 =	vperm.xlane v17, v6;
	v55 =	vld [tilespmem:s21+$0xF010];
	[tilespmem:s21+$0x117A0] =	vst v19;
	v19 =	vmul.f32 v48, v49  }
0xa9: {  	v56 =	vld [tilespmem:s21+$0xF020];
	[tilespmem:s21+$0x117B0] =	vst v18;
	v18 =	vmul.f32 v50, v49  }
0xaa: {  	v57 =	vld [tilespmem:s21+$0xF030];
	[tilespmem:s21+$0x117C0] =	vst v19;
	v19 =	vmul.f32 v51, v54  }
0xab: {  	v58 =	vld [tilespmem:s21+$0xF040];
	[tilespmem:s21+$0x117D0] =	vst v18;
	v18 =	vmul.f32 v52, v54  }
0xac: {  	v59 =	vperm.xlane v17, v7;
	v60 =	vld [tilespmem:s21+$0xF050];
	[tilespmem:s21+$0x117E0] =	vst v19;
	v19 =	vmul.f32 v53, v54  }
0xad: {  	v61 =	vld [tilespmem:s21+$0xF060];
	[tilespmem:s21+$0x117F0] =	vst v18;
	v18 =	vmul.f32 v55, v54  }
0xae: {  	v62 =	vld [tilespmem:s21+$0xF070];
	[tilespmem:s21+$0x11800] =	vst v19;
	v19 =	vmul.f32 v56, v59  }
0xaf: {  	v63 =	vld [tilespmem:s21+$0xF080];
	[tilespmem:s21+$0x11810] =	vst v18;
	v18 =	vmul.f32 v57, v59  }
0xb0: {  	v28 =	vperm.xlane v17, v8;
	v29 =	vld [tilespmem:s21+$0xF090];
	[tilespmem:s21+$0x11820] =	vst v19;
	v19 =	vmul.f32 v58, v59  }
0xb1: {  	v30 =	vld [tilespmem:s21+$0xF0A0];
	[tilespmem:s21+$0x11830] =	vst v18;
	v18 =	vmul.f32 v60, v59  }
0xb2: {  	v31 =	vld [tilespmem:s21+$0xF0B0];
	[tilespmem:s21+$0x11840] =	vst v19;
	v19 =	vmul.f32 v61, v28  }
0xb3: {  	v32 =	vld [tilespmem:s21+$0xF0C0];
	[tilespmem:s21+$0x11850] =	vst v18;
	v18 =	vmul.f32 v62, v28  }
0xb4: {  	v33 =	vperm.xlane v17, v9;
	v34 =	vld [tilespmem:s21+$0xF0D0];
	[tilespmem:s21+$0x11860] =	vst v19;
	v19 =	vmul.f32 v63, v28  }
0xb5: {  	v35 =	vld [tilespmem:s21+$0xF0E0];
	[tilespmem:s21+$0x11870] =	vst v18;
	v18 =	vmul.f32 v29, v28  }
0xb6: {  	v36 =	vld [tilespmem:s21+$0xF0F0];
	[tilespmem:s21+$0x11880] =	vst v19;
	v19 =	vmul.f32 v30, v33  }
0xb7: {  	v37 =	vld [tilespmem:s21+$0xF100];
	[tilespmem:s21+$0x11890] =	vst v18;
	v18 =	vmul.f32 v31, v33  }
0xb8: {  	v38 =	vperm.xlane v17, v10;
	v39 =	vld [tilespmem:s21+$0xF110];
	[tilespmem:s21+$0x118A0] =	vst v19;
	v19 =	vmul.f32 v32, v33  }
0xb9: {  	v40 =	vld [tilespmem:s21+$0xF120];
	[tilespmem:s21+$0x118B0] =	vst v18;
	v18 =	vmul.f32 v34, v33  }
0xba: {  	v41 =	vld [tilespmem:s21+$0xF130];
	[tilespmem:s21+$0x118C0] =	vst v19;
	v19 =	vmul.f32 v35, v38  }
0xbb: {  	v42 =	vld [tilespmem:s21+$0xF140];
	[tilespmem:s21+$0x118D0] =	vst v18;
	v18 =	vmul.f32 v36, v38  }
0xbc: {  	v43 =	vperm.xlane v17, v11;
	v44 =	vld [tilespmem:s21+$0xF150];
	[tilespmem:s21+$0x118E0] =	vst v19;
	v19 =	vmul.f32 v37, v38  }
0xbd: {  	v45 =	vld [tilespmem:s21+$0xF160];
	[tilespmem:s21+$0x118F0] =	vst v18;
	v18 =	vmul.f32 v39, v38  }
0xbe: {  	v46 =	vld [tilespmem:s21+$0xF170];
	[tilespmem:s21+$0x11900] =	vst v19;
	v19 =	vmul.f32 v40, v43  }
0xbf: {  	v47 =	vld [tilespmem:s21+$0xF180];
	[tilespmem:s21+$0x11910] =	vst v18;
	v18 =	vmul.f32 v41, v43  }
0xc0: {  	v48 =	vperm.xlane v17, v12;
	v49 =	vld [tilespmem:s21+$0xF190];
	[tilespmem:s21+$0x11920] =	vst v19;
	v19 =	vmul.f32 v42, v43  }
0xc1: {  	v50 =	vld [tilespmem:s21+$0xF1A0];
	[tilespmem:s21+$0x11930] =	vst v18;
	v18 =	vmul.f32 v44, v43  }
0xc2: {  	v51 =	vld [tilespmem:s21+$0xF1B0];
	[tilespmem:s21+$0x11940] =	vst v19;
	v19 =	vmul.f32 v45, v48  }
0xc3: {  	v52 =	vld [tilespmem:s21+$0xF1C0];
	[tilespmem:s21+$0x11950] =	vst v18;
	v18 =	vmul.f32 v46, v48  }
0xc4: {  	v53 =	vperm.xlane v17, v13;
	v54 =	vld [tilespmem:s21+$0xF1D0];
	[tilespmem:s21+$0x11960] =	vst v19;
	v19 =	vmul.f32 v47, v48  }
0xc5: {  	v55 =	vld [tilespmem:s21+$0xF1E0];
	[tilespmem:s21+$0x11970] =	vst v18;
	v18 =	vmul.f32 v49, v48  }
0xc6: {  	v56 =	vld [tilespmem:s21+$0xF1F0];
	[tilespmem:s21+$0x11980] =	vst v19;
	v19 =	vmul.f32 v50, v53  }
0xc7: {  	v57 =	vld [tilespmem:s21+$0xF200];
	[tilespmem:s21+$0x11990] =	vst v18;
	v18 =	vmul.f32 v51, v53  }
0xc8: {  	v58 =	vperm.xlane v17, v14;
	v59 =	vld [tilespmem:s21+$0xF210];
	[tilespmem:s21+$0x119A0] =	vst v19;
	v19 =	vmul.f32 v52, v53  }
0xc9: {  	v60 =	vld [tilespmem:s21+$0xF220];
	[tilespmem:s21+$0x119B0] =	vst v18;
	v18 =	vmul.f32 v54, v53  }
0xca: {  	v61 =	vld [tilespmem:s21+$0xF230];
	[tilespmem:s21+$0x119C0] =	vst v19;
	v19 =	vmul.f32 v55, v58  }
0xcb: {  	v62 =	vld [tilespmem:s21+$0xF240];
	[tilespmem:s21+$0x119D0] =	vst v18;
	v18 =	vmul.f32 v56, v58  }
0xcc: {  	v17 =	vperm.xlane v17, v15;
	v63 =	vld [tilespmem:s21+$0xF250];
	[tilespmem:s21+$0x119E0] =	vst v19;
	v19 =	vmul.f32 v57, v58  }
0xcd: {  	[tilespmem:s21+$0x119F0] =	vst v18;
	v18 =	vmul.f32 v59, v58  }
0xce: {  	p3 =	por p2, p2;
	[tilespmem:s21+$0x11A00] =	vst v19;
	v19 =	vmul.f32 v60, v17  }
.Ltmp2:
0xcf: {  	[tilespmem:s21+$0x11A10] =	vst v18;
	v18 =	vmul.f32 v61, v17;
	(pc) =	sbr.rel @p3 .LBB2_3-.Ltmp2, $4  }
0xd0: {  	[tilespmem:s21+$0x11A20] =	vst v19;
	v19 =	vmul.f32 v62, v17  }
0xd1: {  	[tilespmem:s21+$0x11A30] =	vst v18;
	v17 =	vmul.f32 v63, v17  }
0xd2: {  	[tilespmem:s21+$0x11A40] =	vst v19  }
0xd3: {  	p2 =	por $0x0, $0x0;
	[tilespmem:s21+$0x11A50] =	vst v17;
	s21 =	simm.s32 $0x2  }
0xd4: {  	s21 =	smul.u32 $0xA0, s0;
	_ =	sdelay $0x1  }
0xd5: {  	v16 =	vld [tilespmem:s21+$0x9C80];
	_ =	sdelay $0x1  }
0xd6: {  	v17 =	vld [tilespmem:$0xFA60]  }
0xd7: {  	v18 =	vld [tilespmem:$0xFA70]  }
0xd8: {  	v19 =	vld [tilespmem:$0xFA80]  }
0xd9: {  	v21 =	vld [tilespmem:$0xFA90];
	v20 =	vperm.xlane v16, v0  }
0xda: {  	v22 =	vld [tilespmem:$0xFAA0]  }
0xdb: {  	v23 =	vld [tilespmem:$0xFAB0];
	v17 =	vmul.f32 v17, v20  }
0xdc: {  	v24 =	vld [tilespmem:$0xFAC0];
	v18 =	vmul.f32 v18, v20  }
0xdd: {  	v25 =	vld [tilespmem:$0xFAD0];
	[tilespmem:$0x12260] =	vst v17;
	v17 =	vmul.f32 v19, v20;
	v19 =	vperm.xlane v16, v1  }
0xde: {  	v42 =	vld [tilespmem:$0xFAE0];
	[tilespmem:$0x12270] =	vst v18;
	v18 =	vmul.f32 v21, v20  }
0xdf: {  	v43 =	vld [tilespmem:$0xFAF0];
	[tilespmem:$0x12280] =	vst v17;
	v17 =	vmul.f32 v22, v19  }
0xe0: {  	v44 =	vld [tilespmem:$0xFB00];
	[tilespmem:$0x12290] =	vst v18;
	v18 =	vmul.f32 v23, v19  }
0xe1: {  	v46 =	vld [tilespmem:$0xFB10];
	v45 =	vperm.xlane v16, v2;
	[tilespmem:$0x122A0] =	vst v17;
	v17 =	vmul.f32 v24, v19  }
0xe2: {  	[tilespmem:$0x122B0] =	vst v18;
	v18 =	vmul.f32 v25, v19;
	v19 =	vld [tilespmem:$0xFB20]  }
0xe3: {  	v47 =	vld [tilespmem:$0xFB30];
	[tilespmem:$0x122C0] =	vst v17;
	v17 =	vmul.f32 v42, v45  }
0xe4: {  	v48 =	vld [tilespmem:$0xFB40];
	[tilespmem:$0x122D0] =	vst v18;
	v18 =	vmul.f32 v43, v45  }
0xe5: {  	v50 =	vld [tilespmem:$0xFB50];
	v49 =	vperm.xlane v16, v3;
	[tilespmem:$0x122E0] =	vst v17;
	v17 =	vmul.f32 v44, v45  }
0xe6: {  	v51 =	vld [tilespmem:$0xFB60];
	[tilespmem:$0x122F0] =	vst v18;
	v18 =	vmul.f32 v46, v45  }
0xe7: {  	[tilespmem:$0x12300] =	vst v17;
	v17 =	vmul.f32 v19, v49;
	v19 =	vld [tilespmem:$0xFB70]  }
0xe8: {  	v52 =	vld [tilespmem:$0xFB80];
	[tilespmem:$0x12310] =	vst v18;
	v18 =	vmul.f32 v47, v49  }
0xe9: {  	v54 =	vld [tilespmem:$0xFB90];
	v53 =	vperm.xlane v16, v4;
	[tilespmem:$0x12320] =	vst v17;
	v17 =	vmul.f32 v48, v49  }
0xea: {  	v55 =	vld [tilespmem:$0xFBA0];
	[tilespmem:$0x12330] =	vst v18;
	v18 =	vmul.f32 v50, v49  }
0xeb: {  	v56 =	vld [tilespmem:$0xFBB0];
	[tilespmem:$0x12340] =	vst v17;
	v17 =	vmul.f32 v51, v53  }
0xec: {  	[tilespmem:$0x12350] =	vst v18;
	v18 =	vmul.f32 v19, v53;
	v19 =	vld [tilespmem:$0xFBC0]  }
0xed: {  	v58 =	vld [tilespmem:$0xFBD0];
	v57 =	vperm.xlane v16, v5;
	[tilespmem:$0x12360] =	vst v17;
	v17 =	vmul.f32 v52, v53  }
0xee: {  	v59 =	vld [tilespmem:$0xFBE0];
	[tilespmem:$0x12370] =	vst v18;
	v18 =	vmul.f32 v54, v53  }
0xef: {  	v60 =	vld [tilespmem:$0xFBF0];
	[tilespmem:$0x12380] =	vst v17;
	v17 =	vmul.f32 v55, v57  }
0xf0: {  	v61 =	vld [tilespmem:$0xFC00];
	[tilespmem:$0x12390] =	vst v18;
	v18 =	vmul.f32 v56, v57  }
0xf1: {  	v62 =	vld [tilespmem:$0xFC10];
	[tilespmem:$0x123A0] =	vst v17;
	v17 =	vmul.f32 v19, v57;
	v19 =	vperm.xlane v16, v6  }
0xf2: {  	v63 =	vld [tilespmem:$0xFC20];
	[tilespmem:$0x123B0] =	vst v18;
	v18 =	vmul.f32 v58, v57  }
0xf3: {  	v28 =	vld [tilespmem:$0xFC30];
	[tilespmem:$0x123C0] =	vst v17;
	v17 =	vmul.f32 v59, v19  }
0xf4: {  	v29 =	vld [tilespmem:$0xFC40];
	[tilespmem:$0x123D0] =	vst v18;
	v18 =	vmul.f32 v60, v19  }
0xf5: {  	v31 =	vld [tilespmem:$0xFC50];
	v30 =	vperm.xlane v16, v7;
	[tilespmem:$0x123E0] =	vst v17;
	v17 =	vmul.f32 v61, v19  }
0xf6: {  	[tilespmem:$0x123F0] =	vst v18;
	v18 =	vmul.f32 v62, v19;
	v19 =	vld [tilespmem:$0xFC60]  }
0xf7: {  	v32 =	vld [tilespmem:$0xFC70];
	[tilespmem:$0x12400] =	vst v17;
	v17 =	vmul.f32 v63, v30  }
0xf8: {  	v33 =	vld [tilespmem:$0xFC80];
	[tilespmem:$0x12410] =	vst v18;
	v18 =	vmul.f32 v28, v30  }
0xf9: {  	v35 =	vld [tilespmem:$0xFC90];
	v34 =	vperm.xlane v16, v8;
	[tilespmem:$0x12420] =	vst v17;
	v17 =	vmul.f32 v29, v30  }
0xfa: {  	v36 =	vld [tilespmem:$0xFCA0];
	[tilespmem:$0x12430] =	vst v18;
	v18 =	vmul.f32 v31, v30  }
0xfb: {  	[tilespmem:$0x12440] =	vst v17;
	v17 =	vmul.f32 v19, v34;
	v19 =	vld [tilespmem:$0xFCB0]  }
0xfc: {  	v37 =	vld [tilespmem:$0xFCC0];
	[tilespmem:$0x12450] =	vst v18;
	v18 =	vmul.f32 v32, v34  }
0xfd: {  	v39 =	vld [tilespmem:$0xFCD0];
	v38 =	vperm.xlane v16, v9;
	[tilespmem:$0x12460] =	vst v17;
	v17 =	vmul.f32 v33, v34  }
0xfe: {  	v40 =	vld [tilespmem:$0xFCE0];
	[tilespmem:$0x12470] =	vst v18;
	v18 =	vmul.f32 v35, v34  }
0xff: {  	v41 =	vld [tilespmem:$0xFCF0];
	[tilespmem:$0x12480] =	vst v17;
	v17 =	vmul.f32 v36, v38  }
0x100: {  	[tilespmem:$0x12490] =	vst v18;
	v18 =	vmul.f32 v19, v38;
	v19 =	vld [tilespmem:$0xFD00]  }
0x101: {  	v42 =	vperm.xlane v16, v10;
	v43 =	vld [tilespmem:$0xFD10];
	[tilespmem:$0x124A0] =	vst v17;
	v17 =	vmul.f32 v37, v38  }
0x102: {  	v44 =	vld [tilespmem:$0xFD20];
	[tilespmem:$0x124B0] =	vst v18;
	v18 =	vmul.f32 v39, v38  }
0x103: {  	v45 =	vld [tilespmem:$0xFD30];
	[tilespmem:$0x124C0] =	vst v17;
	v17 =	vmul.f32 v40, v42  }
0x104: {  	v46 =	vld [tilespmem:$0xFD40];
	[tilespmem:$0x124D0] =	vst v18;
	v18 =	vmul.f32 v41, v42  }
0x105: {  	v47 =	vld [tilespmem:$0xFD50];
	[tilespmem:$0x124E0] =	vst v17;
	v17 =	vmul.f32 v19, v42;
	v19 =	vperm.xlane v16, v11  }
0x106: {  	v48 =	vld [tilespmem:$0xFD60];
	[tilespmem:$0x124F0] =	vst v18;
	v18 =	vmul.f32 v43, v42  }
0x107: {  	v49 =	vld [tilespmem:$0xFD70];
	[tilespmem:$0x12500] =	vst v17;
	v17 =	vmul.f32 v44, v19  }
0x108: {  	v50 =	vld [tilespmem:$0xFD80];
	[tilespmem:$0x12510] =	vst v18;
	v18 =	vmul.f32 v45, v19  }
0x109: {  	v51 =	vperm.xlane v16, v12;
	v52 =	vld [tilespmem:$0xFD90];
	[tilespmem:$0x12520] =	vst v17;
	v17 =	vmul.f32 v46, v19  }
0x10a: {  	[tilespmem:$0x12530] =	vst v18;
	v18 =	vmul.f32 v47, v19;
	v19 =	vld [tilespmem:$0xFDA0]  }
0x10b: {  	v53 =	vld [tilespmem:$0xFDB0];
	[tilespmem:$0x12540] =	vst v17;
	v17 =	vmul.f32 v48, v51  }
0x10c: {  	v54 =	vld [tilespmem:$0xFDC0];
	[tilespmem:$0x12550] =	vst v18;
	v18 =	vmul.f32 v49, v51  }
0x10d: {  	v55 =	vperm.xlane v16, v13;
	v56 =	vld [tilespmem:$0xFDD0];
	[tilespmem:$0x12560] =	vst v17;
	v17 =	vmul.f32 v50, v51  }
0x10e: {  	v57 =	vld [tilespmem:$0xFDE0];
	[tilespmem:$0x12570] =	vst v18;
	v18 =	vmul.f32 v52, v51  }
0x10f: {  	[tilespmem:$0x12580] =	vst v17;
	v17 =	vmul.f32 v19, v55;
	v19 =	vld [tilespmem:$0xFDF0]  }
0x110: {  	v58 =	vld [tilespmem:$0xFE00];
	[tilespmem:$0x12590] =	vst v18;
	v18 =	vmul.f32 v53, v55  }
0x111: {  	v59 =	vperm.xlane v16, v14;
	v60 =	vld [tilespmem:$0xFE10];
	[tilespmem:$0x125A0] =	vst v17;
	v17 =	vmul.f32 v54, v55  }
0x112: {  	v61 =	vld [tilespmem:$0xFE20];
	[tilespmem:$0x125B0] =	vst v18;
	v18 =	vmul.f32 v56, v55  }
0x113: {  	v62 =	vld [tilespmem:$0xFE30];
	[tilespmem:$0x125C0] =	vst v17;
	v17 =	vmul.f32 v57, v59  }
0x114: {  	[tilespmem:$0x125D0] =	vst v18;
	v18 =	vmul.f32 v19, v59;
	v19 =	vld [tilespmem:$0xFE40]  }
0x115: {  	v63 =	vld [tilespmem:$0xFE50];
	v16 =	vperm.xlane v16, v15;
	[tilespmem:$0x125E0] =	vst v17;
	v17 =	vmul.f32 v58, v59  }
0x116: {  	[tilespmem:$0x125F0] =	vst v18;
	v18 =	vmul.f32 v60, v59  }
0x117: {  	[tilespmem:$0x12600] =	vst v17;
	v17 =	vmul.f32 v61, v16  }
0x118: {  	[tilespmem:$0x12610] =	vst v18;
	v18 =	vmul.f32 v62, v16  }
0x119: {  	[tilespmem:$0x12620] =	vst v17;
	v17 =	vmul.f32 v19, v16  }
0x11a: {  	p2 =	seq.s32 s0, $0x7C;
	v16 =	vmul.f32 v63, v16;
	[tilespmem:$0x12630] =	vst v18  }
0x11b: {  	s4 =	sshra.s32 @!p2 s20, $0x2;
	[tilespmem:$0x12640] =	vst v17  }
0x11c: {  	s15 =	simm.s32 @!p2 $0x50;
	s20 =	simm.s32 @!p2 $0xEA60;
	s4 =	sadd.s32 @!p2 $0x4EC0, s4;
	[tilespmem:$0x12650] =	vst v16  }
0x11d: {  	[tilespmem:s20], [sflag:$0x1] =	stream.indirect.gather @!p2 [hbm4b:s10+s15], $0x40, s4, s15, $0xb8;
	[tilespmem:$0x1D6A0] =	vst v63  }
0x11e: {  	s16 =	sor.u32 $0x1, s16  }
0x11f: {  	[spmem:s2] =	stream.indirect.scatter.add.f32 [tilespmem:s26], [sflag:$0x3], $0x40, s21, s19, $0xb8;
	[tilespmem:$0x1D6A0] =	vst v63  }
0x120: {  	s21 =	smul.u32 $0x140, s16  }
0x121: {  	_ =	swait.ge [sflag:s23], $0x1400  }
0x122: {  	[sflag:s23] =	ssyncset.done $0x0;
	s4 =	sshra.s32 s21, $0x2  }
0x123: {  	s15 =	simm.s32 @!p1 $0x4;
	[sflag:s23] =	ssyncadd.s32 $0xFFFFEC00;
	s4 =	sadd.s32 $0x9C40, s4  }
0x124: {  	_ =	swait.ge @!p1 [sflag:s15], $0x1400;
	v16 =	vmov s4  }
0x125: {  	[sflag:s15] =	ssyncset.done @!p1 $0x0  }
0x126: {  	s20 =	simm.s32 $0x0;
	[sflag:s15] =	ssyncadd.s32 @!p1 $0xFFFFEC00;
	p1 =	por $0x1, $0x1  }
.LBB2_5:
0x127: {  	s15 =	sshll.u32 s20, $0x4  }
0x128: {  	s4 =	sand.u32 $0x3FFFFFF0, s15  }
0x129: {  	s20 =	sshll.u32 s20, $0xA;
	v18 =	vld.idx.msk [tilespmem:v16+s4+$0x0 ss:$0x1], $0xffff  }
0x12a: {  	v17 =	vld [tilespmem:s20+$0xFE60]  }
0x12b: {  	v19 =	vld [tilespmem:s20+$0xFE70]  }
0x12c: {  	v20 =	vld [tilespmem:s20+$0xFE80]  }
0x12d: {  	v21 =	vld [tilespmem:s20+$0xFE90]  }
0x12e: {  	v23 =	vld [tilespmem:s20+$0xFEA0];
	v22 =	vperm.xlane v18, v0  }
0x12f: {  	v24 =	vld [tilespmem:s20+$0xFEB0]  }
0x130: {  	v25 =	vld [tilespmem:s20+$0xFEC0];
	v17 =	vmul.f32 v17, v22  }
0x131: {  	v26 =	vld [tilespmem:s20+$0xFED0];
	v19 =	vmul.f32 v19, v22  }
0x132: {  	v27 =	vld [tilespmem:s20+$0xFEE0];
	v54 =	vperm.xlane v18, v1;
	[tilespmem:s20+$0x12660] =	vst v17;
	v17 =	vmul.f32 v20, v22  }
0x133: {  	v55 =	vld [tilespmem:s20+$0xFEF0];
	[tilespmem:s20+$0x12670] =	vst v19;
	v19 =	vmul.f32 v21, v22  }
0x134: {  	v56 =	vld [tilespmem:s20+$0xFF00];
	[tilespmem:s20+$0x12680] =	vst v17;
	v17 =	vmul.f32 v23, v54  }
0x135: {  	v57 =	vld [tilespmem:s20+$0xFF10];
	[tilespmem:s20+$0x12690] =	vst v19;
	v19 =	vmul.f32 v24, v54  }
0x136: {  	v59 =	vld [tilespmem:s20+$0xFF20];
	v58 =	vperm.xlane v18, v2;
	[tilespmem:s20+$0x126A0] =	vst v17;
	v17 =	vmul.f32 v25, v54  }
0x137: {  	v60 =	vld [tilespmem:s20+$0xFF30];
	[tilespmem:s20+$0x126B0] =	vst v19;
	v19 =	vmul.f32 v26, v54  }
0x138: {  	v61 =	vld [tilespmem:s20+$0xFF40];
	[tilespmem:s20+$0x126C0] =	vst v17;
	v17 =	vmul.f32 v27, v58  }
0x139: {  	v62 =	vld [tilespmem:s20+$0xFF50];
	[tilespmem:s20+$0x126D0] =	vst v19;
	v19 =	vmul.f32 v55, v58  }
0x13a: {  	v30 =	vld [tilespmem:s20+$0xFF60];
	v63 =	vperm.xlane v18, v3;
	[tilespmem:s20+$0x126E0] =	vst v17;
	v17 =	vmul.f32 v56, v58  }
0x13b: {  	v31 =	vld [tilespmem:s20+$0xFF70];
	[tilespmem:s20+$0x126F0] =	vst v19;
	v19 =	vmul.f32 v57, v58  }
0x13c: {  	v32 =	vld [tilespmem:s20+$0xFF80];
	[tilespmem:s20+$0x12700] =	vst v17;
	v17 =	vmul.f32 v59, v63  }
0x13d: {  	v33 =	vld [tilespmem:s20+$0xFF90];
	[tilespmem:s20+$0x12710] =	vst v19;
	v19 =	vmul.f32 v60, v63  }
0x13e: {  	v35 =	vld [tilespmem:s20+$0xFFA0];
	v34 =	vperm.xlane v18, v4;
	[tilespmem:s20+$0x12720] =	vst v17;
	v17 =	vmul.f32 v61, v63  }
0x13f: {  	v36 =	vld [tilespmem:s20+$0xFFB0];
	[tilespmem:s20+$0x12730] =	vst v19;
	v19 =	vmul.f32 v62, v63  }
0x140: {  	v37 =	vld [tilespmem:s20+$0xFFC0];
	[tilespmem:s20+$0x12740] =	vst v17;
	v17 =	vmul.f32 v30, v34  }
0x141: {  	v38 =	vld [tilespmem:s20+$0xFFD0];
	[tilespmem:s20+$0x12750] =	vst v19;
	v19 =	vmul.f32 v31, v34  }
0x142: {  	v40 =	vld [tilespmem:s20+$0xFFE0];
	v39 =	vperm.xlane v18, v5;
	[tilespmem:s20+$0x12760] =	vst v17;
	v17 =	vmul.f32 v32, v34  }
0x143: {  	v41 =	vld [tilespmem:s20+$0xFFF0];
	[tilespmem:s20+$0x12770] =	vst v19;
	v19 =	vmul.f32 v33, v34  }
0x144: {  	v42 =	vld [tilespmem:s20+$0x10000];
	[tilespmem:s20+$0x12780] =	vst v17;
	v17 =	vmul.f32 v35, v39  }
0x145: {  	v43 =	vld [tilespmem:s20+$0x10010];
	[tilespmem:s20+$0x12790] =	vst v19;
	v19 =	vmul.f32 v36, v39  }
0x146: {  	v45 =	vld [tilespmem:s20+$0x10020];
	v44 =	vperm.xlane v18, v6;
	[tilespmem:s20+$0x127A0] =	vst v17;
	v17 =	vmul.f32 v37, v39  }
0x147: {  	v46 =	vld [tilespmem:s20+$0x10030];
	[tilespmem:s20+$0x127B0] =	vst v19;
	v19 =	vmul.f32 v38, v39  }
0x148: {  	v47 =	vld [tilespmem:s20+$0x10040];
	[tilespmem:s20+$0x127C0] =	vst v17;
	v17 =	vmul.f32 v40, v44  }
0x149: {  	v48 =	vld [tilespmem:s20+$0x10050];
	[tilespmem:s20+$0x127D0] =	vst v19;
	v19 =	vmul.f32 v41, v44  }
0x14a: {  	v50 =	vld [tilespmem:s20+$0x10060];
	v49 =	vperm.xlane v18, v7;
	[tilespmem:s20+$0x127E0] =	vst v17;
	v17 =	vmul.f32 v42, v44  }
0x14b: {  	v51 =	vld [tilespmem:s20+$0x10070];
	[tilespmem:s20+$0x127F0] =	vst v19;
	v19 =	vmul.f32 v43, v44  }
0x14c: {  	v52 =	vld [tilespmem:s20+$0x10080];
	[tilespmem:s20+$0x12800] =	vst v17;
	v17 =	vmul.f32 v45, v49  }
0x14d: {  	v53 =	vld [tilespmem:s20+$0x10090];
	[tilespmem:s20+$0x12810] =	vst v19;
	v19 =	vmul.f32 v46, v49  }
0x14e: {  	v54 =	vperm.xlane v18, v8;
	v55 =	vld [tilespmem:s20+$0x100A0];
	[tilespmem:s20+$0x12820] =	vst v17;
	v17 =	vmul.f32 v47, v49  }
0x14f: {  	v56 =	vld [tilespmem:s20+$0x100B0];
	[tilespmem:s20+$0x12830] =	vst v19;
	v19 =	vmul.f32 v48, v49  }
0x150: {  	v57 =	vld [tilespmem:s20+$0x100C0];
	[tilespmem:s20+$0x12840] =	vst v17;
	v17 =	vmul.f32 v50, v54  }
0x151: {  	v58 =	vld [tilespmem:s20+$0x100D0];
	[tilespmem:s20+$0x12850] =	vst v19;
	v19 =	vmul.f32 v51, v54  }
0x152: {  	v59 =	vperm.xlane v18, v9;
	v60 =	vld [tilespmem:s20+$0x100E0];
	[tilespmem:s20+$0x12860] =	vst v17;
	v17 =	vmul.f32 v52, v54  }
0x153: {  	v61 =	vld [tilespmem:s20+$0x100F0];
	[tilespmem:s20+$0x12870] =	vst v19;
	v19 =	vmul.f32 v53, v54  }
0x154: {  	v62 =	vld [tilespmem:s20+$0x10100];
	[tilespmem:s20+$0x12880] =	vst v17;
	v17 =	vmul.f32 v55, v59  }
0x155: {  	v63 =	vld [tilespmem:s20+$0x10110];
	[tilespmem:s20+$0x12890] =	vst v19;
	v19 =	vmul.f32 v56, v59  }
0x156: {  	v30 =	vperm.xlane v18, v10;
	v31 =	vld [tilespmem:s20+$0x10120];
	[tilespmem:s20+$0x128A0] =	vst v17;
	v17 =	vmul.f32 v57, v59  }
0x157: {  	v32 =	vld [tilespmem:s20+$0x10130];
	[tilespmem:s20+$0x128B0] =	vst v19;
	v19 =	vmul.f32 v58, v59  }
0x158: {  	v33 =	vld [tilespmem:s20+$0x10140];
	[tilespmem:s20+$0x128C0] =	vst v17;
	v17 =	vmul.f32 v60, v30  }
0x159: {  	v34 =	vld [tilespmem:s20+$0x10150];
	[tilespmem:s20+$0x128D0] =	vst v19;
	v19 =	vmul.f32 v61, v30  }
0x15a: {  	v35 =	vperm.xlane v18, v11;
	v36 =	vld [tilespmem:s20+$0x10160];
	[tilespmem:s20+$0x128E0] =	vst v17;
	v17 =	vmul.f32 v62, v30  }
0x15b: {  	v37 =	vld [tilespmem:s20+$0x10170];
	[tilespmem:s20+$0x128F0] =	vst v19;
	v19 =	vmul.f32 v63, v30  }
0x15c: {  	v38 =	vld [tilespmem:s20+$0x10180];
	[tilespmem:s20+$0x12900] =	vst v17;
	v17 =	vmul.f32 v31, v35  }
0x15d: {  	v39 =	vld [tilespmem:s20+$0x10190];
	[tilespmem:s20+$0x12910] =	vst v19;
	v19 =	vmul.f32 v32, v35  }
0x15e: {  	v40 =	vperm.xlane v18, v12;
	v41 =	vld [tilespmem:s20+$0x101A0];
	[tilespmem:s20+$0x12920] =	vst v17;
	v17 =	vmul.f32 v33, v35  }
0x15f: {  	v42 =	vld [tilespmem:s20+$0x101B0];
	[tilespmem:s20+$0x12930] =	vst v19;
	v19 =	vmul.f32 v34, v35  }
0x160: {  	v43 =	vld [tilespmem:s20+$0x101C0];
	[tilespmem:s20+$0x12940] =	vst v17;
	v17 =	vmul.f32 v36, v40  }
0x161: {  	s21 =	sor.u32 $0x10, s15;
	v44 =	vld [tilespmem:s20+$0x101D0];
	[tilespmem:s20+$0x12950] =	vst v19;
	v19 =	vmul.f32 v37, v40  }
0x162: {  	v25 =	vmul.f32 v38, v40;
	v45 =	vperm.xlane v18, v13;
	[tilespmem:s20+$0x12960] =	vst v17;
	v17 =	vld.idx.msk [tilespmem:v16+s21+$0x0 ss:$0x1], $0xffff  }
0x163: {  	s4 =	sshll.u32 s21, $0x6;
	v46 =	vld [tilespmem:s20+$0x101E0];
	[tilespmem:s20+$0x12970] =	vst v19;
	v19 =	vmul.f32 v39, v40  }
0x164: {  	[tilespmem:s20+$0x12980] =	vst v25;
	v47 =	vmul.f32 v41, v45;
	v48 =	vld [tilespmem:s4+$0xFE60]  }
0x165: {  	v49 =	vld [tilespmem:s4+$0xFE70];
	[tilespmem:s20+$0x12990] =	vst v19;
	v19 =	vmul.f32 v42, v45  }
0x166: {  	[tilespmem:s20+$0x129A0] =	vst v47;
	v50 =	vmul.f32 v43, v45;
	v51 =	vperm.xlane v18, v14;
	v52 =	vld [tilespmem:s4+$0xFE80]  }
0x167: {  	v54 =	vld [tilespmem:s4+$0xFE90];
	[tilespmem:s20+$0x129B0] =	vst v19;
	v19 =	vmul.f32 v44, v45;
	v53 =	vperm.xlane v17, v0  }
0x168: {  	[tilespmem:s20+$0x129C0] =	vst v50;
	v21 =	vmul.f32 v46, v51;
	v55 =	vld [tilespmem:s20+$0x101F0]  }
0x169: {  	[tilespmem:s20+$0x129D0] =	vst v19;
	v19 =	vld [tilespmem:s20+$0x10200];
	v25 =	vmul.f32 v48, v53  }
0x16a: {  	[tilespmem:s20+$0x129E0] =	vst v21;
	v56 =	vld [tilespmem:s20+$0x10210];
	v23 =	vmul.f32 v49, v53  }
0x16b: {  	v57 =	vld [tilespmem:s20+$0x10220];
	v26 =	vmul.f32 v52, v53;
	[tilespmem:s4+$0x12660] =	vst v25  }
0x16c: {  	v58 =	vld [tilespmem:s20+$0x10230];
	v20 =	vmul.f32 v54, v53;
	[tilespmem:s4+$0x12670] =	vst v23  }
0x16d: {  	v59 =	vld [tilespmem:s20+$0x10240];
	v22 =	vmul.f32 v55, v51;
	[tilespmem:s4+$0x12680] =	vst v26  }
0x16e: {  	v18 =	vperm.xlane v18, v15;
	v60 =	vld [tilespmem:s20+$0x10250];
	[tilespmem:s4+$0x12690] =	vst v20;
	v19 =	vmul.f32 v19, v51  }
0x16f: {  	v21 =	vmul.f32 v56, v51;
	[tilespmem:s20+$0x129F0] =	vst v22;
	v61 =	vld [tilespmem:s20+$0x102A0]  }
0x170: {  	v62 =	vld [tilespmem:s20+$0x102B0];
	[tilespmem:s20+$0x12A00] =	vst v19;
	v19 =	vmul.f32 v57, v18  }
0x171: {  	[tilespmem:s20+$0x12A10] =	vst v21;
	v63 =	vmul.f32 v58, v18;
	v28 =	vld [tilespmem:s20+$0x102C0]  }
0x172: {  	v29 =	vperm.xlane v17, v1;
	v30 =	vld [tilespmem:s20+$0x102D0];
	[tilespmem:s20+$0x12A20] =	vst v19;
	v19 =	vmul.f32 v59, v18  }
0x173: {  	[tilespmem:s20+$0x12A30] =	vst v63;
	v31 =	vld [tilespmem:s20+$0x102E0];
	v18 =	vmul.f32 v60, v18  }
0x174: {  	v32 =	vld [tilespmem:s20+$0x102F0];
	[tilespmem:s20+$0x12A40] =	vst v19;
	v19 =	vmul.f32 v61, v29  }
0x175: {  	v33 =	vld [tilespmem:s20+$0x10300];
	[tilespmem:s20+$0x12A50] =	vst v18;
	v18 =	vmul.f32 v62, v29  }
0x176: {  	v34 =	vperm.xlane v17, v2;
	v35 =	vld [tilespmem:s20+$0x10310];
	[tilespmem:s20+$0x12AA0] =	vst v19;
	v19 =	vmul.f32 v28, v29  }
0x177: {  	v36 =	vld [tilespmem:s20+$0x10320];
	[tilespmem:s20+$0x12AB0] =	vst v18;
	v18 =	vmul.f32 v30, v29  }
0x178: {  	v37 =	vld [tilespmem:s20+$0x10330];
	[tilespmem:s20+$0x12AC0] =	vst v19;
	v19 =	vmul.f32 v31, v34  }
0x179: {  	v38 =	vld [tilespmem:s20+$0x10340];
	[tilespmem:s20+$0x12AD0] =	vst v18;
	v18 =	vmul.f32 v32, v34  }
0x17a: {  	v39 =	vperm.xlane v17, v3;
	v40 =	vld [tilespmem:s20+$0x10350];
	[tilespmem:s20+$0x12AE0] =	vst v19;
	v19 =	vmul.f32 v33, v34  }
0x17b: {  	v41 =	vld [tilespmem:s20+$0x10360];
	[tilespmem:s20+$0x12AF0] =	vst v18;
	v18 =	vmul.f32 v35, v34  }
0x17c: {  	v42 =	vld [tilespmem:s20+$0x10370];
	[tilespmem:s20+$0x12B00] =	vst v19;
	v19 =	vmul.f32 v36, v39  }
0x17d: {  	v43 =	vld [tilespmem:s20+$0x10380];
	[tilespmem:s20+$0x12B10] =	vst v18;
	v18 =	vmul.f32 v37, v39  }
0x17e: {  	v44 =	vperm.xlane v17, v4;
	v45 =	vld [tilespmem:s20+$0x10390];
	[tilespmem:s20+$0x12B20] =	vst v19;
	v19 =	vmul.f32 v38, v39  }
0x17f: {  	v46 =	vld [tilespmem:s20+$0x103A0];
	[tilespmem:s20+$0x12B30] =	vst v18;
	v18 =	vmul.f32 v40, v39  }
0x180: {  	v47 =	vld [tilespmem:s20+$0x103B0];
	[tilespmem:s20+$0x12B40] =	vst v19;
	v19 =	vmul.f32 v41, v44  }
0x181: {  	v48 =	vld [tilespmem:s20+$0x103C0];
	[tilespmem:s20+$0x12B50] =	vst v18;
	v18 =	vmul.f32 v42, v44  }
0x182: {  	v49 =	vperm.xlane v17, v5;
	v50 =	vld [tilespmem:s20+$0x103D0];
	[tilespmem:s20+$0x12B60] =	vst v19;
	v19 =	vmul.f32 v43, v44  }
0x183: {  	v51 =	vld [tilespmem:s20+$0x103E0];
	[tilespmem:s20+$0x12B70] =	vst v18;
	v18 =	vmul.f32 v45, v44  }
0x184: {  	v52 =	vld [tilespmem:s20+$0x103F0];
	[tilespmem:s20+$0x12B80] =	vst v19;
	v19 =	vmul.f32 v46, v49  }
0x185: {  	v53 =	vld [tilespmem:s20+$0x10400];
	[tilespmem:s20+$0x12B90] =	vst v18;
	v18 =	vmul.f32 v47, v49  }
0x186: {  	v54 =	vperm.xlane v17, v6;
	v55 =	vld [tilespmem:s20+$0x10410];
	[tilespmem:s20+$0x12BA0] =	vst v19;
	v19 =	vmul.f32 v48, v49  }
0x187: {  	v56 =	vld [tilespmem:s20+$0x10420];
	[tilespmem:s20+$0x12BB0] =	vst v18;
	v18 =	vmul.f32 v50, v49  }
0x188: {  	v57 =	vld [tilespmem:s20+$0x10430];
	[tilespmem:s20+$0x12BC0] =	vst v19;
	v19 =	vmul.f32 v51, v54  }
0x189: {  	v58 =	vld [tilespmem:s20+$0x10440];
	[tilespmem:s20+$0x12BD0] =	vst v18;
	v18 =	vmul.f32 v52, v54  }
0x18a: {  	v59 =	vperm.xlane v17, v7;
	v60 =	vld [tilespmem:s20+$0x10450];
	[tilespmem:s20+$0x12BE0] =	vst v19;
	v19 =	vmul.f32 v53, v54  }
0x18b: {  	v61 =	vld [tilespmem:s20+$0x10460];
	[tilespmem:s20+$0x12BF0] =	vst v18;
	v18 =	vmul.f32 v55, v54  }
0x18c: {  	v62 =	vld [tilespmem:s20+$0x10470];
	[tilespmem:s20+$0x12C00] =	vst v19;
	v19 =	vmul.f32 v56, v59  }
0x18d: {  	v63 =	vld [tilespmem:s20+$0x10480];
	[tilespmem:s20+$0x12C10] =	vst v18;
	v18 =	vmul.f32 v57, v59  }
0x18e: {  	v28 =	vperm.xlane v17, v8;
	v29 =	vld [tilespmem:s20+$0x10490];
	[tilespmem:s20+$0x12C20] =	vst v19;
	v19 =	vmul.f32 v58, v59  }
0x18f: {  	v30 =	vld [tilespmem:s20+$0x104A0];
	[tilespmem:s20+$0x12C30] =	vst v18;
	v18 =	vmul.f32 v60, v59  }
0x190: {  	v31 =	vld [tilespmem:s20+$0x104B0];
	[tilespmem:s20+$0x12C40] =	vst v19;
	v19 =	vmul.f32 v61, v28  }
0x191: {  	v32 =	vld [tilespmem:s20+$0x104C0];
	[tilespmem:s20+$0x12C50] =	vst v18;
	v18 =	vmul.f32 v62, v28  }
0x192: {  	v33 =	vperm.xlane v17, v9;
	v34 =	vld [tilespmem:s20+$0x104D0];
	[tilespmem:s20+$0x12C60] =	vst v19;
	v19 =	vmul.f32 v63, v28  }
0x193: {  	v35 =	vld [tilespmem:s20+$0x104E0];
	[tilespmem:s20+$0x12C70] =	vst v18;
	v18 =	vmul.f32 v29, v28  }
0x194: {  	v36 =	vld [tilespmem:s20+$0x104F0];
	[tilespmem:s20+$0x12C80] =	vst v19;
	v19 =	vmul.f32 v30, v33  }
0x195: {  	v37 =	vld [tilespmem:s20+$0x10500];
	[tilespmem:s20+$0x12C90] =	vst v18;
	v18 =	vmul.f32 v31, v33  }
0x196: {  	v38 =	vperm.xlane v17, v10;
	v39 =	vld [tilespmem:s20+$0x10510];
	[tilespmem:s20+$0x12CA0] =	vst v19;
	v19 =	vmul.f32 v32, v33  }
0x197: {  	v40 =	vld [tilespmem:s20+$0x10520];
	[tilespmem:s20+$0x12CB0] =	vst v18;
	v18 =	vmul.f32 v34, v33  }
0x198: {  	v41 =	vld [tilespmem:s20+$0x10530];
	[tilespmem:s20+$0x12CC0] =	vst v19;
	v19 =	vmul.f32 v35, v38  }
0x199: {  	v42 =	vld [tilespmem:s20+$0x10540];
	[tilespmem:s20+$0x12CD0] =	vst v18;
	v18 =	vmul.f32 v36, v38  }
0x19a: {  	v43 =	vperm.xlane v17, v11;
	v44 =	vld [tilespmem:s20+$0x10550];
	[tilespmem:s20+$0x12CE0] =	vst v19;
	v19 =	vmul.f32 v37, v38  }
0x19b: {  	v45 =	vld [tilespmem:s20+$0x10560];
	[tilespmem:s20+$0x12CF0] =	vst v18;
	v18 =	vmul.f32 v39, v38  }
0x19c: {  	v46 =	vld [tilespmem:s20+$0x10570];
	[tilespmem:s20+$0x12D00] =	vst v19;
	v19 =	vmul.f32 v40, v43  }
0x19d: {  	v47 =	vld [tilespmem:s20+$0x10580];
	[tilespmem:s20+$0x12D10] =	vst v18;
	v18 =	vmul.f32 v41, v43  }
0x19e: {  	v48 =	vperm.xlane v17, v12;
	v49 =	vld [tilespmem:s20+$0x10590];
	[tilespmem:s20+$0x12D20] =	vst v19;
	v19 =	vmul.f32 v42, v43  }
0x19f: {  	v50 =	vld [tilespmem:s20+$0x105A0];
	[tilespmem:s20+$0x12D30] =	vst v18;
	v18 =	vmul.f32 v44, v43  }
0x1a0: {  	v51 =	vld [tilespmem:s20+$0x105B0];
	[tilespmem:s20+$0x12D40] =	vst v19;
	v19 =	vmul.f32 v45, v48  }
0x1a1: {  	v52 =	vld [tilespmem:s20+$0x105C0];
	[tilespmem:s20+$0x12D50] =	vst v18;
	v18 =	vmul.f32 v46, v48  }
0x1a2: {  	v53 =	vperm.xlane v17, v13;
	v54 =	vld [tilespmem:s20+$0x105D0];
	[tilespmem:s20+$0x12D60] =	vst v19;
	v19 =	vmul.f32 v47, v48  }
0x1a3: {  	v55 =	vld [tilespmem:s20+$0x105E0];
	[tilespmem:s20+$0x12D70] =	vst v18;
	v18 =	vmul.f32 v49, v48  }
0x1a4: {  	v56 =	vld [tilespmem:s20+$0x105F0];
	[tilespmem:s20+$0x12D80] =	vst v19;
	v19 =	vmul.f32 v50, v53  }
0x1a5: {  	v57 =	vld [tilespmem:s20+$0x10600];
	[tilespmem:s20+$0x12D90] =	vst v18;
	v18 =	vmul.f32 v51, v53  }
0x1a6: {  	v58 =	vperm.xlane v17, v14;
	v59 =	vld [tilespmem:s20+$0x10610];
	[tilespmem:s20+$0x12DA0] =	vst v19;
	v19 =	vmul.f32 v52, v53  }
0x1a7: {  	v60 =	vld [tilespmem:s20+$0x10620];
	[tilespmem:s20+$0x12DB0] =	vst v18;
	v18 =	vmul.f32 v54, v53  }
0x1a8: {  	v61 =	vld [tilespmem:s20+$0x10630];
	[tilespmem:s20+$0x12DC0] =	vst v19;
	v19 =	vmul.f32 v55, v58  }
0x1a9: {  	v62 =	vld [tilespmem:s20+$0x10640];
	[tilespmem:s20+$0x12DD0] =	vst v18;
	v18 =	vmul.f32 v56, v58  }
0x1aa: {  	v17 =	vperm.xlane v17, v15;
	v63 =	vld [tilespmem:s20+$0x10650];
	[tilespmem:s20+$0x12DE0] =	vst v19;
	v19 =	vmul.f32 v57, v58  }
0x1ab: {  	[tilespmem:s20+$0x12DF0] =	vst v18;
	v18 =	vmul.f32 v59, v58  }
0x1ac: {  	p3 =	por p1, p1;
	[tilespmem:s20+$0x12E00] =	vst v19;
	v19 =	vmul.f32 v60, v17  }
.Ltmp3:
0x1ad: {  	[tilespmem:s20+$0x12E10] =	vst v18;
	v18 =	vmul.f32 v61, v17;
	(pc) =	sbr.rel @p3 .LBB2_5-.Ltmp3, $4  }
0x1ae: {  	[tilespmem:s20+$0x12E20] =	vst v19;
	v19 =	vmul.f32 v62, v17  }
0x1af: {  	[tilespmem:s20+$0x12E30] =	vst v18;
	v17 =	vmul.f32 v63, v17  }
0x1b0: {  	[tilespmem:s20+$0x12E40] =	vst v19  }
0x1b1: {  	p1 =	por $0x0, $0x0;
	[tilespmem:s20+$0x12E50] =	vst v17;
	s20 =	simm.s32 $0x2  }
0x1b2: {  	s16 =	smul.u32 $0x50, s16;
	_ =	sdelay $0x1  }
0x1b3: {  	v16 =	vld [tilespmem:s16+$0x9C80];
	_ =	sdelay $0x1  }
0x1b4: {  	v17 =	vld [tilespmem:$0x10E60]  }
0x1b5: {  	v18 =	vld [tilespmem:$0x10E70]  }
0x1b6: {  	v19 =	vld [tilespmem:$0x10E80]  }
0x1b7: {  	v21 =	vld [tilespmem:$0x10E90];
	v20 =	vperm.xlane v16, v0  }
0x1b8: {  	v22 =	vld [tilespmem:$0x10EA0]  }
0x1b9: {  	v23 =	vld [tilespmem:$0x10EB0];
	v17 =	vmul.f32 v17, v20  }
0x1ba: {  	v24 =	vld [tilespmem:$0x10EC0];
	v18 =	vmul.f32 v18, v20  }
0x1bb: {  	v25 =	vld [tilespmem:$0x10ED0];
	v36 =	vperm.xlane v16, v1;
	[tilespmem:$0x13660] =	vst v17;
	v17 =	vmul.f32 v19, v20  }
0x1bc: {  	v38 =	vld [tilespmem:$0x10EE0];
	v37 =	vmul.f32 v21, v20;
	[tilespmem:$0x13670] =	vst v18  }
0x1bd: {  	v39 =	vld [tilespmem:$0x10EF0];
	[tilespmem:$0x13680] =	vst v17;
	v17 =	vmul.f32 v22, v36  }
0x1be: {  	v41 =	vld [tilespmem:$0x10F00];
	v40 =	vmul.f32 v23, v36;
	[tilespmem:$0x13690] =	vst v37  }
0x1bf: {  	v43 =	vld [tilespmem:$0x10F10];
	v42 =	vperm.xlane v16, v2;
	[tilespmem:$0x136A0] =	vst v17;
	v17 =	vmul.f32 v24, v36  }
0x1c0: {  	v45 =	vld [tilespmem:$0x10F20];
	v44 =	vmul.f32 v25, v36;
	[tilespmem:$0x136B0] =	vst v40  }
0x1c1: {  	v46 =	vld [tilespmem:$0x10F30];
	[tilespmem:$0x136C0] =	vst v17;
	v17 =	vmul.f32 v38, v42  }
0x1c2: {  	v48 =	vld [tilespmem:$0x10F40];
	v47 =	vmul.f32 v39, v42;
	[tilespmem:$0x136D0] =	vst v44  }
0x1c3: {  	v50 =	vld [tilespmem:$0x10F50];
	v49 =	vperm.xlane v16, v3;
	[tilespmem:$0x136E0] =	vst v17;
	v17 =	vmul.f32 v41, v42  }
0x1c4: {  	v52 =	vld [tilespmem:$0x10F60];
	v51 =	vmul.f32 v43, v42;
	[tilespmem:$0x136F0] =	vst v47  }
0x1c5: {  	v53 =	vld [tilespmem:$0x10F70];
	[tilespmem:$0x13700] =	vst v17;
	v17 =	vmul.f32 v45, v49  }
0x1c6: {  	v55 =	vld [tilespmem:$0x10F80];
	v54 =	vmul.f32 v46, v49;
	[tilespmem:$0x13710] =	vst v51  }
0x1c7: {  	v57 =	vld [tilespmem:$0x10F90];
	v56 =	vperm.xlane v16, v4;
	[tilespmem:$0x13720] =	vst v17;
	v17 =	vmul.f32 v48, v49  }
0x1c8: {  	v59 =	vld [tilespmem:$0x10FA0];
	v58 =	vmul.f32 v50, v49;
	[tilespmem:$0x13730] =	vst v54  }
0x1c9: {  	v60 =	vld [tilespmem:$0x10FB0];
	[tilespmem:$0x13740] =	vst v17;
	v17 =	vmul.f32 v52, v56  }
0x1ca: {  	v62 =	vld [tilespmem:$0x10FC0];
	v61 =	vmul.f32 v53, v56;
	[tilespmem:$0x13750] =	vst v58  }
0x1cb: {  	v31 =	vld [tilespmem:$0x10FF0];
	v63 =	vperm.xlane v16, v5;
	[tilespmem:$0x13760] =	vst v17;
	v17 =	vmul.f32 v55, v56  }
0x1cc: {  	v30 =	vld [tilespmem:$0x10FE0];
	v29 =	vmul.f32 v57, v56;
	[tilespmem:$0x13770] =	vst v61  }
0x1cd: {  	v35 =	vld [tilespmem:$0x11010];
	[tilespmem:$0x13780] =	vst v17;
	v17 =	vmul.f32 v59, v63  }
0x1ce: {  	v33 =	vld [tilespmem:$0x11000];
	v34 =	vperm.xlane v16, v6;
	v32 =	vmul.f32 v60, v63;
	[tilespmem:$0x13790] =	vst v29  }
0x1cf: {  	v28 =	vld [tilespmem:$0x10FD0];
	[tilespmem:$0x137A0] =	vst v17;
	v17 =	vmul.f32 v62, v63  }
0x1d0: {  	v39 =	vmul.f32 v31, v34;
	[tilespmem:$0x137B0] =	vst v32;
	v37 =	vld [tilespmem:$0x11020]  }
0x1d1: {  	v38 =	vld [tilespmem:$0x11030];
	[tilespmem:$0x137C0] =	vst v17;
	v17 =	vmul.f32 v30, v34  }
0x1d2: {  	v43 =	vmul.f32 v35, v34;
	v40 =	vld [tilespmem:$0x11040];
	[tilespmem:$0x137F0] =	vst v39  }
0x1d3: {  	v41 =	vperm.xlane v16, v7;
	v42 =	vld [tilespmem:$0x11050];
	[tilespmem:$0x137E0] =	vst v17;
	v17 =	vmul.f32 v33, v34  }
0x1d4: {  	v44 =	vld [tilespmem:$0x11060];
	[tilespmem:$0x13810] =	vst v43;
	v36 =	vmul.f32 v28, v63  }
0x1d5: {  	v45 =	vld [tilespmem:$0x11070];
	[tilespmem:$0x13800] =	vst v17;
	v17 =	vmul.f32 v37, v41  }
0x1d6: {  	v47 =	vld [tilespmem:$0x11080];
	[tilespmem:$0x137D0] =	vst v36;
	v46 =	vmul.f32 v38, v41  }
0x1d7: {  	v48 =	vperm.xlane v16, v8;
	v49 =	vld [tilespmem:$0x11090];
	[tilespmem:$0x13820] =	vst v17;
	v17 =	vmul.f32 v40, v41  }
0x1d8: {  	v51 =	vld [tilespmem:$0x110A0];
	[tilespmem:$0x13830] =	vst v46;
	v50 =	vmul.f32 v42, v41  }
0x1d9: {  	v52 =	vld [tilespmem:$0x110B0];
	[tilespmem:$0x13840] =	vst v17;
	v17 =	vmul.f32 v44, v48  }
0x1da: {  	v54 =	vld [tilespmem:$0x110C0];
	[tilespmem:$0x13850] =	vst v50;
	v53 =	vmul.f32 v45, v48  }
0x1db: {  	v55 =	vperm.xlane v16, v9;
	v56 =	vld [tilespmem:$0x110D0];
	[tilespmem:$0x13860] =	vst v17;
	v17 =	vmul.f32 v47, v48  }
0x1dc: {  	v58 =	vld [tilespmem:$0x110E0];
	[tilespmem:$0x13870] =	vst v53;
	v57 =	vmul.f32 v49, v48  }
0x1dd: {  	v59 =	vld [tilespmem:$0x110F0];
	[tilespmem:$0x13880] =	vst v17;
	v17 =	vmul.f32 v51, v55  }
0x1de: {  	v61 =	vld [tilespmem:$0x11100];
	[tilespmem:$0x13890] =	vst v57;
	v60 =	vmul.f32 v52, v55  }
0x1df: {  	v62 =	vperm.xlane v16, v10;
	v63 =	vld [tilespmem:$0x11110];
	[tilespmem:$0x138A0] =	vst v17;
	v17 =	vmul.f32 v54, v55  }
0x1e0: {  	v29 =	vld [tilespmem:$0x11120];
	[tilespmem:$0x138B0] =	vst v60;
	v28 =	vmul.f32 v56, v55  }
0x1e1: {  	v30 =	vld [tilespmem:$0x11130];
	[tilespmem:$0x138C0] =	vst v17;
	v17 =	vmul.f32 v58, v62  }
0x1e2: {  	v32 =	vld [tilespmem:$0x11140];
	[tilespmem:$0x138D0] =	vst v28;
	v31 =	vmul.f32 v59, v62  }
0x1e3: {  	v33 =	vperm.xlane v16, v11;
	v34 =	vld [tilespmem:$0x11150];
	[tilespmem:$0x138E0] =	vst v17;
	v17 =	vmul.f32 v61, v62  }
0x1e4: {  	v36 =	vld [tilespmem:$0x11160];
	[tilespmem:$0x138F0] =	vst v31;
	v35 =	vmul.f32 v63, v62  }
0x1e5: {  	v37 =	vld [tilespmem:$0x11170];
	[tilespmem:$0x13900] =	vst v17;
	v17 =	vmul.f32 v29, v33  }
0x1e6: {  	v39 =	vld [tilespmem:$0x11180];
	[tilespmem:$0x13910] =	vst v35;
	v38 =	vmul.f32 v30, v33  }
0x1e7: {  	v40 =	vperm.xlane v16, v12;
	v41 =	vld [tilespmem:$0x11190];
	[tilespmem:$0x13920] =	vst v17;
	v17 =	vmul.f32 v32, v33  }
0x1e8: {  	v43 =	vld [tilespmem:$0x111A0];
	[tilespmem:$0x13930] =	vst v38;
	v42 =	vmul.f32 v34, v33  }
0x1e9: {  	v44 =	vld [tilespmem:$0x111B0];
	[tilespmem:$0x13940] =	vst v17;
	v17 =	vmul.f32 v36, v40  }
0x1ea: {  	v46 =	vld [tilespmem:$0x111C0];
	[tilespmem:$0x13950] =	vst v42;
	v45 =	vmul.f32 v37, v40  }
0x1eb: {  	v47 =	vperm.xlane v16, v13;
	v48 =	vld [tilespmem:$0x111D0];
	[tilespmem:$0x13960] =	vst v17;
	v17 =	vmul.f32 v39, v40  }
0x1ec: {  	v50 =	vld [tilespmem:$0x111E0];
	[tilespmem:$0x13970] =	vst v45;
	v49 =	vmul.f32 v41, v40  }
0x1ed: {  	v51 =	vld [tilespmem:$0x111F0];
	[tilespmem:$0x13980] =	vst v17;
	v17 =	vmul.f32 v43, v47  }
0x1ee: {  	v53 =	vld [tilespmem:$0x11200];
	[tilespmem:$0x13990] =	vst v49;
	v52 =	vmul.f32 v44, v47  }
0x1ef: {  	v54 =	vperm.xlane v16, v14;
	v55 =	vld [tilespmem:$0x11210];
	[tilespmem:$0x139A0] =	vst v17;
	v17 =	vmul.f32 v46, v47  }
0x1f0: {  	v57 =	vld [tilespmem:$0x11220];
	[tilespmem:$0x139B0] =	vst v52;
	v56 =	vmul.f32 v48, v47  }
0x1f1: {  	v58 =	vld [tilespmem:$0x11230];
	[tilespmem:$0x139C0] =	vst v17;
	v17 =	vmul.f32 v50, v54  }
0x1f2: {  	v60 =	vld [tilespmem:$0x11240];
	[tilespmem:$0x139D0] =	vst v56;
	v59 =	vmul.f32 v51, v54  }
0x1f3: {  	v16 =	vperm.xlane v16, v15;
	v61 =	vld [tilespmem:$0x11250];
	[tilespmem:$0x139E0] =	vst v17;
	v17 =	vmul.f32 v53, v54  }
0x1f4: {  	[tilespmem:$0x139F0] =	vst v59;
	v62 =	vmul.f32 v55, v54  }
0x1f5: {  	[tilespmem:$0x13A00] =	vst v17;
	v17 =	vmul.f32 v57, v16  }
.Ltmp4:
0x1f6: {  	[tilespmem:$0x13A10] =	vst v62;
	v63 =	vmul.f32 v58, v16;
	(pc) =	sbr.rel @p2 .LBB2_8-.Ltmp4, $4  }
0x1f7: {  	[tilespmem:$0x13A20] =	vst v17;
	v17 =	vmul.f32 v60, v16  }
0x1f8: {  	[tilespmem:$0x13A30] =	vst v63;
	v16 =	vmul.f32 v61, v16  }
0x1f9: {  	[tilespmem:$0x13A40] =	vst v17  }
0x1fa: {  	[tilespmem:$0x13A50] =	vst v16  }
.Ltmp5:
0x1fb: {  	(pc) =	sbr.rel .LBB2_2-.Ltmp5, $4  }
0x1fc: {  	s1 =	sadd.s32 $0x4F10, s1  }
0x1fd: {  	[tilespmem:s22], [sflag:$0x2] =	stream.indirect.gather [hbm4b:s10+s19], $0x40, s1, s19, $0xb8;
	[tilespmem:$0x1D6A0] =	vst v63  }
0x1fe: {  	s0 =	sadd.s32 $0x1, s0  }
0x1ff: {  	[spmem:s2] =	stream.indirect.scatter.add.f32 [tilespmem:s28], [sflag:$0x4], $0x40, s16, s19, $0xb8;
	[tilespmem:$0x1D6A0] =	vst v63  }
.LBB2_9:
0x200: {  	_ =	sfence.sel $0x180000  }
0x201: {  	[bflag:$0x0] =	sbarrier.arrive $0xFFFF  }
0x202: {  	_ =	strace $0x90000047  }
0x203: {  	s0 =	stileid.u32;
	[bflag:$0x2] =	sbarrier.arrive $0xFFFF  }
0x204: {  	p0 =	sne.s32 s0, $0x0;
	s0 =	rddreg [dreg:$0x4]  }
0x205: {  	s0 =	sadd.s32 @!p0 $0x100000, s0  }
0x206: {  	[sflag:s0] =	ssyncadd.tile.s32 @!p0 $0x1;
	_ =	shalt  }
.Lfunc_end2:
_tile_overlayer_lowered:
.L_overlay_start_2:
0x207: {  	(tag) =	ssettag $0x2  }
0x208: {  	s0 =	rddreg [dreg:$0x0];
	s2 =	stileid.u32  }
0x209: {  	s1 =	rddreg [dreg:$0x1];
	p0 =	sne.s32 s2, $0x0  }
0x20a: {  	s3 =	rddreg [dreg:$0x2];
	[bflag:$0x3] =	sbarrier.arrive $0xFFFF;
	s2 =	simm.s32 @!p0 $0x1C05  }
0x20b: {  	[timem:s3], [sflag:s2] =	dma.local @!p0 [hbm:s0], s1  }
0x20c: {  	s0 =	simm.s32 @!p0 $0x5  }
0x20d: {  	_ =	swait.ge @!p0 [sflag:s0], s1  }
0x20e: {  	s1 =	ssub.s32 @!p0 $0x0, s1;
	[sflag:s0] =	ssyncset.done @!p0 $0x0  }
0x20f: {  	[sflag:s0] =	ssyncadd.s32 @!p0 s1  }
0x210: {  	[bflag:$0x3] =	sbarrier.arrive $0xFFFF  }
0x211: {  	_ =	shalt  }

</sc_bundles>
